<compile_context>
chip_gen: v7x
topology: tpu7x:2x2x1
jax: 0.10.2.dev20260603
libtpu: 0.0.44.dev20260713+nightly
codegen_flags: <defaults>
</compile_context>

<pallas_src>
import functools

import jax
import jax.numpy as jnp
from jax import lax
from jax.experimental import pallas as pl
from jax.experimental.pallas import tpu as pltpu, tpu_sc as plsc

M = 262144
D = 128
B = 16384
GAMMA = 0.99

NC = 2
NS = 16
NW = NC * NS
BW = B // NW
MW = M // NW
L = 16
CH = 128
NCH = BW // CH
HALF = BW // 2
CAP = HALF + L

_mesh = plsc.VectorSubcoreMesh(core_axis_name="c", subcore_axis_name="s")
_cparams = pltpu.CompilerParams(needs_layout_passes=False)


def _wid():
    return lax.axis_index("s") * NC + lax.axis_index("c")


@functools.partial(
    pl.kernel,
    out_type=(
        jax.ShapeDtypeStruct((M,), jnp.int32),
        jax.ShapeDtypeStruct((B,), jnp.float32),
    ),
    mesh=_mesh,
    compiler_params=_cparams,
    scratch_types=[
        pltpu.VMEM((B,), jnp.int32),
        pltpu.VMEM((MW,), jnp.int32),
        pltpu.VMEM((BW * 3,), jnp.float32),
        pltpu.VMEM((BW,), jnp.float32),
    ],
)
def _build(widx_hbm, rs_hbm, pos_hbm, r_hbm,
           widx_v, tab_v, rs_v, rv_v):
    wid = _wid()
    base_m = wid * MW
    base_b = wid * BW
    iota = lax.iota(jnp.int32, L)

    neg16 = jnp.full((L,), -1, jnp.int32)

    def memset(i, carry):
        for u in range(8):
            tab_v[pl.ds(i * 8 * L + u * L, L)] = neg16
        return carry
    lax.fori_loop(0, MW // (8 * L), memset, 0)

    pltpu.sync_copy(widx_hbm, widx_v)

    def scan(k2, carry):
        for u in range(2):
            k = k2 * 2 + u
            idx = widx_v[pl.ds(k * L, L)]
            off = idx - base_m
            inr = (off >= 0) & (off < MW)
            offc = jnp.where(inr, off, 0)
            jv = iota + k * L
            plsc.store_scatter(tab_v, [offc], jv, mask=inr)
            g = plsc.load_gather(tab_v, [offc], mask=inr)
            need = inr & (jv > g)
            cnt = plsc.all_reduce_population_count(need)[0]

            def wcond(c):
                return c > 0

            def wbody(c, offc=offc, inr=inr, jv=jv):
                g2 = plsc.load_gather(tab_v, [offc], mask=inr)
                need2 = inr & (jv > g2)
                plsc.store_scatter(tab_v, [offc], jv, mask=need2)
                g3 = plsc.load_gather(tab_v, [offc], mask=inr)
                need3 = inr & (jv > g3)
                return plsc.all_reduce_population_count(need3)[0]

            @pl.when(cnt > 0)
            def _fix(wcond=wcond, wbody=wbody, cnt=cnt):
                lax.while_loop(wcond, wbody, cnt)
        return carry
    lax.fori_loop(0, B // (2 * L), scan, 0)

    pltpu.sync_copy(tab_v, pos_hbm.at[pl.ds(base_m, MW)])

    pltpu.sync_copy(rs_hbm.at[pl.ds(base_b * 3, BW * 3)], rs_v)
    g1 = jnp.float32(GAMMA)
    g2c = jnp.float32(GAMMA * GAMMA)

    def rcomp(i, carry):
        rows3 = (iota + i * L) * 3
        c0 = plsc.load_gather(rs_v, [rows3])
        c1 = plsc.load_gather(rs_v, [rows3 + 1])
        c2 = plsc.load_gather(rs_v, [rows3 + 2])
        rv_v[pl.ds(i * L, L)] = c0 + g1 * c1 + g2c * c2
        return carry
    lax.fori_loop(0, BW // L, rcomp, 0)
    pltpu.sync_copy(rv_v, r_hbm.at[pl.ds(base_b, BW)])


@functools.partial(
    pl.kernel,
    out_type=(
        jax.ShapeDtypeStruct((B, D), jnp.float32),
        jax.ShapeDtypeStruct((B,), jnp.int32),
        jax.ShapeDtypeStruct((B, D), jnp.float32),
        jax.ShapeDtypeStruct((B,), jnp.float32),
    ),
    mesh=_mesh,
    compiler_params=_cparams,
    scratch_types=[
        pltpu.VMEM((BW,), jnp.int32),
        pltpu.VMEM((BW,), jnp.int32),
        pltpu.VMEM((BW,), jnp.int32),
        pltpu.VMEM((BW,), jnp.float32),
        pltpu.VMEM((BW,), jnp.int32),
        pltpu.VMEM((BW,), jnp.float32),
        pltpu.VMEM((CAP,), jnp.int32),
        pltpu.VMEM((CAP,), jnp.int32),
        pltpu.VMEM((CAP, D), jnp.float32),
        pltpu.VMEM((HALF, D), jnp.float32),
        pltpu.SemaphoreType.DMA,
        pltpu.SemaphoreType.DMA,
    ],
)
def _sample(pos_hbm, sidx_hbm, state_hbm, nstate_hbm, act_hbm, rfull_hbm,
            s_out, a_out, ns_out, r_out,
            sidx_v, p_v, pc_v, mf_v, av_v, rv_v,
            cpc_v, cslot_v, crows_v, stage_v, sem, sem2):
    wid = _wid()
    base_b = wid * BW
    iota = lax.iota(jnp.int32, L)
    zf16 = jnp.zeros((L,), jnp.float32)

    pltpu.sync_copy(sidx_hbm.at[pl.ds(base_b, BW)], sidx_v)

    def zst(r, carry):
        for q in range(D // L):
            stage_v[r, pl.ds(q * L, L)] = zf16
        return carry
    lax.fori_loop(0, HALF, zst, 0)

    copies = [pltpu.async_copy(
        pos_hbm.at[sidx_v.at[pl.ds(ch * CH, CH)]],
        p_v.at[pl.ds(ch * CH, CH)], sem) for ch in range(NCH)]
    for cp in copies:
        cp.wait()

    def comp(i, carry):
        p = p_v[pl.ds(i * L, L)]
        valid = p >= 0
        pc_v[pl.ds(i * L, L)] = jnp.where(valid, p, base_b + i * L + iota)
        mf_v[pl.ds(i * L, L)] = jnp.where(
            valid, jnp.float32(1.0), jnp.float32(0.0))
        return carry
    lax.fori_loop(0, BW // L, comp, 0)

    ar_copies = [pltpu.async_copy(
        act_hbm.at[pc_v.at[pl.ds(ch * CH, CH)]],
        av_v.at[pl.ds(ch * CH, CH)], sem2) for ch in range(NCH)]
    ar_copies += [pltpu.async_copy(
        rfull_hbm.at[pc_v.at[pl.ds(ch * CH, CH)]],
        rv_v.at[pl.ds(ch * CH, CH)], sem2) for ch in range(NCH)]

    for h in range(2):
        def pre(i, carry):
            cpc_v[pl.ds(i * L, L)] = base_b + i * L + iota
            return carry
        lax.fori_loop(0, CAP // L, pre, 0)

        def cbody(i, cnt):
            p = p_v[pl.ds(h * HALF + i * L, L)]
            valid = p >= 0
            cs = plsc.cumsum(valid.astype(jnp.int32))
            off = cnt + cs - 1
            offc = jnp.where(valid, off, 0)
            plsc.store_scatter(cpc_v, [offc], jnp.where(valid, p, 0),
                               mask=valid)
            plsc.store_scatter(cslot_v, [offc], iota + i * L, mask=valid)
            return cnt + cs[L - 1]
        n = lax.fori_loop(0, HALF // L, cbody, 0)
        nt = (n + L - 1) // L

        for arr, out in ((state_hbm, s_out), (nstate_hbm, ns_out)):
            def gbody(c, carry):
                pltpu.sync_copy(arr.at[cpc_v.at[pl.ds(c * L, L)]],
                                crows_v.at[pl.ds(c * L, L)])
                return carry
            lax.fori_loop(0, nt, gbody, 0)

            def place(k, carry):
                sl = plsc.load_gather(cslot_v, [jnp.full((L,), k,
                                                         jnp.int32)])[0]
                for q in range(D // L):
                    stage_v[sl, pl.ds(q * L, L)] = crows_v[k,
                                                           pl.ds(q * L, L)]
                return carry
            lax.fori_loop(0, n, place, 0)

            pltpu.sync_copy(stage_v,
                            out.at[pl.ds(base_b + h * HALF, HALF)])

            def rez(k, carry):
                sl = plsc.load_gather(cslot_v, [jnp.full((L,), k,
                                                         jnp.int32)])[0]
                for q in range(D // L):
                    stage_v[sl, pl.ds(q * L, L)] = zf16
                return carry
            lax.fori_loop(0, n, rez, 0)

    for cp in ar_copies:
        cp.wait()

    def unpack(i, carry):
        s16 = pl.ds(i * L, L)
        m = mf_v[s16]
        rv_v[s16] = rv_v[s16] * m
        av_v[s16] = av_v[s16] * m.astype(jnp.int32)
        return carry
    lax.fori_loop(0, BW // L, unpack, 0)
    pltpu.sync_copy(av_v, a_out.at[pl.ds(base_b, BW)])
    pltpu.sync_copy(rv_v, r_out.at[pl.ds(base_b, BW)])


def kernel(state, action, next_state, reward_steps, done,
           write_idx, sample_idx,
           state_mem, action_mem, next_state_mem, reward_mem, done_mem):
    rs_flat = reward_steps.reshape(-1)
    pos, r_full = _build(write_idx, rs_flat)
    s, a, ns, r = _sample(pos, sample_idx, state, next_state, action, r_full)
    d = jnp.zeros((B,), jnp.bool_)
    w = jnp.ones((B,), jnp.float32)
    return (s, a, ns, r, d, w)

# --- scband reference (transcript-rebuilt; emitter-appended) ---
"""Pipeline reference for scband-multi-step-replay-memory-3590592659869 (READ-ONLY COPY).

The authoritative reference and input builder live on the scoring server;
editing this copy changes nothing except your own understanding.
"""

import jax, jax.numpy as jnp
import numpy as np

M = 262144   # replay length
D = 128      # observation dim
B = 16384    # batch of stored transitions / sample batch size
MULTI = 3    # multi_step
GAMMA = 0.99


def setup_inputs(seed: int = 0) -> dict:
    key = jax.random.key(seed)
    ks = jax.random.split(key, 8)
    state = jax.random.normal(ks[0], (B, D), dtype=jnp.float32)
    next_state = jax.random.normal(ks[1], (B, D), dtype=jnp.float32)
    reward_steps = jax.random.normal(ks[2], (B, MULTI), dtype=jnp.float32)
    action = jax.random.randint(ks[3], (B,), 0, 18)
    done = jnp.zeros((B,), dtype=jnp.bool_)
    write_idx = jax.random.randint(ks[4], (B,), 0, M)
    sample_idx = jax.random.randint(ks[5], (B,), 0, M)
    # persistent replay-memory tensors (the module's tensor_memories, zero-initialized)
    state_mem = jnp.zeros((M, D), dtype=jnp.float32)
    next_state_mem = jnp.zeros((M, D), dtype=jnp.float32)
    reward_mem = jnp.zeros((M,), dtype=jnp.float32)
    action_mem = jnp.zeros((M,), dtype=jnp.int32)
    done_mem = jnp.zeros((M,), dtype=jnp.bool_)
    return {
        'state': state, 'action': action, 'next_state': next_state,
        'reward_steps': reward_steps, 'done': done,
        'write_idx': write_idx, 'sample_idx': sample_idx,
        'state_mem': state_mem, 'action_mem': action_mem,
        'next_state_mem': next_state_mem, 'reward_mem': reward_mem,
        'done_mem': done_mem,
    }


def reference(state, action, next_state, reward_steps, done,
              write_idx, sample_idx,
              state_mem, action_mem, next_state_mem, reward_mem, done_mem):
    # --- multi-step aggregation (MultiStepReplayMemory._aggregate) ---
    # R = dot(gamma**arange(multi_step), rewards)
    gammas = GAMMA ** jnp.arange(MULTI, dtype=jnp.float32)
    R = reward_steps @ gammas  # [B]
    # --- store: scatter-overwrite into the circular memories (BaseReplayMemory.store) ---
    state_mem = state_mem.at[write_idx].set(state)
    action_mem = action_mem.at[write_idx].set(action)
    next_state_mem = next_state_mem.at[write_idx].set(next_state)
    reward_mem = reward_mem.at[write_idx].set(R)
    done_mem = done_mem.at[write_idx].set(done)
    # --- sample: gather a batch (BaseReplayMemory.sample with RandomSampler) ---
    s = jnp.take(state_mem, sample_idx, axis=0)
    a = jnp.take(action_mem, sample_idx, axis=0)
    ns = jnp.take(next_state_mem, sample_idx, axis=0)
    r = jnp.take(reward_mem, sample_idx, axis=0)
    d = jnp.take(done_mem, sample_idx, axis=0)
    w = jnp.ones((sample_idx.shape[0],), dtype=jnp.float32)  # uniform sampler weights
    return (s, a, ns, r, d, w)

if __name__ == "__main__":
    import jax
    _d = setup_inputs()
    print(jax.jit(kernel)(*tuple(_d.values())))

</pallas_src>

<mosaic_0001>
#map = affine_map<(d0, d1) -> (0)>
module attributes {stable_mosaic.version = 14 : i64} {
  func.func @_build(%arg0: i32, %arg1: i32, %arg2: memref<16384xi32, #tpu.memory_space<hbm>>, %arg3: memref<49152xf32, #tpu.memory_space<hbm>>, %arg4: memref<262144xi32, #tpu.memory_space<hbm>>, %arg5: memref<16384xf32, #tpu.memory_space<hbm>>, %arg6: memref<16384xi32, #tpu.memory_space<vmem>>, %arg7: memref<8192xi32, #tpu.memory_space<vmem>>, %arg8: memref<1536xf32, #tpu.memory_space<vmem>>, %arg9: memref<512xf32, #tpu.memory_space<vmem>>) attributes {dimension_semantics = [#tpu.dimension_semantics<core_parallel>, #tpu.dimension_semantics<subcore_parallel>], iteration_bounds = array<i64: 2, 16>, scalar_prefetch = 0 : i64, scratch_operands = 4 : i64, tpu.core_type = #tpu.core_type<sc_vector_subcore>, window_params = [{transform_indices = #map}, {transform_indices = #map}, {transform_indices = #map}, {transform_indices = #map}]} {
    %mul3A = arith.constant 2 : i32
    %mul3A_0 = arith.muli %arg1, %mul3A : i32
    %add3A = arith.addi %mul3A_0, %arg0 : i32
    %mul3A_1 = arith.constant 8192 : i32
    %mul3A_2 = arith.muli %add3A, %mul3A_1 : i32
    %mul3A_3 = arith.constant 512 : i32
    %mul3A_4 = arith.muli %add3A, %mul3A_3 : i32
    %iota3A = tpu.iota {dimensions = array<i32: 0>} : vector<16xi32>
    %broadcast_in_dim3A = arith.constant -1 : i32
    %broadcast_in_dim3A_5 = vector.broadcast %broadcast_in_dim3A : i32 to vector<16xi32>
    %scan3A = arith.constant 0 : i32
    %scan3A_6 = arith.constant 0 : i32
    %scan3A_7 = arith.constant 64 : i32
    %scan3A_8 = arith.addi %scan3A_6, %scan3A_7 : i32
    %scan3A_9 = arith.constant 1 : i32
    scf.for %scan3A_27 = %scan3A_6 to %scan3A_8 step %scan3A_9  : i32 {
      %mul3A_28 = arith.constant 8 : i32
      %mul3A_29 = arith.muli %scan3A_27, %mul3A_28 : i32
      %mul3A_30 = arith.constant 16 : i32
      %mul3A_31 = arith.muli %mul3A_29, %mul3A_30 : i32
      %add3A_32 = arith.constant 0 : i32
      %add3A_33 = arith.addi %mul3A_31, %add3A_32 : i32
      %swap3A = arith.index_cast %add3A_33 : i32 to index
      %swap3A_34 = tpu.vector_load %arg7[%swap3A] {strides = array<i32>} : memref<8192xi32, #tpu.memory_space<vmem>>, vector<16xi32>,
      tpu.vector_store %arg7[%swap3A], %broadcast_in_dim3A_5 {strides = array<i32>} : memref<8192xi32, #tpu.memory_space<vmem>>, vector<16xi32>,
      %mul3A_35 = arith.constant 8 : i32
      %mul3A_36 = arith.muli %scan3A_27, %mul3A_35 : i32
      %mul3A_37 = arith.constant 16 : i32
      %mul3A_38 = arith.muli %mul3A_36, %mul3A_37 : i32
      %add3A_39 = arith.constant 16 : i32
      %add3A_40 = arith.addi %mul3A_38, %add3A_39 : i32
      %swap3A_41 = arith.index_cast %add3A_40 : i32 to index
      %swap3A_42 = tpu.vector_load %arg7[%swap3A_41] {strides = array<i32>} : memref<8192xi32, #tpu.memory_space<vmem>>, vector<16xi32>,
      tpu.vector_store %arg7[%swap3A_41], %broadcast_in_dim3A_5 {strides = array<i32>} : memref<8192xi32, #tpu.memory_space<vmem>>, vector<16xi32>,
      %mul3A_43 = arith.constant 8 : i32
      %mul3A_44 = arith.muli %scan3A_27, %mul3A_43 : i32
      %mul3A_45 = arith.constant 16 : i32
      %mul3A_46 = arith.muli %mul3A_44, %mul3A_45 : i32
      %add3A_47 = arith.constant 32 : i32
      %add3A_48 = arith.addi %mul3A_46, %add3A_47 : i32
      %swap3A_49 = arith.index_cast %add3A_48 : i32 to index
      %swap3A_50 = tpu.vector_load %arg7[%swap3A_49] {strides = array<i32>} : memref<8192xi32, #tpu.memory_space<vmem>>, vector<16xi32>,
      tpu.vector_store %arg7[%swap3A_49], %broadcast_in_dim3A_5 {strides = array<i32>} : memref<8192xi32, #tpu.memory_space<vmem>>, vector<16xi32>,
      %mul3A_51 = arith.constant 8 : i32
      %mul3A_52 = arith.muli %scan3A_27, %mul3A_51 : i32
      %mul3A_53 = arith.constant 16 : i32
      %mul3A_54 = arith.muli %mul3A_52, %mul3A_53 : i32
      %add3A_55 = arith.constant 48 : i32
      %add3A_56 = arith.addi %mul3A_54, %add3A_55 : i32
      %swap3A_57 = arith.index_cast %add3A_56 : i32 to index
      %swap3A_58 = tpu.vector_load %arg7[%swap3A_57] {strides = array<i32>} : memref<8192xi32, #tpu.memory_space<vmem>>, vector<16xi32>,
      tpu.vector_store %arg7[%swap3A_57], %broadcast_in_dim3A_5 {strides = array<i32>} : memref<8192xi32, #tpu.memory_space<vmem>>, vector<16xi32>,
      %mul3A_59 = arith.constant 8 : i32
      %mul3A_60 = arith.muli %scan3A_27, %mul3A_59 : i32
      %mul3A_61 = arith.constant 16 : i32
      %mul3A_62 = arith.muli %mul3A_60, %mul3A_61 : i32
      %add3A_63 = arith.constant 64 : i32
      %add3A_64 = arith.addi %mul3A_62, %add3A_63 : i32
      %swap3A_65 = arith.index_cast %add3A_64 : i32 to index
      %swap3A_66 = tpu.vector_load %arg7[%swap3A_65] {strides = array<i32>} : memref<8192xi32, #tpu.memory_space<vmem>>, vector<16xi32>,
      tpu.vector_store %arg7[%swap3A_65], %broadcast_in_dim3A_5 {strides = array<i32>} : memref<8192xi32, #tpu.memory_space<vmem>>, vector<16xi32>,
      %mul3A_67 = arith.constant 8 : i32
      %mul3A_68 = arith.muli %scan3A_27, %mul3A_67 : i32
      %mul3A_69 = arith.constant 16 : i32
      %mul3A_70 = arith.muli %mul3A_68, %mul3A_69 : i32
      %add3A_71 = arith.constant 80 : i32
      %add3A_72 = arith.addi %mul3A_70, %add3A_71 : i32
      %swap3A_73 = arith.index_cast %add3A_72 : i32 to index
      %swap3A_74 = tpu.vector_load %arg7[%swap3A_73] {strides = array<i32>} : memref<8192xi32, #tpu.memory_space<vmem>>, vector<16xi32>,
      tpu.vector_store %arg7[%swap3A_73], %broadcast_in_dim3A_5 {strides = array<i32>} : memref<8192xi32, #tpu.memory_space<vmem>>, vector<16xi32>,
      %mul3A_75 = arith.constant 8 : i32
      %mul3A_76 = arith.muli %scan3A_27, %mul3A_75 : i32
      %mul3A_77 = arith.constant 16 : i32
      %mul3A_78 = arith.muli %mul3A_76, %mul3A_77 : i32
      %add3A_79 = arith.constant 96 : i32
      %add3A_80 = arith.addi %mul3A_78, %add3A_79 : i32
      %swap3A_81 = arith.index_cast %add3A_80 : i32 to index
      %swap3A_82 = tpu.vector_load %arg7[%swap3A_81] {strides = array<i32>} : memref<8192xi32, #tpu.memory_space<vmem>>, vector<16xi32>,
      tpu.vector_store %arg7[%swap3A_81], %broadcast_in_dim3A_5 {strides = array<i32>} : memref<8192xi32, #tpu.memory_space<vmem>>, vector<16xi32>,
      %mul3A_83 = arith.constant 8 : i32
      %mul3A_84 = arith.muli %scan3A_27, %mul3A_83 : i32
      %mul3A_85 = arith.constant 16 : i32
      %mul3A_86 = arith.muli %mul3A_84, %mul3A_85 : i32
      %add3A_87 = arith.constant 112 : i32
      %add3A_88 = arith.addi %mul3A_86, %add3A_87 : i32
      %swap3A_89 = arith.index_cast %add3A_88 : i32 to index
      %swap3A_90 = tpu.vector_load %arg7[%swap3A_89] {strides = array<i32>} : memref<8192xi32, #tpu.memory_space<vmem>>, vector<16xi32>,
      tpu.vector_store %arg7[%swap3A_89], %broadcast_in_dim3A_5 {strides = array<i32>} : memref<8192xi32, #tpu.memory_space<vmem>>, vector<16xi32>,
    }
    %scan3A_10 = arith.constant 64 : i32
    "tpu.region"() ({
      %run_scoped3A = tpu.sem_alloc : memref<!tpu.dma_semaphore, #tpu.memory_space<semaphore_mem>>
      tpu.enqueue_dma source(%arg2 : memref<16384xi32, #tpu.memory_space<hbm>>) target(%arg6 : memref<16384xi32, #tpu.memory_space<vmem>>) target_semaphore(%run_scoped3A : memref<!tpu.dma_semaphore, #tpu.memory_space<semaphore_mem>>)
      tpu.wait_dma2 semaphore(%run_scoped3A : memref<!tpu.dma_semaphore, #tpu.memory_space<semaphore_mem>>) src(%arg2 : memref<16384xi32, #tpu.memory_space<hbm>>) dst(%arg6 : memref<16384xi32, #tpu.memory_space<vmem>>)
      tpu.yield
    }) : () -> ()
    %scan3A_11 = arith.constant 0 : i32
    %scan3A_12 = arith.constant 0 : i32
    %scan3A_13 = arith.constant 512 : i32
    %scan3A_14 = arith.addi %scan3A_12, %scan3A_13 : i32
    %scan3A_15 = arith.constant 1 : i32
    scf.for %scan3A_27 = %scan3A_12 to %scan3A_14 step %scan3A_15  : i32 {
      %mul3A_28 = arith.constant 2 : i32
      %mul3A_29 = arith.muli %scan3A_27, %mul3A_28 : i32
      %add3A_30 = arith.constant 0 : i32
      %add3A_31 = arith.addi %mul3A_29, %add3A_30 : i32
      %mul3A_32 = arith.constant 16 : i32
      %mul3A_33 = arith.muli %add3A_31, %mul3A_32 : i32
      %get3A = arith.index_cast %mul3A_33 : i32 to index
      %get3A_34 = tpu.vector_load %arg6[%get3A] {strides = array<i32>} : memref<16384xi32, #tpu.memory_space<vmem>>, vector<16xi32>,
      %sub3A = vector.broadcast %mul3A_2 : i32 to vector<16xi32>
      %sub3A_35 = arith.subi %get3A_34, %sub3A : vector<16xi32>
      %ge3A = arith.constant 0 : i32
      %ge3A_36 = vector.broadcast %ge3A : i32 to vector<16xi32>
      %ge3A_37 = arith.cmpi sge, %sub3A_35, %ge3A_36 : vector<16xi32>
      %lt3A = arith.constant 8192 : i32
      %lt3A_38 = vector.broadcast %lt3A : i32 to vector<16xi32>
      %lt3A_39 = arith.cmpi slt, %sub3A_35, %lt3A_38 : vector<16xi32>
      %and3A = arith.andi %ge3A_37, %lt3A_39 : vector<16xi1>
      %jit3A = arith.constant 0 : i32
      %broadcast_in_dim3A_40 = vector.broadcast %jit3A : i32 to vector<16xi32>
      %select_n3A = arith.select %and3A, %sub3A_35, %broadcast_in_dim3A_40 : vector<16xi1>, vector<16xi32>
      %mul3A_41 = arith.constant 16 : i32
      %mul3A_42 = arith.muli %add3A_31, %mul3A_41 : i32
      %add3A_43 = vector.broadcast %mul3A_42 : i32 to vector<16xi32>
      %add3A_44 = arith.addi %iota3A, %add3A_43 : vector<16xi32>
      tpu.vector_store_idx %arg7[%select_n3A], %add3A_44 masked %and3A : memref<8192xi32, #tpu.memory_space<vmem>>[vector<16xi32>], vector<16xi32>, vector<16xi1>
      %gather3A = tpu.vector_load_idx %arg7[%select_n3A] masked %and3A : memref<8192xi32, #tpu.memory_space<vmem>>[vector<16xi32>], vector<16xi32>, vector<16xi1>
      %gt3A = arith.cmpi sgt, %add3A_44, %gather3A : vector<16xi32>
      %and3A_45 = arith.andi %and3A, %gt3A : vector<16xi1>
      %all_reduce_population_count3A = tpu.all_reduce %and3A_45 {dim = 0 : i64, kind = #tpu.reduction_kind<sum>} : vector<16xi1> -> vector<16xi32>
      %slice3A = vector.extract_strided_slice %all_reduce_population_count3A {offsets = [0], sizes = [1], strides = [1]} : vector<16xi32> to vector<1xi32>
      %squeeze3A = vector.extract %slice3A[0] : i32 from vector<1xi32>
      %gt3A_46 = arith.constant 0 : i32
      %gt3A_47 = arith.cmpi sgt, %squeeze3A, %gt3A_46 : i32
      %convert_element_type3A = arith.extui %gt3A_47 : i1 to i32
      %cond3A = arith.constant 0 : i32
      %cond3A_48 = arith.cmpi ne, %convert_element_type3A, %cond3A : i32
      scf.if %cond3A_48 {
        %while3A = scf.while (%while3A_84 = %squeeze3A) : (i32) -> i32 {
          %gt3A_85 = arith.constant 0 : i32
          %gt3A_86 = arith.cmpi sgt, %while3A_84, %gt3A_85 : i32
          scf.condition(%gt3A_86) %while3A_84 : i32
        } do {
        ^bb0(%while3A_84: i32):
          %gather3A_85 = tpu.vector_load_idx %arg7[%select_n3A] masked %and3A : memref<8192xi32, #tpu.memory_space<vmem>>[vector<16xi32>], vector<16xi32>, vector<16xi1>
          %gt3A_86 = arith.cmpi sgt, %add3A_44, %gather3A_85 : vector<16xi32>
          %and3A_87 = arith.andi %and3A, %gt3A_86 : vector<16xi1>
          tpu.vector_store_idx %arg7[%select_n3A], %add3A_44 masked %and3A_87 : memref<8192xi32, #tpu.memory_space<vmem>>[vector<16xi32>], vector<16xi32>, vector<16xi1>
          %gather3A_88 = tpu.vector_load_idx %arg7[%select_n3A] masked %and3A : memref<8192xi32, #tpu.memory_space<vmem>>[vector<16xi32>], vector<16xi32>, vector<16xi1>
          %gt3A_89 = arith.cmpi sgt, %add3A_44, %gather3A_88 : vector<16xi32>
          %and3A_90 = arith.andi %and3A, %gt3A_89 : vector<16xi1>
          %all_reduce_population_count3A_91 = tpu.all_reduce %and3A_90 {dim = 0 : i64, kind = #tpu.reduction_kind<sum>} : vector<16xi1> -> vector<16xi32>
          %slice3A_92 = vector.extract_strided_slice %all_reduce_population_count3A_91 {offsets = [0], sizes = [1], strides = [1]} : vector<16xi32> to vector<1xi32>
          %squeeze3A_93 = vector.extract %slice3A_92[0] : i32 from vector<1xi32>
          scf.yield %squeeze3A_93 : i32
        }
      } else {
      }
      %mul3A_49 = arith.constant 2 : i32
      %mul3A_50 = arith.muli %scan3A_27, %mul3A_49 : i32
      %add3A_51 = arith.constant 1 : i32
      %add3A_52 = arith.addi %mul3A_50, %add3A_51 : i32
      %mul3A_53 = arith.constant 16 : i32
      %mul3A_54 = arith.muli %add3A_52, %mul3A_53 : i32
      %get3A_55 = arith.index_cast %mul3A_54 : i32 to index
      %get3A_56 = tpu.vector_load %arg6[%get3A_55] {strides = array<i32>} : memref<16384xi32, #tpu.memory_space<vmem>>, vector<16xi32>,
      %sub3A_57 = vector.broadcast %mul3A_2 : i32 to vector<16xi32>
      %sub3A_58 = arith.subi %get3A_56, %sub3A_57 : vector<16xi32>
      %ge3A_59 = arith.constant 0 : i32
      %ge3A_60 = vector.broadcast %ge3A_59 : i32 to vector<16xi32>
      %ge3A_61 = arith.cmpi sge, %sub3A_58, %ge3A_60 : vector<16xi32>
      %lt3A_62 = arith.constant 8192 : i32
      %lt3A_63 = vector.broadcast %lt3A_62 : i32 to vector<16xi32>
      %lt3A_64 = arith.cmpi slt, %sub3A_58, %lt3A_63 : vector<16xi32>
      %and3A_65 = arith.andi %ge3A_61, %lt3A_64 : vector<16xi1>
      %jit3A_66 = arith.constant 0 : i32
      %broadcast_in_dim3A_67 = vector.broadcast %jit3A_66 : i32 to vector<16xi32>
      %select_n3A_68 = arith.select %and3A_65, %sub3A_58, %broadcast_in_dim3A_67 : vector<16xi1>, vector<16xi32>
      %mul3A_69 = arith.constant 16 : i32
      %mul3A_70 = arith.muli %add3A_52, %mul3A_69 : i32
      %add3A_71 = vector.broadcast %mul3A_70 : i32 to vector<16xi32>
      %add3A_72 = arith.addi %iota3A, %add3A_71 : vector<16xi32>
      tpu.vector_store_idx %arg7[%select_n3A_68], %add3A_72 masked %and3A_65 : memref<8192xi32, #tpu.memory_space<vmem>>[vector<16xi32>], vector<16xi32>, vector<16xi1>
      %gather3A_73 = tpu.vector_load_idx %arg7[%select_n3A_68] masked %and3A_65 : memref<8192xi32, #tpu.memory_space<vmem>>[vector<16xi32>], vector<16xi32>, vector<16xi1>
      %gt3A_74 = arith.cmpi sgt, %add3A_72, %gather3A_73 : vector<16xi32>
      %and3A_75 = arith.andi %and3A_65, %gt3A_74 : vector<16xi1>
      %all_reduce_population_count3A_76 = tpu.all_reduce %and3A_75 {dim = 0 : i64, kind = #tpu.reduction_kind<sum>} : vector<16xi1> -> vector<16xi32>
      %slice3A_77 = vector.extract_strided_slice %all_reduce_population_count3A_76 {offsets = [0], sizes = [1], strides = [1]} : vector<16xi32> to vector<1xi32>
      %squeeze3A_78 = vector.extract %slice3A_77[0] : i32 from vector<1xi32>
      %gt3A_79 = arith.constant 0 : i32
      %gt3A_80 = arith.cmpi sgt, %squeeze3A_78, %gt3A_79 : i32
      %convert_element_type3A_81 = arith.extui %gt3A_80 : i1 to i32
      %cond3A_82 = arith.constant 0 : i32
      %cond3A_83 = arith.cmpi ne, %convert_element_type3A_81, %cond3A_82 : i32
      scf.if %cond3A_83 {
        %while3A = scf.while (%while3A_84 = %squeeze3A_78) : (i32) -> i32 {
          %gt3A_85 = arith.constant 0 : i32
          %gt3A_86 = arith.cmpi sgt, %while3A_84, %gt3A_85 : i32
          scf.condition(%gt3A_86) %while3A_84 : i32
        } do {
        ^bb0(%while3A_84: i32):
          %gather3A_85 = tpu.vector_load_idx %arg7[%select_n3A_68] masked %and3A_65 : memref<8192xi32, #tpu.memory_space<vmem>>[vector<16xi32>], vector<16xi32>, vector<16xi1>
          %gt3A_86 = arith.cmpi sgt, %add3A_72, %gather3A_85 : vector<16xi32>
          %and3A_87 = arith.andi %and3A_65, %gt3A_86 : vector<16xi1>
          tpu.vector_store_idx %arg7[%select_n3A_68], %add3A_72 masked %and3A_87 : memref<8192xi32, #tpu.memory_space<vmem>>[vector<16xi32>], vector<16xi32>, vector<16xi1>
          %gather3A_88 = tpu.vector_load_idx %arg7[%select_n3A_68] masked %and3A_65 : memref<8192xi32, #tpu.memory_space<vmem>>[vector<16xi32>], vector<16xi32>, vector<16xi1>
          %gt3A_89 = arith.cmpi sgt, %add3A_72, %gather3A_88 : vector<16xi32>
          %and3A_90 = arith.andi %and3A_65, %gt3A_89 : vector<16xi1>
          %all_reduce_population_count3A_91 = tpu.all_reduce %and3A_90 {dim = 0 : i64, kind = #tpu.reduction_kind<sum>} : vector<16xi1> -> vector<16xi32>
          %slice3A_92 = vector.extract_strided_slice %all_reduce_population_count3A_91 {offsets = [0], sizes = [1], strides = [1]} : vector<16xi32> to vector<1xi32>
          %squeeze3A_93 = vector.extract %slice3A_92[0] : i32 from vector<1xi32>
          scf.yield %squeeze3A_93 : i32
        }
      } else {
      }
    }
    %scan3A_16 = arith.constant 512 : i32
    "tpu.region"() ({
      %run_scoped3A = tpu.sem_alloc : memref<!tpu.dma_semaphore, #tpu.memory_space<semaphore_mem>>
      %dma_start3A = tpu.memref_slice %arg4[%mul3A_2] : memref<262144xi32, #tpu.memory_space<hbm>> -> memref<8192xi32, #tpu.memory_space<hbm>>
      %dma_start3A_27 = tpu.memref_slice %arg4[%mul3A_2] : memref<262144xi32, #tpu.memory_space<hbm>> -> memref<8192xi32, #tpu.memory_space<hbm>>
      tpu.enqueue_dma source(%arg7 : memref<8192xi32, #tpu.memory_space<vmem>>) target(%dma_start3A_27 : memref<8192xi32, #tpu.memory_space<hbm>>) target_semaphore(%run_scoped3A : memref<!tpu.dma_semaphore, #tpu.memory_space<semaphore_mem>>)
      %dma_wait3A = tpu.memref_slice %arg4[%mul3A_2] : memref<262144xi32, #tpu.memory_space<hbm>> -> memref<8192xi32, #tpu.memory_space<hbm>>
      %dma_wait3A_28 = tpu.memref_slice %arg4[%mul3A_2] : memref<262144xi32, #tpu.memory_space<hbm>> -> memref<8192xi32, #tpu.memory_space<hbm>>
      tpu.wait_dma2 semaphore(%run_scoped3A : memref<!tpu.dma_semaphore, #tpu.memory_space<semaphore_mem>>) src(%arg7 : memref<8192xi32, #tpu.memory_space<vmem>>) dst(%dma_wait3A_28 : memref<8192xi32, #tpu.memory_space<hbm>>)
      tpu.yield
    }) : () -> ()
    %mul3A_17 = arith.constant 3 : i32
    %mul3A_18 = arith.muli %mul3A_4, %mul3A_17 : i32
    "tpu.region"() ({
      %run_scoped3A = tpu.sem_alloc : memref<!tpu.dma_semaphore, #tpu.memory_space<semaphore_mem>>
      %dma_start3A = tpu.memref_slice %arg3[%mul3A_18] : memref<49152xf32, #tpu.memory_space<hbm>> -> memref<1536xf32, #tpu.memory_space<hbm>>
      %dma_start3A_27 = tpu.memref_slice %arg3[%mul3A_18] : memref<49152xf32, #tpu.memory_space<hbm>> -> memref<1536xf32, #tpu.memory_space<hbm>>
      tpu.enqueue_dma source(%dma_start3A_27 : memref<1536xf32, #tpu.memory_space<hbm>>) target(%arg8 : memref<1536xf32, #tpu.memory_space<vmem>>) target_semaphore(%run_scoped3A : memref<!tpu.dma_semaphore, #tpu.memory_space<semaphore_mem>>)
      %dma_wait3A = tpu.memref_slice %arg3[%mul3A_18] : memref<49152xf32, #tpu.memory_space<hbm>> -> memref<1536xf32, #tpu.memory_space<hbm>>
      %dma_wait3A_28 = tpu.memref_slice %arg3[%mul3A_18] : memref<49152xf32, #tpu.memory_space<hbm>> -> memref<1536xf32, #tpu.memory_space<hbm>>
      tpu.wait_dma2 semaphore(%run_scoped3A : memref<!tpu.dma_semaphore, #tpu.memory_space<semaphore_mem>>) src(%dma_wait3A_28 : memref<1536xf32, #tpu.memory_space<hbm>>) dst(%arg8 : memref<1536xf32, #tpu.memory_space<vmem>>)
      tpu.yield
    }) : () -> ()
    %scan3A_19 = arith.constant 0 : i32
    %scan3A_20 = arith.constant 9.900000e-01 : f32
    %scan3A_21 = arith.constant 0.980099976 : f32
    %scan3A_22 = arith.constant 0 : i32
    %scan3A_23 = arith.constant 32 : i32
    %scan3A_24 = arith.addi %scan3A_22, %scan3A_23 : i32
    %scan3A_25 = arith.constant 1 : i32
    scf.for %scan3A_27 = %scan3A_22 to %scan3A_24 step %scan3A_25  : i32 {
      %mul3A_28 = arith.constant 16 : i32
      %mul3A_29 = arith.muli %scan3A_27, %mul3A_28 : i32
      %add3A_30 = vector.broadcast %mul3A_29 : i32 to vector<16xi32>
      %add3A_31 = arith.addi %iota3A, %add3A_30 : vector<16xi32>
      %mul3A_32 = arith.constant 3 : i32
      %mul3A_33 = vector.broadcast %mul3A_32 : i32 to vector<16xi32>
      %mul3A_34 = arith.muli %add3A_31, %mul3A_33 : vector<16xi32>
      %gather3A = tpu.vector_load_idx %arg8[%mul3A_34] : memref<1536xf32, #tpu.memory_space<vmem>>[vector<16xi32>], vector<16xf32>,
      %add3A_35 = arith.constant 1 : i32
      %add3A_36 = vector.broadcast %add3A_35 : i32 to vector<16xi32>
      %add3A_37 = arith.addi %mul3A_34, %add3A_36 : vector<16xi32>
      %gather3A_38 = tpu.vector_load_idx %arg8[%add3A_37] : memref<1536xf32, #tpu.memory_space<vmem>>[vector<16xi32>], vector<16xf32>,
      %add3A_39 = arith.constant 2 : i32
      %add3A_40 = vector.broadcast %add3A_39 : i32 to vector<16xi32>
      %add3A_41 = arith.addi %mul3A_34, %add3A_40 : vector<16xi32>
      %gather3A_42 = tpu.vector_load_idx %arg8[%add3A_41] : memref<1536xf32, #tpu.memory_space<vmem>>[vector<16xi32>], vector<16xf32>,
      %mul3A_43 = vector.broadcast %scan3A_20 : f32 to vector<16xf32>
      %mul3A_44 = arith.mulf %mul3A_43, %gather3A_38 : vector<16xf32>
      %add3A_45 = arith.addf %gather3A, %mul3A_44 : vector<16xf32>
      %mul3A_46 = vector.broadcast %scan3A_21 : f32 to vector<16xf32>
      %mul3A_47 = arith.mulf %mul3A_46, %gather3A_42 : vector<16xf32>
      %add3A_48 = arith.addf %add3A_45, %mul3A_47 : vector<16xf32>
      %mul3A_49 = arith.constant 16 : i32
      %mul3A_50 = arith.muli %scan3A_27, %mul3A_49 : i32
      %swap3A = arith.index_cast %mul3A_50 : i32 to index
      %swap3A_51 = tpu.vector_load %arg9[%swap3A] {strides = array<i32>} : memref<512xf32, #tpu.memory_space<vmem>>, vector<16xf32>,
      tpu.vector_store %arg9[%swap3A], %add3A_48 {strides = array<i32>} : memref<512xf32, #tpu.memory_space<vmem>>, vector<16xf32>,
    }
    %scan3A_26 = arith.constant 32 : i32
    "tpu.region"() ({
      %run_scoped3A = tpu.sem_alloc : memref<!tpu.dma_semaphore, #tpu.memory_space<semaphore_mem>>
      %dma_start3A = tpu.memref_slice %arg5[%mul3A_4] : memref<16384xf32, #tpu.memory_space<hbm>> -> memref<512xf32, #tpu.memory_space<hbm>>
      %dma_start3A_27 = tpu.memref_slice %arg5[%mul3A_4] : memref<16384xf32, #tpu.memory_space<hbm>> -> memref<512xf32, #tpu.memory_space<hbm>>
      tpu.enqueue_dma source(%arg9 : memref<512xf32, #tpu.memory_space<vmem>>) target(%dma_start3A_27 : memref<512xf32, #tpu.memory_space<hbm>>) target_semaphore(%run_scoped3A : memref<!tpu.dma_semaphore, #tpu.memory_space<semaphore_mem>>)
      %dma_wait3A = tpu.memref_slice %arg5[%mul3A_4] : memref<16384xf32, #tpu.memory_space<hbm>> -> memref<512xf32, #tpu.memory_space<hbm>>
      %dma_wait3A_28 = tpu.memref_slice %arg5[%mul3A_4] : memref<16384xf32, #tpu.memory_space<hbm>> -> memref<512xf32, #tpu.memory_space<hbm>>
      tpu.wait_dma2 semaphore(%run_scoped3A : memref<!tpu.dma_semaphore, #tpu.memory_space<semaphore_mem>>) src(%arg9 : memref<512xf32, #tpu.memory_space<vmem>>) dst(%dma_wait3A_28 : memref<512xf32, #tpu.memory_space<hbm>>)
      tpu.yield
    }) : () -> ()
    return
  }
}

#map = affine_map<(d0, d1) -> (0)>
#map1 = affine_map<(d0, d1) -> (0, 0)>
module attributes {stable_mosaic.version = 14 : i64} {
  func.func @_sample(%arg0: i32, %arg1: i32, %arg2: memref<262144xi32, #tpu.memory_space<hbm>>, %arg3: memref<16384xi32, #tpu.memory_space<hbm>>, %arg4: memref<16384x128xf32, #tpu.memory_space<hbm>>, %arg5: memref<16384x128xf32, #tpu.memory_space<hbm>>, %arg6: memref<16384xi32, #tpu.memory_space<hbm>>, %arg7: memref<16384xf32, #tpu.memory_space<hbm>>, %arg8: memref<16384x128xf32, #tpu.memory_space<hbm>>, %arg9: memref<16384xi32, #tpu.memory_space<hbm>>, %arg10: memref<16384x128xf32, #tpu.memory_space<hbm>>, %arg11: memref<16384xf32, #tpu.memory_space<hbm>>, %arg12: memref<512xi32, #tpu.memory_space<vmem>>, %arg13: memref<512xi32, #tpu.memory_space<vmem>>, %arg14: memref<512xi32, #tpu.memory_space<vmem>>, %arg15: memref<512xf32, #tpu.memory_space<vmem>>, %arg16: memref<512xi32, #tpu.memory_space<vmem>>, %arg17: memref<512xf32, #tpu.memory_space<vmem>>, %arg18: memref<272xi32, #tpu.memory_space<vmem>>, %arg19: memref<272xi32, #tpu.memory_space<vmem>>, %arg20: memref<272x128xf32, #tpu.memory_space<vmem>>, %arg21: memref<256x128xf32, #tpu.memory_space<vmem>>, %arg22: memref<!tpu.dma_semaphore, #tpu.memory_space<semaphore_mem>>, %arg23: memref<!tpu.dma_semaphore, #tpu.memory_space<semaphore_mem>>) attributes {dimension_semantics = [#tpu.dimension_semantics<core_parallel>, #tpu.dimension_semantics<subcore_parallel>], iteration_bounds = array<i64: 2, 16>, scalar_prefetch = 0 : i64, scratch_operands = 12 : i64, tpu.core_type = #tpu.core_type<sc_vector_subcore>, window_params = [{transform_indices = #map}, {transform_indices = #map}, {transform_indices = #map1}, {transform_indices = #map1}, {transform_indices = #map}, {transform_indices = #map}, {transform_indices = #map1}, {transform_indices = #map}, {transform_indices = #map1}, {transform_indices = #map}]} {
    %mul3A = arith.constant 2 : i32
    %mul3A_0 = arith.muli %arg1, %mul3A : i32
    %add3A = arith.addi %mul3A_0, %arg0 : i32
    %mul3A_1 = arith.constant 512 : i32
    %mul3A_2 = arith.muli %add3A, %mul3A_1 : i32
    %iota3A = tpu.iota {dimensions = array<i32: 0>} : vector<16xi32>
    %broadcast_in_dim3A = arith.constant 0.000000e+00 : f32
    %broadcast_in_dim3A_3 = vector.broadcast %broadcast_in_dim3A : f32 to vector<16xf32>
    "tpu.region"() ({
      %run_scoped3A = tpu.sem_alloc : memref<!tpu.dma_semaphore, #tpu.memory_space<semaphore_mem>>
      %dma_start3A_364 = tpu.memref_slice %arg3[%mul3A_2] : memref<16384xi32, #tpu.memory_space<hbm>> -> memref<512xi32, #tpu.memory_space<hbm>>
      %dma_start3A_365 = tpu.memref_slice %arg3[%mul3A_2] : memref<16384xi32, #tpu.memory_space<hbm>> -> memref<512xi32, #tpu.memory_space<hbm>>
      tpu.enqueue_dma source(%dma_start3A_365 : memref<512xi32, #tpu.memory_space<hbm>>) target(%arg12 : memref<512xi32, #tpu.memory_space<vmem>>) target_semaphore(%run_scoped3A : memref<!tpu.dma_semaphore, #tpu.memory_space<semaphore_mem>>)
      %dma_wait3A_366 = tpu.memref_slice %arg3[%mul3A_2] : memref<16384xi32, #tpu.memory_space<hbm>> -> memref<512xi32, #tpu.memory_space<hbm>>
      %dma_wait3A_367 = tpu.memref_slice %arg3[%mul3A_2] : memref<16384xi32, #tpu.memory_space<hbm>> -> memref<512xi32, #tpu.memory_space<hbm>>
      tpu.wait_dma2 semaphore(%run_scoped3A : memref<!tpu.dma_semaphore, #tpu.memory_space<semaphore_mem>>) src(%dma_wait3A_367 : memref<512xi32, #tpu.memory_space<hbm>>) dst(%arg12 : memref<512xi32, #tpu.memory_space<vmem>>)
      tpu.yield
    }) : () -> ()
    %scan3A = arith.constant 0 : i32
    %scan3A_4 = arith.constant 0 : i32
    %scan3A_5 = arith.constant 256 : i32
    %scan3A_6 = arith.addi %scan3A_4, %scan3A_5 : i32
    %scan3A_7 = arith.constant 1 : i32
    scf.for %scan3A_364 = %scan3A_4 to %scan3A_6 step %scan3A_7  : i32 {
      %swap3A = arith.index_cast %scan3A_364 : i32 to index
      %swap3A_365 = arith.constant 0 : index
      %swap3A_366 = tpu.vector_load %arg21[%swap3A, %swap3A_365] {strides = array<i32>} : memref<256x128xf32, #tpu.memory_space<vmem>>, vector<16xf32>,
      tpu.vector_store %arg21[%swap3A, %swap3A_365], %broadcast_in_dim3A_3 {strides = array<i32>} : memref<256x128xf32, #tpu.memory_space<vmem>>, vector<16xf32>,
      %swap3A_367 = arith.index_cast %scan3A_364 : i32 to index
      %swap3A_368 = arith.constant 16 : index
      %swap3A_369 = tpu.vector_load %arg21[%swap3A_367, %swap3A_368] {strides = array<i32>} : memref<256x128xf32, #tpu.memory_space<vmem>>, vector<16xf32>,
      tpu.vector_store %arg21[%swap3A_367, %swap3A_368], %broadcast_in_dim3A_3 {strides = array<i32>} : memref<256x128xf32, #tpu.memory_space<vmem>>, vector<16xf32>,
      %swap3A_370 = arith.index_cast %scan3A_364 : i32 to index
      %swap3A_371 = arith.constant 32 : index
      %swap3A_372 = tpu.vector_load %arg21[%swap3A_370, %swap3A_371] {strides = array<i32>} : memref<256x128xf32, #tpu.memory_space<vmem>>, vector<16xf32>,
      tpu.vector_store %arg21[%swap3A_370, %swap3A_371], %broadcast_in_dim3A_3 {strides = array<i32>} : memref<256x128xf32, #tpu.memory_space<vmem>>, vector<16xf32>,
      %swap3A_373 = arith.index_cast %scan3A_364 : i32 to index
      %swap3A_374 = arith.constant 48 : index
      %swap3A_375 = tpu.vector_load %arg21[%swap3A_373, %swap3A_374] {strides = array<i32>} : memref<256x128xf32, #tpu.memory_space<vmem>>, vector<16xf32>,
      tpu.vector_store %arg21[%swap3A_373, %swap3A_374], %broadcast_in_dim3A_3 {strides = array<i32>} : memref<256x128xf32, #tpu.memory_space<vmem>>, vector<16xf32>,
      %swap3A_376 = arith.index_cast %scan3A_364 : i32 to index
      %swap3A_377 = arith.constant 64 : index
      %swap3A_378 = tpu.vector_load %arg21[%swap3A_376, %swap3A_377] {strides = array<i32>} : memref<256x128xf32, #tpu.memory_space<vmem>>, vector<16xf32>,
      tpu.vector_store %arg21[%swap3A_376, %swap3A_377], %broadcast_in_dim3A_3 {strides = array<i32>} : memref<256x128xf32, #tpu.memory_space<vmem>>, vector<16xf32>,
      %swap3A_379 = arith.index_cast %scan3A_364 : i32 to index
      %swap3A_380 = arith.constant 80 : index
      %swap3A_381 = tpu.vector_load %arg21[%swap3A_379, %swap3A_380] {strides = array<i32>} : memref<256x128xf32, #tpu.memory_space<vmem>>, vector<16xf32>,
      tpu.vector_store %arg21[%swap3A_379, %swap3A_380], %broadcast_in_dim3A_3 {strides = array<i32>} : memref<256x128xf32, #tpu.memory_space<vmem>>, vector<16xf32>,
      %swap3A_382 = arith.index_cast %scan3A_364 : i32 to index
      %swap3A_383 = arith.constant 96 : index
      %swap3A_384 = tpu.vector_load %arg21[%swap3A_382, %swap3A_383] {strides = array<i32>} : memref<256x128xf32, #tpu.memory_space<vmem>>, vector<16xf32>,
      tpu.vector_store %arg21[%swap3A_382, %swap3A_383], %broadcast_in_dim3A_3 {strides = array<i32>} : memref<256x128xf32, #tpu.memory_space<vmem>>, vector<16xf32>,
      %swap3A_385 = arith.index_cast %scan3A_364 : i32 to index
      %swap3A_386 = arith.constant 112 : index
      %swap3A_387 = tpu.vector_load %arg21[%swap3A_385, %swap3A_386] {strides = array<i32>} : memref<256x128xf32, #tpu.memory_space<vmem>>, vector<16xf32>,
      tpu.vector_store %arg21[%swap3A_385, %swap3A_386], %broadcast_in_dim3A_3 {strides = array<i32>} : memref<256x128xf32, #tpu.memory_space<vmem>>, vector<16xf32>,
    }
    %scan3A_8 = arith.constant 256 : i32
    %dma_start3A = arith.constant 0 : i32
    %dma_start3A_9 = tpu.memref_slice %arg13[%dma_start3A] : memref<512xi32, #tpu.memory_space<vmem>> -> memref<128xi32, #tpu.memory_space<vmem>>
    %dma_start3A_10 = arith.constant 0 : i32
    %dma_start3A_11 = tpu.memref_slice %arg12[%dma_start3A_10] : memref<512xi32, #tpu.memory_space<vmem>> -> memref<128xi32, #tpu.memory_space<vmem>>
    %dma_start3A_12 = arith.constant 0 : i32
    %dma_start3A_13 = tpu.memref_slice %arg2[%dma_start3A_12] : memref<262144xi32, #tpu.memory_space<hbm>> -> memref<262144xi32, #tpu.memory_space<hbm>>
    tpu.enqueue_indirect_dma source(%dma_start3A_13 : memref<262144xi32, #tpu.memory_space<hbm>>) target(%dma_start3A_9 : memref<128xi32, #tpu.memory_space<vmem>>) offsets(%dma_start3A_11 : memref<128xi32, #tpu.memory_space<vmem>>) semaphore(%arg22 : memref<!tpu.dma_semaphore, #tpu.memory_space<semaphore_mem>>)
    %dma_start3A_14 = arith.constant 128 : i32
    %dma_start3A_15 = tpu.memref_slice %arg13[%dma_start3A_14] : memref<512xi32, #tpu.memory_space<vmem>> -> memref<128xi32, #tpu.memory_space<vmem>>
    %dma_start3A_16 = arith.constant 128 : i32
    %dma_start3A_17 = tpu.memref_slice %arg12[%dma_start3A_16] : memref<512xi32, #tpu.memory_space<vmem>> -> memref<128xi32, #tpu.memory_space<vmem>>
    %dma_start3A_18 = arith.constant 0 : i32
    %dma_start3A_19 = tpu.memref_slice %arg2[%dma_start3A_18] : memref<262144xi32, #tpu.memory_space<hbm>> -> memref<262144xi32, #tpu.memory_space<hbm>>
    tpu.enqueue_indirect_dma source(%dma_start3A_19 : memref<262144xi32, #tpu.memory_space<hbm>>) target(%dma_start3A_15 : memref<128xi32, #tpu.memory_space<vmem>>) offsets(%dma_start3A_17 : memref<128xi32, #tpu.memory_space<vmem>>) semaphore(%arg22 : memref<!tpu.dma_semaphore, #tpu.memory_space<semaphore_mem>>)
    %dma_start3A_20 = arith.constant 256 : i32
    %dma_start3A_21 = tpu.memref_slice %arg13[%dma_start3A_20] : memref<512xi32, #tpu.memory_space<vmem>> -> memref<128xi32, #tpu.memory_space<vmem>>
    %dma_start3A_22 = arith.constant 256 : i32
    %dma_start3A_23 = tpu.memref_slice %arg12[%dma_start3A_22] : memref<512xi32, #tpu.memory_space<vmem>> -> memref<128xi32, #tpu.memory_space<vmem>>
    %dma_start3A_24 = arith.constant 0 : i32
    %dma_start3A_25 = tpu.memref_slice %arg2[%dma_start3A_24] : memref<262144xi32, #tpu.memory_space<hbm>> -> memref<262144xi32, #tpu.memory_space<hbm>>
    tpu.enqueue_indirect_dma source(%dma_start3A_25 : memref<262144xi32, #tpu.memory_space<hbm>>) target(%dma_start3A_21 : memref<128xi32, #tpu.memory_space<vmem>>) offsets(%dma_start3A_23 : memref<128xi32, #tpu.memory_space<vmem>>) semaphore(%arg22 : memref<!tpu.dma_semaphore, #tpu.memory_space<semaphore_mem>>)
    %dma_start3A_26 = arith.constant 384 : i32
    %dma_start3A_27 = tpu.memref_slice %arg13[%dma_start3A_26] : memref<512xi32, #tpu.memory_space<vmem>> -> memref<128xi32, #tpu.memory_space<vmem>>
    %dma_start3A_28 = arith.constant 384 : i32
    %dma_start3A_29 = tpu.memref_slice %arg12[%dma_start3A_28] : memref<512xi32, #tpu.memory_space<vmem>> -> memref<128xi32, #tpu.memory_space<vmem>>
    %dma_start3A_30 = arith.constant 0 : i32
    %dma_start3A_31 = tpu.memref_slice %arg2[%dma_start3A_30] : memref<262144xi32, #tpu.memory_space<hbm>> -> memref<262144xi32, #tpu.memory_space<hbm>>
    tpu.enqueue_indirect_dma source(%dma_start3A_31 : memref<262144xi32, #tpu.memory_space<hbm>>) target(%dma_start3A_27 : memref<128xi32, #tpu.memory_space<vmem>>) offsets(%dma_start3A_29 : memref<128xi32, #tpu.memory_space<vmem>>) semaphore(%arg22 : memref<!tpu.dma_semaphore, #tpu.memory_space<semaphore_mem>>)
    %dma_wait3A = arith.constant 0 : i32
    %dma_wait3A_32 = tpu.memref_slice %arg13[%dma_wait3A] : memref<512xi32, #tpu.memory_space<vmem>> -> memref<128xi32, #tpu.memory_space<vmem>>
    %dma_wait3A_33 = arith.constant 0 : i32
    %dma_wait3A_34 = tpu.memref_slice %arg12[%dma_wait3A_33] : memref<512xi32, #tpu.memory_space<vmem>> -> memref<128xi32, #tpu.memory_space<vmem>>
    %dma_wait3A_35 = arith.constant 0 : i32
    %dma_wait3A_36 = tpu.memref_slice %arg2[%dma_wait3A_35] : memref<262144xi32, #tpu.memory_space<hbm>> -> memref<262144xi32, #tpu.memory_space<hbm>>
    tpu.wait_indirect_dma semaphore(%arg22 : memref<!tpu.dma_semaphore, #tpu.memory_space<semaphore_mem>>) src(%dma_wait3A_36 : memref<262144xi32, #tpu.memory_space<hbm>>) dst(%dma_wait3A_32 : memref<128xi32, #tpu.memory_space<vmem>>)
    %dma_wait3A_37 = arith.constant 128 : i32
    %dma_wait3A_38 = tpu.memref_slice %arg13[%dma_wait3A_37] : memref<512xi32, #tpu.memory_space<vmem>> -> memref<128xi32, #tpu.memory_space<vmem>>
    %dma_wait3A_39 = arith.constant 128 : i32
    %dma_wait3A_40 = tpu.memref_slice %arg12[%dma_wait3A_39] : memref<512xi32, #tpu.memory_space<vmem>> -> memref<128xi32, #tpu.memory_space<vmem>>
    %dma_wait3A_41 = arith.constant 0 : i32
    %dma_wait3A_42 = tpu.memref_slice %arg2[%dma_wait3A_41] : memref<262144xi32, #tpu.memory_space<hbm>> -> memref<262144xi32, #tpu.memory_space<hbm>>
    tpu.wait_indirect_dma semaphore(%arg22 : memref<!tpu.dma_semaphore, #tpu.memory_space<semaphore_mem>>) src(%dma_wait3A_42 : memref<262144xi32, #tpu.memory_space<hbm>>) dst(%dma_wait3A_38 : memref<128xi32, #tpu.memory_space<vmem>>)
    %dma_wait3A_43 = arith.constant 256 : i32
    %dma_wait3A_44 = tpu.memref_slice %arg13[%dma_wait3A_43] : memref<512xi32, #tpu.memory_space<vmem>> -> memref<128xi32, #tpu.memory_space<vmem>>
    %dma_wait3A_45 = arith.constant 256 : i32
    %dma_wait3A_46 = tpu.memref_slice %arg12[%dma_wait3A_45] : memref<512xi32, #tpu.memory_space<vmem>> -> memref<128xi32, #tpu.memory_space<vmem>>
    %dma_wait3A_47 = arith.constant 0 : i32
    %dma_wait3A_48 = tpu.memref_slice %arg2[%dma_wait3A_47] : memref<262144xi32, #tpu.memory_space<hbm>> -> memref<262144xi32, #tpu.memory_space<hbm>>
    tpu.wait_indirect_dma semaphore(%arg22 : memref<!tpu.dma_semaphore, #tpu.memory_space<semaphore_mem>>) src(%dma_wait3A_48 : memref<262144xi32, #tpu.memory_space<hbm>>) dst(%dma_wait3A_44 : memref<128xi32, #tpu.memory_space<vmem>>)
    %dma_wait3A_49 = arith.constant 384 : i32
    %dma_wait3A_50 = tpu.memref_slice %arg13[%dma_wait3A_49] : memref<512xi32, #tpu.memory_space<vmem>> -> memref<128xi32, #tpu.memory_space<vmem>>
    %dma_wait3A_51 = arith.constant 384 : i32
    %dma_wait3A_52 = tpu.memref_slice %arg12[%dma_wait3A_51] : memref<512xi32, #tpu.memory_space<vmem>> -> memref<128xi32, #tpu.memory_space<vmem>>
    %dma_wait3A_53 = arith.constant 0 : i32
    %dma_wait3A_54 = tpu.memref_slice %arg2[%dma_wait3A_53] : memref<262144xi32, #tpu.memory_space<hbm>> -> memref<262144xi32, #tpu.memory_space<hbm>>
    tpu.wait_indirect_dma semaphore(%arg22 : memref<!tpu.dma_semaphore, #tpu.memory_space<semaphore_mem>>) src(%dma_wait3A_54 : memref<262144xi32, #tpu.memory_space<hbm>>) dst(%dma_wait3A_50 : memref<128xi32, #tpu.memory_space<vmem>>)
    %scan3A_55 = arith.constant 0 : i32
    %scan3A_56 = arith.constant 0 : i32
    %scan3A_57 = arith.constant 32 : i32
    %scan3A_58 = arith.addi %scan3A_56, %scan3A_57 : i32
    %scan3A_59 = arith.constant 1 : i32
    scf.for %scan3A_364 = %scan3A_56 to %scan3A_58 step %scan3A_59  : i32 {
      %mul3A_365 = arith.constant 16 : i32
      %mul3A_366 = arith.muli %scan3A_364, %mul3A_365 : i32
      %get3A = arith.index_cast %mul3A_366 : i32 to index
      %get3A_367 = tpu.vector_load %arg13[%get3A] {strides = array<i32>} : memref<512xi32, #tpu.memory_space<vmem>>, vector<16xi32>,
      %ge3A = arith.constant 0 : i32
      %ge3A_368 = vector.broadcast %ge3A : i32 to vector<16xi32>
      %ge3A_369 = arith.cmpi sge, %get3A_367, %ge3A_368 : vector<16xi32>
      %mul3A_370 = arith.constant 16 : i32
      %mul3A_371 = arith.muli %scan3A_364, %mul3A_370 : i32
      %add3A_372 = arith.addi %mul3A_2, %mul3A_371 : i32
      %add3A_373 = vector.broadcast %add3A_372 : i32 to vector<16xi32>
      %add3A_374 = arith.addi %add3A_373, %iota3A : vector<16xi32>
      %select_n3A_375 = arith.select %ge3A_369, %get3A_367, %add3A_374 : vector<16xi1>, vector<16xi32>
      %mul3A_376 = arith.constant 16 : i32
      %mul3A_377 = arith.muli %scan3A_364, %mul3A_376 : i32
      %swap3A = arith.index_cast %mul3A_377 : i32 to index
      %swap3A_378 = tpu.vector_load %arg14[%swap3A] {strides = array<i32>} : memref<512xi32, #tpu.memory_space<vmem>>, vector<16xi32>,
      tpu.vector_store %arg14[%swap3A], %select_n3A_375 {strides = array<i32>} : memref<512xi32, #tpu.memory_space<vmem>>, vector<16xi32>,
      %jit3A_379 = arith.constant 1.000000e+00 : f32
      %jit3A_380 = arith.constant 0.000000e+00 : f32
      %broadcast_in_dim3A_381 = vector.broadcast %jit3A_379 : f32 to vector<16xf32>
      %broadcast_in_dim3A_382 = vector.broadcast %jit3A_380 : f32 to vector<16xf32>
      %select_n3A_383 = arith.select %ge3A_369, %broadcast_in_dim3A_381, %broadcast_in_dim3A_382 : vector<16xi1>, vector<16xf32>
      %mul3A_384 = arith.constant 16 : i32
      %mul3A_385 = arith.muli %scan3A_364, %mul3A_384 : i32
      %swap3A_386 = arith.index_cast %mul3A_385 : i32 to index
      %swap3A_387 = tpu.vector_load %arg15[%swap3A_386] {strides = array<i32>} : memref<512xf32, #tpu.memory_space<vmem>>, vector<16xf32>,
      tpu.vector_store %arg15[%swap3A_386], %select_n3A_383 {strides = array<i32>} : memref<512xf32, #tpu.memory_space<vmem>>, vector<16xf32>,
    }
    %scan3A_60 = arith.constant 32 : i32
    %dma_start3A_61 = arith.constant 0 : i32
    %dma_start3A_62 = tpu.memref_slice %arg16[%dma_start3A_61] : memref<512xi32, #tpu.memory_space<vmem>> -> memref<128xi32, #tpu.memory_space<vmem>>
    %dma_start3A_63 = arith.constant 0 : i32
    %dma_start3A_64 = tpu.memref_slice %arg14[%dma_start3A_63] : memref<512xi32, #tpu.memory_space<vmem>> -> memref<128xi32, #tpu.memory_space<vmem>>
    %dma_start3A_65 = arith.constant 0 : i32
    %dma_start3A_66 = tpu.memref_slice %arg6[%dma_start3A_65] : memref<16384xi32, #tpu.memory_space<hbm>> -> memref<16384xi32, #tpu.memory_space<hbm>>
    tpu.enqueue_indirect_dma source(%dma_start3A_66 : memref<16384xi32, #tpu.memory_space<hbm>>) target(%dma_start3A_62 : memref<128xi32, #tpu.memory_space<vmem>>) offsets(%dma_start3A_64 : memref<128xi32, #tpu.memory_space<vmem>>) semaphore(%arg23 : memref<!tpu.dma_semaphore, #tpu.memory_space<semaphore_mem>>)
    %dma_start3A_67 = arith.constant 128 : i32
    %dma_start3A_68 = tpu.memref_slice %arg16[%dma_start3A_67] : memref<512xi32, #tpu.memory_space<vmem>> -> memref<128xi32, #tpu.memory_space<vmem>>
    %dma_start3A_69 = arith.constant 128 : i32
    %dma_start3A_70 = tpu.memref_slice %arg14[%dma_start3A_69] : memref<512xi32, #tpu.memory_space<vmem>> -> memref<128xi32, #tpu.memory_space<vmem>>
    %dma_start3A_71 = arith.constant 0 : i32
    %dma_start3A_72 = tpu.memref_slice %arg6[%dma_start3A_71] : memref<16384xi32, #tpu.memory_space<hbm>> -> memref<16384xi32, #tpu.memory_space<hbm>>
    tpu.enqueue_indirect_dma source(%dma_start3A_72 : memref<16384xi32, #tpu.memory_space<hbm>>) target(%dma_start3A_68 : memref<128xi32, #tpu.memory_space<vmem>>) offsets(%dma_start3A_70 : memref<128xi32, #tpu.memory_space<vmem>>) semaphore(%arg23 : memref<!tpu.dma_semaphore, #tpu.memory_space<semaphore_mem>>)
    %dma_start3A_73 = arith.constant 256 : i32
    %dma_start3A_74 = tpu.memref_slice %arg16[%dma_start3A_73] : memref<512xi32, #tpu.memory_space<vmem>> -> memref<128xi32, #tpu.memory_space<vmem>>
    %dma_start3A_75 = arith.constant 256 : i32
    %dma_start3A_76 = tpu.memref_slice %arg14[%dma_start3A_75] : memref<512xi32, #tpu.memory_space<vmem>> -> memref<128xi32, #tpu.memory_space<vmem>>
    %dma_start3A_77 = arith.constant 0 : i32
    %dma_start3A_78 = tpu.memref_slice %arg6[%dma_start3A_77] : memref<16384xi32, #tpu.memory_space<hbm>> -> memref<16384xi32, #tpu.memory_space<hbm>>
    tpu.enqueue_indirect_dma source(%dma_start3A_78 : memref<16384xi32, #tpu.memory_space<hbm>>) target(%dma_start3A_74 : memref<128xi32, #tpu.memory_space<vmem>>) offsets(%dma_start3A_76 : memref<128xi32, #tpu.memory_space<vmem>>) semaphore(%arg23 : memref<!tpu.dma_semaphore, #tpu.memory_space<semaphore_mem>>)
    %dma_start3A_79 = arith.constant 384 : i32
    %dma_start3A_80 = tpu.memref_slice %arg16[%dma_start3A_79] : memref<512xi32, #tpu.memory_space<vmem>> -> memref<128xi32, #tpu.memory_space<vmem>>
    %dma_start3A_81 = arith.constant 384 : i32
    %dma_start3A_82 = tpu.memref_slice %arg14[%dma_start3A_81] : memref<512xi32, #tpu.memory_space<vmem>> -> memref<128xi32, #tpu.memory_space<vmem>>
    %dma_start3A_83 = arith.constant 0 : i32
    %dma_start3A_84 = tpu.memref_slice %arg6[%dma_start3A_83] : memref<16384xi32, #tpu.memory_space<hbm>> -> memref<16384xi32, #tpu.memory_space<hbm>>
    tpu.enqueue_indirect_dma source(%dma_start3A_84 : memref<16384xi32, #tpu.memory_space<hbm>>) target(%dma_start3A_80 : memref<128xi32, #tpu.memory_space<vmem>>) offsets(%dma_start3A_82 : memref<128xi32, #tpu.memory_space<vmem>>) semaphore(%arg23 : memref<!tpu.dma_semaphore, #tpu.memory_space<semaphore_mem>>)
    %dma_start3A_85 = arith.constant 0 : i32
    %dma_start3A_86 = tpu.memref_slice %arg17[%dma_start3A_85] : memref<512xf32, #tpu.memory_space<vmem>> -> memref<128xf32, #tpu.memory_space<vmem>>
    %dma_start3A_87 = arith.constant 0 : i32
    %dma_start3A_88 = tpu.memref_slice %arg14[%dma_start3A_87] : memref<512xi32, #tpu.memory_space<vmem>> -> memref<128xi32, #tpu.memory_space<vmem>>
    %dma_start3A_89 = arith.constant 0 : i32
    %dma_start3A_90 = tpu.memref_slice %arg7[%dma_start3A_89] : memref<16384xf32, #tpu.memory_space<hbm>> -> memref<16384xf32, #tpu.memory_space<hbm>>
    tpu.enqueue_indirect_dma source(%dma_start3A_90 : memref<16384xf32, #tpu.memory_space<hbm>>) target(%dma_start3A_86 : memref<128xf32, #tpu.memory_space<vmem>>) offsets(%dma_start3A_88 : memref<128xi32, #tpu.memory_space<vmem>>) semaphore(%arg23 : memref<!tpu.dma_semaphore, #tpu.memory_space<semaphore_mem>>)
    %dma_start3A_91 = arith.constant 128 : i32
    %dma_start3A_92 = tpu.memref_slice %arg17[%dma_start3A_91] : memref<512xf32, #tpu.memory_space<vmem>> -> memref<128xf32, #tpu.memory_space<vmem>>
    %dma_start3A_93 = arith.constant 128 : i32
    %dma_start3A_94 = tpu.memref_slice %arg14[%dma_start3A_93] : memref<512xi32, #tpu.memory_space<vmem>> -> memref<128xi32, #tpu.memory_space<vmem>>
    %dma_start3A_95 = arith.constant 0 : i32
    %dma_start3A_96 = tpu.memref_slice %arg7[%dma_start3A_95] : memref<16384xf32, #tpu.memory_space<hbm>> -> memref<16384xf32, #tpu.memory_space<hbm>>
    tpu.enqueue_indirect_dma source(%dma_start3A_96 : memref<16384xf32, #tpu.memory_space<hbm>>) target(%dma_start3A_92 : memref<128xf32, #tpu.memory_space<vmem>>) offsets(%dma_start3A_94 : memref<128xi32, #tpu.memory_space<vmem>>) semaphore(%arg23 : memref<!tpu.dma_semaphore, #tpu.memory_space<semaphore_mem>>)
    %dma_start3A_97 = arith.constant 256 : i32
    %dma_start3A_98 = tpu.memref_slice %arg17[%dma_start3A_97] : memref<512xf32, #tpu.memory_space<vmem>> -> memref<128xf32, #tpu.memory_space<vmem>>
    %dma_start3A_99 = arith.constant 256 : i32
    %dma_start3A_100 = tpu.memref_slice %arg14[%dma_start3A_99] : memref<512xi32, #tpu.memory_space<vmem>> -> memref<128xi32, #tpu.memory_space<vmem>>
    %dma_start3A_101 = arith.constant 0 : i32
    %dma_start3A_102 = tpu.memref_slice %arg7[%dma_start3A_101] : memref<16384xf32, #tpu.memory_space<hbm>> -> memref<16384xf32, #tpu.memory_space<hbm>>
    tpu.enqueue_indirect_dma source(%dma_start3A_102 : memref<16384xf32, #tpu.memory_space<hbm>>) target(%dma_start3A_98 : memref<128xf32, #tpu.memory_space<vmem>>) offsets(%dma_start3A_100 : memref<128xi32, #tpu.memory_space<vmem>>) semaphore(%arg23 : memref<!tpu.dma_semaphore, #tpu.memory_space<semaphore_mem>>)
    %dma_start3A_103 = arith.constant 384 : i32
    %dma_start3A_104 = tpu.memref_slice %arg17[%dma_start3A_103] : memref<512xf32, #tpu.memory_space<vmem>> -> memref<128xf32, #tpu.memory_space<vmem>>
    %dma_start3A_105 = arith.constant 384 : i32
    %dma_start3A_106 = tpu.memref_slice %arg14[%dma_start3A_105] : memref<512xi32, #tpu.memory_space<vmem>> -> memref<128xi32, #tpu.memory_space<vmem>>
    %dma_start3A_107 = arith.constant 0 : i32
    %dma_start3A_108 = tpu.memref_slice %arg7[%dma_start3A_107] : memref<16384xf32, #tpu.memory_space<hbm>> -> memref<16384xf32, #tpu.memory_space<hbm>>
    tpu.enqueue_indirect_dma source(%dma_start3A_108 : memref<16384xf32, #tpu.memory_space<hbm>>) target(%dma_start3A_104 : memref<128xf32, #tpu.memory_space<vmem>>) offsets(%dma_start3A_106 : memref<128xi32, #tpu.memory_space<vmem>>) semaphore(%arg23 : memref<!tpu.dma_semaphore, #tpu.memory_space<semaphore_mem>>)
    %scan3A_109 = arith.constant 0 : i32
    %scan3A_110 = arith.constant 0 : i32
    %scan3A_111 = arith.constant 17 : i32
    %scan3A_112 = arith.addi %scan3A_110, %scan3A_111 : i32
    %scan3A_113 = arith.constant 1 : i32
    scf.for %scan3A_364 = %scan3A_110 to %scan3A_112 step %scan3A_113  : i32 {
      %mul3A_365 = arith.constant 16 : i32
      %mul3A_366 = arith.muli %scan3A_364, %mul3A_365 : i32
      %add3A_367 = arith.addi %mul3A_2, %mul3A_366 : i32
      %add3A_368 = vector.broadcast %add3A_367 : i32 to vector<16xi32>
      %add3A_369 = arith.addi %add3A_368, %iota3A : vector<16xi32>
      %mul3A_370 = arith.constant 16 : i32
      %mul3A_371 = arith.muli %scan3A_364, %mul3A_370 : i32
      %swap3A = arith.index_cast %mul3A_371 : i32 to index
      %swap3A_372 = tpu.vector_load %arg18[%swap3A] {strides = array<i32>} : memref<272xi32, #tpu.memory_space<vmem>>, vector<16xi32>,
      tpu.vector_store %arg18[%swap3A], %add3A_369 {strides = array<i32>} : memref<272xi32, #tpu.memory_space<vmem>>, vector<16xi32>,
    }
    %scan3A_114 = arith.constant 17 : i32
    %scan3A_115 = arith.constant 0 : i32
    %scan3A_116 = arith.constant 0 : i32
    %scan3A_117 = arith.constant 16 : i32
    %scan3A_118 = arith.addi %scan3A_116, %scan3A_117 : i32
    %scan3A_119 = arith.constant 1 : i32
    %scan3A_120 = scf.for %scan3A_364 = %scan3A_116 to %scan3A_118 step %scan3A_119 iter_args(%scan3A_365 = %scan3A_115) -> (i32)  : i32 {
      %mul3A_366 = arith.constant 16 : i32
      %mul3A_367 = arith.muli %scan3A_364, %mul3A_366 : i32
      %add3A_368 = arith.constant 0 : i32
      %add3A_369 = arith.addi %add3A_368, %mul3A_367 : i32
      %get3A = arith.index_cast %add3A_369 : i32 to index
      %get3A_370 = tpu.vector_load %arg13[%get3A] {strides = array<i32>} : memref<512xi32, #tpu.memory_space<vmem>>, vector<16xi32>,
      %ge3A = arith.constant 0 : i32
      %ge3A_371 = vector.broadcast %ge3A : i32 to vector<16xi32>
      %ge3A_372 = arith.cmpi sge, %get3A_370, %ge3A_371 : vector<16xi32>
      %convert_element_type3A = arith.extui %ge3A_372 : vector<16xi1> to vector<16xi32>
      %broadcast_in_dim3A_373 = arith.constant true
      %broadcast_in_dim3A_374 = vector.broadcast %broadcast_in_dim3A_373 : i1 to vector<16xi1>
      %masked_cumsum3A = tpu.scan <sum>, %convert_element_type3A masked %broadcast_in_dim3A_374 : vector<16xi32>, vector<16xi1> -> vector<16xi32>
      %add3A_375 = vector.broadcast %scan3A_365 : i32 to vector<16xi32>
      %add3A_376 = arith.addi %add3A_375, %masked_cumsum3A : vector<16xi32>
      %sub3A_377 = arith.constant 1 : i32
      %sub3A_378 = vector.broadcast %sub3A_377 : i32 to vector<16xi32>
      %sub3A_379 = arith.subi %add3A_376, %sub3A_378 : vector<16xi32>
      %jit3A_380 = arith.constant 0 : i32
      %broadcast_in_dim3A_381 = vector.broadcast %jit3A_380 : i32 to vector<16xi32>
      %select_n3A_382 = arith.select %ge3A_372, %sub3A_379, %broadcast_in_dim3A_381 : vector<16xi1>, vector<16xi32>
      %jit3A_383 = arith.constant 0 : i32
      %broadcast_in_dim3A_384 = vector.broadcast %jit3A_383 : i32 to vector<16xi32>
      %select_n3A_385 = arith.select %ge3A_372, %get3A_370, %broadcast_in_dim3A_384 : vector<16xi1>, vector<16xi32>
      tpu.vector_store_idx %arg18[%select_n3A_382], %select_n3A_385 masked %ge3A_372 : memref<272xi32, #tpu.memory_space<vmem>>[vector<16xi32>], vector<16xi32>, vector<16xi1>
      %mul3A_386 = arith.constant 16 : i32
      %mul3A_387 = arith.muli %scan3A_364, %mul3A_386 : i32
      %add3A_388 = vector.broadcast %mul3A_387 : i32 to vector<16xi32>
      %add3A_389 = arith.addi %iota3A, %add3A_388 : vector<16xi32>
      tpu.vector_store_idx %arg19[%select_n3A_382], %add3A_389 masked %ge3A_372 : memref<272xi32, #tpu.memory_space<vmem>>[vector<16xi32>], vector<16xi32>, vector<16xi1>
      %slice3A = vector.extract_strided_slice %masked_cumsum3A {offsets = [15], sizes = [1], strides = [1]} : vector<16xi32> to vector<1xi32>
      %squeeze3A = vector.extract %slice3A[0] : i32 from vector<1xi32>
      %add3A_390 = arith.addi %scan3A_365, %squeeze3A : i32
      scf.yield %add3A_390 : i32
    }
    %scan3A_121 = arith.constant 16 : i32
    %add3A_122 = arith.constant 16 : i32
    %add3A_123 = arith.addi %scan3A_120, %add3A_122 : i32
    %sub3A = arith.constant 1 : i32
    %sub3A_124 = arith.subi %add3A_123, %sub3A : i32
    %jit3A = arith.constant 16 : i32
    %div3A = arith.divsi %sub3A_124, %jit3A : i32
    %sign3A = arith.constant 0 : i32
    %sign3A_125 = arith.cmpi sgt, %sub3A_124, %sign3A : i32
    %sign3A_126 = arith.extui %sign3A_125 : i1 to i32
    %sign3A_127 = arith.constant 0 : i32
    %sign3A_128 = arith.cmpi slt, %sub3A_124, %sign3A_127 : i32
    %sign3A_129 = arith.extui %sign3A_128 : i1 to i32
    %sign3A_130 = arith.subi %sign3A_126, %sign3A_129 : i32
    %sign3A_131 = arith.constant 0 : i32
    %sign3A_132 = arith.cmpi sgt, %jit3A, %sign3A_131 : i32
    %sign3A_133 = arith.extui %sign3A_132 : i1 to i32
    %sign3A_134 = arith.constant 0 : i32
    %sign3A_135 = arith.cmpi slt, %jit3A, %sign3A_134 : i32
    %sign3A_136 = arith.extui %sign3A_135 : i1 to i32
    %sign3A_137 = arith.subi %sign3A_133, %sign3A_136 : i32
    %ne3A = arith.cmpi ne, %sign3A_130, %sign3A_137 : i32
    %rem3A = arith.remsi %sub3A_124, %jit3A : i32
    %ne3A_138 = arith.constant 0 : i32
    %ne3A_139 = arith.cmpi ne, %rem3A, %ne3A_138 : i32
    %and3A = arith.andi %ne3A, %ne3A_139 : i1
    %sub3A_140 = arith.constant 1 : i32
    %sub3A_141 = arith.subi %div3A, %sub3A_140 : i32
    %select_n3A = arith.select %and3A, %sub3A_141, %div3A : i32
    %while3A = arith.constant 0 : i32
    %while3A_142 = arith.constant 0 : i32
    %while3A_143 = arith.subi %select_n3A, %while3A_142 : i32
    %while3A_144 = arith.addi %while3A_142, %while3A_143 : i32
    %while3A_145 = arith.constant 1 : i32
    %while3A_146 = arith.divsi %while3A_143, %while3A_145 : i32
    %while3A_147 = arith.muli %while3A_146, %while3A_145 : i32
    %while3A_148 = arith.addi %while3A_142, %while3A_147 : i32
    %while3A_149 = arith.constant 1 : i32
    scf.for %while3A_364 = %while3A_142 to %while3A_148 step %while3A_149  : i32 {
      %mul3A_365 = arith.constant 16 : i32
      %mul3A_366 = arith.muli %while3A_364, %mul3A_365 : i32
      %mul3A_367 = arith.constant 16 : i32
      %mul3A_368 = arith.muli %while3A_364, %mul3A_367 : i32
      "tpu.region"() ({
        %run_scoped3A = tpu.sem_alloc : memref<!tpu.dma_semaphore, #tpu.memory_space<semaphore_mem>>
        %dma_start3A_369 = arith.constant 0 : i32
        %dma_start3A_370 = tpu.memref_slice %arg20[%mul3A_368, %dma_start3A_369] : memref<272x128xf32, #tpu.memory_space<vmem>> -> memref<16x128xf32, #tpu.memory_space<vmem>>
        %dma_start3A_371 = tpu.memref_slice %arg18[%mul3A_366] : memref<272xi32, #tpu.memory_space<vmem>> -> memref<16xi32, #tpu.memory_space<vmem>>
        %dma_start3A_372 = arith.constant 0 : i32
        %dma_start3A_373 = arith.constant 0 : i32
        %dma_start3A_374 = tpu.memref_slice %arg4[%dma_start3A_372, %dma_start3A_373] : memref<16384x128xf32, #tpu.memory_space<hbm>> -> memref<16384x128xf32, #tpu.memory_space<hbm>>
        tpu.enqueue_indirect_dma source(%dma_start3A_374 : memref<16384x128xf32, #tpu.memory_space<hbm>>) target(%dma_start3A_370 : memref<16x128xf32, #tpu.memory_space<vmem>>) offsets(%dma_start3A_371 : memref<16xi32, #tpu.memory_space<vmem>>) semaphore(%run_scoped3A : memref<!tpu.dma_semaphore, #tpu.memory_space<semaphore_mem>>)
        %dma_wait3A_375 = arith.constant 0 : i32
        %dma_wait3A_376 = tpu.memref_slice %arg20[%mul3A_368, %dma_wait3A_375] : memref<272x128xf32, #tpu.memory_space<vmem>> -> memref<16x128xf32, #tpu.memory_space<vmem>>
        %dma_wait3A_377 = tpu.memref_slice %arg18[%mul3A_366] : memref<272xi32, #tpu.memory_space<vmem>> -> memref<16xi32, #tpu.memory_space<vmem>>
        %dma_wait3A_378 = arith.constant 0 : i32
        %dma_wait3A_379 = arith.constant 0 : i32
        %dma_wait3A_380 = tpu.memref_slice %arg4[%dma_wait3A_378, %dma_wait3A_379] : memref<16384x128xf32, #tpu.memory_space<hbm>> -> memref<16384x128xf32, #tpu.memory_space<hbm>>
        tpu.wait_indirect_dma semaphore(%run_scoped3A : memref<!tpu.dma_semaphore, #tpu.memory_space<semaphore_mem>>) src(%dma_wait3A_380 : memref<16384x128xf32, #tpu.memory_space<hbm>>) dst(%dma_wait3A_376 : memref<16x128xf32, #tpu.memory_space<vmem>>)
        tpu.yield
      }) : () -> ()
    }
    %while3A_150 = arith.constant 1 : i32
    scf.for %while3A_364 = %while3A_148 to %while3A_144 step %while3A_150  : i32 {
      %mul3A_365 = arith.constant 16 : i32
      %mul3A_366 = arith.muli %while3A_364, %mul3A_365 : i32
      %mul3A_367 = arith.constant 16 : i32
      %mul3A_368 = arith.muli %while3A_364, %mul3A_367 : i32
      "tpu.region"() ({
        %run_scoped3A = tpu.sem_alloc : memref<!tpu.dma_semaphore, #tpu.memory_space<semaphore_mem>>
        %dma_start3A_369 = arith.constant 0 : i32
        %dma_start3A_370 = tpu.memref_slice %arg20[%mul3A_368, %dma_start3A_369] : memref<272x128xf32, #tpu.memory_space<vmem>> -> memref<16x128xf32, #tpu.memory_space<vmem>>
        %dma_start3A_371 = tpu.memref_slice %arg18[%mul3A_366] : memref<272xi32, #tpu.memory_space<vmem>> -> memref<16xi32, #tpu.memory_space<vmem>>
        %dma_start3A_372 = arith.constant 0 : i32
        %dma_start3A_373 = arith.constant 0 : i32
        %dma_start3A_374 = tpu.memref_slice %arg4[%dma_start3A_372, %dma_start3A_373] : memref<16384x128xf32, #tpu.memory_space<hbm>> -> memref<16384x128xf32, #tpu.memory_space<hbm>>
        tpu.enqueue_indirect_dma source(%dma_start3A_374 : memref<16384x128xf32, #tpu.memory_space<hbm>>) target(%dma_start3A_370 : memref<16x128xf32, #tpu.memory_space<vmem>>) offsets(%dma_start3A_371 : memref<16xi32, #tpu.memory_space<vmem>>) semaphore(%run_scoped3A : memref<!tpu.dma_semaphore, #tpu.memory_space<semaphore_mem>>)
        %dma_wait3A_375 = arith.constant 0 : i32
        %dma_wait3A_376 = tpu.memref_slice %arg20[%mul3A_368, %dma_wait3A_375] : memref<272x128xf32, #tpu.memory_space<vmem>> -> memref<16x128xf32, #tpu.memory_space<vmem>>
        %dma_wait3A_377 = tpu.memref_slice %arg18[%mul3A_366] : memref<272xi32, #tpu.memory_space<vmem>> -> memref<16xi32, #tpu.memory_space<vmem>>
        %dma_wait3A_378 = arith.constant 0 : i32
        %dma_wait3A_379 = arith.constant 0 : i32
        %dma_wait3A_380 = tpu.memref_slice %arg4[%dma_wait3A_378, %dma_wait3A_379] : memref<16384x128xf32, #tpu.memory_space<hbm>> -> memref<16384x128xf32, #tpu.memory_space<hbm>>
        tpu.wait_indirect_dma semaphore(%run_scoped3A : memref<!tpu.dma_semaphore, #tpu.memory_space<semaphore_mem>>) src(%dma_wait3A_380 : memref<16384x128xf32, #tpu.memory_space<hbm>>) dst(%dma_wait3A_376 : memref<16x128xf32, #tpu.memory_space<vmem>>)
        tpu.yield
      }) : () -> ()
    }
    %while3A_151 = arith.constant 0 : i32
    %while3A_152 = arith.constant 0 : i32
    %while3A_153 = arith.subi %scan3A_120, %while3A_152 : i32
    %while3A_154 = arith.addi %while3A_152, %while3A_153 : i32
    %while3A_155 = arith.constant 1 : i32
    %while3A_156 = arith.divsi %while3A_153, %while3A_155 : i32
    %while3A_157 = arith.muli %while3A_156, %while3A_155 : i32
    %while3A_158 = arith.addi %while3A_152, %while3A_157 : i32
    %while3A_159 = arith.constant 1 : i32
    scf.for %while3A_364 = %while3A_152 to %while3A_158 step %while3A_159  : i32 {
      %broadcast_in_dim3A_365 = vector.broadcast %while3A_364 : i32 to vector<16xi32>
      %gather3A = tpu.vector_load_idx %arg19[%broadcast_in_dim3A_365] : memref<272xi32, #tpu.memory_space<vmem>>[vector<16xi32>], vector<16xi32>,
      %slice3A = vector.extract_strided_slice %gather3A {offsets = [0], sizes = [1], strides = [1]} : vector<16xi32> to vector<1xi32>
      %squeeze3A = vector.extract %slice3A[0] : i32 from vector<1xi32>
      %get3A = arith.index_cast %while3A_364 : i32 to index
      %get3A_366 = arith.constant 0 : index
      %get3A_367 = tpu.vector_load %arg20[%get3A, %get3A_366] {strides = array<i32>} : memref<272x128xf32, #tpu.memory_space<vmem>>, vector<16xf32>,
      %swap3A = arith.index_cast %squeeze3A : i32 to index
      %swap3A_368 = arith.constant 0 : index
      %swap3A_369 = tpu.vector_load %arg21[%swap3A, %swap3A_368] {strides = array<i32>} : memref<256x128xf32, #tpu.memory_space<vmem>>, vector<16xf32>,
      tpu.vector_store %arg21[%swap3A, %swap3A_368], %get3A_367 {strides = array<i32>} : memref<256x128xf32, #tpu.memory_space<vmem>>, vector<16xf32>,
      %get3A_370 = arith.index_cast %while3A_364 : i32 to index
      %get3A_371 = arith.constant 16 : index
      %get3A_372 = tpu.vector_load %arg20[%get3A_370, %get3A_371] {strides = array<i32>} : memref<272x128xf32, #tpu.memory_space<vmem>>, vector<16xf32>,
      %swap3A_373 = arith.index_cast %squeeze3A : i32 to index
      %swap3A_374 = arith.constant 16 : index
      %swap3A_375 = tpu.vector_load %arg21[%swap3A_373, %swap3A_374] {strides = array<i32>} : memref<256x128xf32, #tpu.memory_space<vmem>>, vector<16xf32>,
      tpu.vector_store %arg21[%swap3A_373, %swap3A_374], %get3A_372 {strides = array<i32>} : memref<256x128xf32, #tpu.memory_space<vmem>>, vector<16xf32>,
      %get3A_376 = arith.index_cast %while3A_364 : i32 to index
      %get3A_377 = arith.constant 32 : index
      %get3A_378 = tpu.vector_load %arg20[%get3A_376, %get3A_377] {strides = array<i32>} : memref<272x128xf32, #tpu.memory_space<vmem>>, vector<16xf32>,
      %swap3A_379 = arith.index_cast %squeeze3A : i32 to index
      %swap3A_380 = arith.constant 32 : index
      %swap3A_381 = tpu.vector_load %arg21[%swap3A_379, %swap3A_380] {strides = array<i32>} : memref<256x128xf32, #tpu.memory_space<vmem>>, vector<16xf32>,
      tpu.vector_store %arg21[%swap3A_379, %swap3A_380], %get3A_378 {strides = array<i32>} : memref<256x128xf32, #tpu.memory_space<vmem>>, vector<16xf32>,
      %get3A_382 = arith.index_cast %while3A_364 : i32 to index
      %get3A_383 = arith.constant 48 : index
      %get3A_384 = tpu.vector_load %arg20[%get3A_382, %get3A_383] {strides = array<i32>} : memref<272x128xf32, #tpu.memory_space<vmem>>, vector<16xf32>,
      %swap3A_385 = arith.index_cast %squeeze3A : i32 to index
      %swap3A_386 = arith.constant 48 : index
      %swap3A_387 = tpu.vector_load %arg21[%swap3A_385, %swap3A_386] {strides = array<i32>} : memref<256x128xf32, #tpu.memory_space<vmem>>, vector<16xf32>,
      tpu.vector_store %arg21[%swap3A_385, %swap3A_386], %get3A_384 {strides = array<i32>} : memref<256x128xf32, #tpu.memory_space<vmem>>, vector<16xf32>,
      %get3A_388 = arith.index_cast %while3A_364 : i32 to index
      %get3A_389 = arith.constant 64 : index
      %get3A_390 = tpu.vector_load %arg20[%get3A_388, %get3A_389] {strides = array<i32>} : memref<272x128xf32, #tpu.memory_space<vmem>>, vector<16xf32>,
      %swap3A_391 = arith.index_cast %squeeze3A : i32 to index
      %swap3A_392 = arith.constant 64 : index
      %swap3A_393 = tpu.vector_load %arg21[%swap3A_391, %swap3A_392] {strides = array<i32>} : memref<256x128xf32, #tpu.memory_space<vmem>>, vector<16xf32>,
      tpu.vector_store %arg21[%swap3A_391, %swap3A_392], %get3A_390 {strides = array<i32>} : memref<256x128xf32, #tpu.memory_space<vmem>>, vector<16xf32>,
      %get3A_394 = arith.index_cast %while3A_364 : i32 to index
      %get3A_395 = arith.constant 80 : index
      %get3A_396 = tpu.vector_load %arg20[%get3A_394, %get3A_395] {strides = array<i32>} : memref<272x128xf32, #tpu.memory_space<vmem>>, vector<16xf32>,
      %swap3A_397 = arith.index_cast %squeeze3A : i32 to index
      %swap3A_398 = arith.constant 80 : index
      %swap3A_399 = tpu.vector_load %arg21[%swap3A_397, %swap3A_398] {strides = array<i32>} : memref<256x128xf32, #tpu.memory_space<vmem>>, vector<16xf32>,
      tpu.vector_store %arg21[%swap3A_397, %swap3A_398], %get3A_396 {strides = array<i32>} : memref<256x128xf32, #tpu.memory_space<vmem>>, vector<16xf32>,
      %get3A_400 = arith.index_cast %while3A_364 : i32 to index
      %get3A_401 = arith.constant 96 : index
      %get3A_402 = tpu.vector_load %arg20[%get3A_400, %get3A_401] {strides = array<i32>} : memref<272x128xf32, #tpu.memory_space<vmem>>, vector<16xf32>,
      %swap3A_403 = arith.index_cast %squeeze3A : i32 to index
      %swap3A_404 = arith.constant 96 : index
      %swap3A_405 = tpu.vector_load %arg21[%swap3A_403, %swap3A_404] {strides = array<i32>} : memref<256x128xf32, #tpu.memory_space<vmem>>, vector<16xf32>,
      tpu.vector_store %arg21[%swap3A_403, %swap3A_404], %get3A_402 {strides = array<i32>} : memref<256x128xf32, #tpu.memory_space<vmem>>, vector<16xf32>,
      %get3A_406 = arith.index_cast %while3A_364 : i32 to index
      %get3A_407 = arith.constant 112 : index
      %get3A_408 = tpu.vector_load %arg20[%get3A_406, %get3A_407] {strides = array<i32>} : memref<272x128xf32, #tpu.memory_space<vmem>>, vector<16xf32>,
      %swap3A_409 = arith.index_cast %squeeze3A : i32 to index
      %swap3A_410 = arith.constant 112 : index
      %swap3A_411 = tpu.vector_load %arg21[%swap3A_409, %swap3A_410] {strides = array<i32>} : memref<256x128xf32, #tpu.memory_space<vmem>>, vector<16xf32>,
      tpu.vector_store %arg21[%swap3A_409, %swap3A_410], %get3A_408 {strides = array<i32>} : memref<256x128xf32, #tpu.memory_space<vmem>>, vector<16xf32>,
    }
    %while3A_160 = arith.constant 1 : i32
    scf.for %while3A_364 = %while3A_158 to %while3A_154 step %while3A_160  : i32 {
      %broadcast_in_dim3A_365 = vector.broadcast %while3A_364 : i32 to vector<16xi32>
      %gather3A = tpu.vector_load_idx %arg19[%broadcast_in_dim3A_365] : memref<272xi32, #tpu.memory_space<vmem>>[vector<16xi32>], vector<16xi32>,
      %slice3A = vector.extract_strided_slice %gather3A {offsets = [0], sizes = [1], strides = [1]} : vector<16xi32> to vector<1xi32>
      %squeeze3A = vector.extract %slice3A[0] : i32 from vector<1xi32>
      %get3A = arith.index_cast %while3A_364 : i32 to index
      %get3A_366 = arith.constant 0 : index
      %get3A_367 = tpu.vector_load %arg20[%get3A, %get3A_366] {strides = array<i32>} : memref<272x128xf32, #tpu.memory_space<vmem>>, vector<16xf32>,
      %swap3A = arith.index_cast %squeeze3A : i32 to index
      %swap3A_368 = arith.constant 0 : index
      %swap3A_369 = tpu.vector_load %arg21[%swap3A, %swap3A_368] {strides = array<i32>} : memref<256x128xf32, #tpu.memory_space<vmem>>, vector<16xf32>,
      tpu.vector_store %arg21[%swap3A, %swap3A_368], %get3A_367 {strides = array<i32>} : memref<256x128xf32, #tpu.memory_space<vmem>>, vector<16xf32>,
      %get3A_370 = arith.index_cast %while3A_364 : i32 to index
      %get3A_371 = arith.constant 16 : index
      %get3A_372 = tpu.vector_load %arg20[%get3A_370, %get3A_371] {strides = array<i32>} : memref<272x128xf32, #tpu.memory_space<vmem>>, vector<16xf32>,
      %swap3A_373 = arith.index_cast %squeeze3A : i32 to index
      %swap3A_374 = arith.constant 16 : index
      %swap3A_375 = tpu.vector_load %arg21[%swap3A_373, %swap3A_374] {strides = array<i32>} : memref<256x128xf32, #tpu.memory_space<vmem>>, vector<16xf32>,
      tpu.vector_store %arg21[%swap3A_373, %swap3A_374], %get3A_372 {strides = array<i32>} : memref<256x128xf32, #tpu.memory_space<vmem>>, vector<16xf32>,
      %get3A_376 = arith.index_cast %while3A_364 : i32 to index
      %get3A_377 = arith.constant 32 : index
      %get3A_378 = tpu.vector_load %arg20[%get3A_376, %get3A_377] {strides = array<i32>} : memref<272x128xf32, #tpu.memory_space<vmem>>, vector<16xf32>,
      %swap3A_379 = arith.index_cast %squeeze3A : i32 to index
      %swap3A_380 = arith.constant 32 : index
      %swap3A_381 = tpu.vector_load %arg21[%swap3A_379, %swap3A_380] {strides = array<i32>} : memref<256x128xf32, #tpu.memory_space<vmem>>, vector<16xf32>,
      tpu.vector_store %arg21[%swap3A_379, %swap3A_380], %get3A_378 {strides = array<i32>} : memref<256x128xf32, #tpu.memory_space<vmem>>, vector<16xf32>,
      %get3A_382 = arith.index_cast %while3A_364 : i32 to index
      %get3A_383 = arith.constant 48 : index
      %get3A_384 = tpu.vector_load %arg20[%get3A_382, %get3A_383] {strides = array<i32>} : memref<272x128xf32, #tpu.memory_space<vmem>>, vector<16xf32>,
      %swap3A_385 = arith.index_cast %squeeze3A : i32 to index
      %swap3A_386 = arith.constant 48 : index
      %swap3A_387 = tpu.vector_load %arg21[%swap3A_385, %swap3A_386] {strides = array<i32>} : memref<256x128xf32, #tpu.memory_space<vmem>>, vector<16xf32>,
      tpu.vector_store %arg21[%swap3A_385, %swap3A_386], %get3A_384 {strides = array<i32>} : memref<256x128xf32, #tpu.memory_space<vmem>>, vector<16xf32>,
      %get3A_388 = arith.index_cast %while3A_364 : i32 to index
      %get3A_389 = arith.constant 64 : index
      %get3A_390 = tpu.vector_load %arg20[%get3A_388, %get3A_389] {strides = array<i32>} : memref<272x128xf32, #tpu.memory_space<vmem>>, vector<16xf32>,
      %swap3A_391 = arith.index_cast %squeeze3A : i32 to index
      %swap3A_392 = arith.constant 64 : index
      %swap3A_393 = tpu.vector_load %arg21[%swap3A_391, %swap3A_392] {strides = array<i32>} : memref<256x128xf32, #tpu.memory_space<vmem>>, vector<16xf32>,
      tpu.vector_store %arg21[%swap3A_391, %swap3A_392], %get3A_390 {strides = array<i32>} : memref<256x128xf32, #tpu.memory_space<vmem>>, vector<16xf32>,
      %get3A_394 = arith.index_cast %while3A_364 : i32 to index
      %get3A_395 = arith.constant 80 : index
      %get3A_396 = tpu.vector_load %arg20[%get3A_394, %get3A_395] {strides = array<i32>} : memref<272x128xf32, #tpu.memory_space<vmem>>, vector<16xf32>,
      %swap3A_397 = arith.index_cast %squeeze3A : i32 to index
      %swap3A_398 = arith.constant 80 : index
      %swap3A_399 = tpu.vector_load %arg21[%swap3A_397, %swap3A_398] {strides = array<i32>} : memref<256x128xf32, #tpu.memory_space<vmem>>, vector<16xf32>,
      tpu.vector_store %arg21[%swap3A_397, %swap3A_398], %get3A_396 {strides = array<i32>} : memref<256x128xf32, #tpu.memory_space<vmem>>, vector<16xf32>,
      %get3A_400 = arith.index_cast %while3A_364 : i32 to index
      %get3A_401 = arith.constant 96 : index
      %get3A_402 = tpu.vector_load %arg20[%get3A_400, %get3A_401] {strides = array<i32>} : memref<272x128xf32, #tpu.memory_space<vmem>>, vector<16xf32>,
      %swap3A_403 = arith.index_cast %squeeze3A : i32 to index
      %swap3A_404 = arith.constant 96 : index
      %swap3A_405 = tpu.vector_load %arg21[%swap3A_403, %swap3A_404] {strides = array<i32>} : memref<256x128xf32, #tpu.memory_space<vmem>>, vector<16xf32>,
      tpu.vector_store %arg21[%swap3A_403, %swap3A_404], %get3A_402 {strides = array<i32>} : memref<256x128xf32, #tpu.memory_space<vmem>>, vector<16xf32>,
      %get3A_406 = arith.index_cast %while3A_364 : i32 to index
      %get3A_407 = arith.constant 112 : index
      %get3A_408 = tpu.vector_load %arg20[%get3A_406, %get3A_407] {strides = array<i32>} : memref<272x128xf32, #tpu.memory_space<vmem>>, vector<16xf32>,
      %swap3A_409 = arith.index_cast %squeeze3A : i32 to index
      %swap3A_410 = arith.constant 112 : index
      %swap3A_411 = tpu.vector_load %arg21[%swap3A_409, %swap3A_410] {strides = array<i32>} : memref<256x128xf32, #tpu.memory_space<vmem>>, vector<16xf32>,
      tpu.vector_store %arg21[%swap3A_409, %swap3A_410], %get3A_408 {strides = array<i32>} : memref<256x128xf32, #tpu.memory_space<vmem>>, vector<16xf32>,
    }
    %add3A_161 = arith.constant 0 : i32
    %add3A_162 = arith.addi %mul3A_2, %add3A_161 : i32
    "tpu.region"() ({
      %run_scoped3A = tpu.sem_alloc : memref<!tpu.dma_semaphore, #tpu.memory_space<semaphore_mem>>
      %dma_start3A_364 = arith.constant 0 : i32
      %dma_start3A_365 = tpu.memref_slice %arg8[%add3A_162, %dma_start3A_364] : memref<16384x128xf32, #tpu.memory_space<hbm>> -> memref<256x128xf32, #tpu.memory_space<hbm>>
      %dma_start3A_366 = arith.constant 0 : i32
      %dma_start3A_367 = tpu.memref_slice %arg8[%add3A_162, %dma_start3A_366] : memref<16384x128xf32, #tpu.memory_space<hbm>> -> memref<256x128xf32, #tpu.memory_space<hbm>>
      tpu.enqueue_dma source(%arg21 : memref<256x128xf32, #tpu.memory_space<vmem>>) target(%dma_start3A_367 : memref<256x128xf32, #tpu.memory_space<hbm>>) target_semaphore(%run_scoped3A : memref<!tpu.dma_semaphore, #tpu.memory_space<semaphore_mem>>)
      %dma_wait3A_368 = arith.constant 0 : i32
      %dma_wait3A_369 = tpu.memref_slice %arg8[%add3A_162, %dma_wait3A_368] : memref<16384x128xf32, #tpu.memory_space<hbm>> -> memref<256x128xf32, #tpu.memory_space<hbm>>
      %dma_wait3A_370 = arith.constant 0 : i32
      %dma_wait3A_371 = tpu.memref_slice %arg8[%add3A_162, %dma_wait3A_370] : memref<16384x128xf32, #tpu.memory_space<hbm>> -> memref<256x128xf32, #tpu.memory_space<hbm>>
      tpu.wait_dma2 semaphore(%run_scoped3A : memref<!tpu.dma_semaphore, #tpu.memory_space<semaphore_mem>>) src(%arg21 : memref<256x128xf32, #tpu.memory_space<vmem>>) dst(%dma_wait3A_371 : memref<256x128xf32, #tpu.memory_space<hbm>>)
      tpu.yield
    }) : () -> ()
    %while3A_163 = arith.constant 0 : i32
    %while3A_164 = arith.constant 0 : i32
    %while3A_165 = arith.subi %scan3A_120, %while3A_164 : i32
    %while3A_166 = arith.addi %while3A_164, %while3A_165 : i32
    %while3A_167 = arith.constant 1 : i32
    %while3A_168 = arith.divsi %while3A_165, %while3A_167 : i32
    %while3A_169 = arith.muli %while3A_168, %while3A_167 : i32
    %while3A_170 = arith.addi %while3A_164, %while3A_169 : i32
    %while3A_171 = arith.constant 1 : i32
    scf.for %while3A_364 = %while3A_164 to %while3A_170 step %while3A_171  : i32 {
      %broadcast_in_dim3A_365 = vector.broadcast %while3A_364 : i32 to vector<16xi32>
      %gather3A = tpu.vector_load_idx %arg19[%broadcast_in_dim3A_365] : memref<272xi32, #tpu.memory_space<vmem>>[vector<16xi32>], vector<16xi32>,
      %slice3A = vector.extract_strided_slice %gather3A {offsets = [0], sizes = [1], strides = [1]} : vector<16xi32> to vector<1xi32>
      %squeeze3A = vector.extract %slice3A[0] : i32 from vector<1xi32>
      %swap3A = arith.index_cast %squeeze3A : i32 to index
      %swap3A_366 = arith.constant 0 : index
      %swap3A_367 = tpu.vector_load %arg21[%swap3A, %swap3A_366] {strides = array<i32>} : memref<256x128xf32, #tpu.memory_space<vmem>>, vector<16xf32>,
      tpu.vector_store %arg21[%swap3A, %swap3A_366], %broadcast_in_dim3A_3 {strides = array<i32>} : memref<256x128xf32, #tpu.memory_space<vmem>>, vector<16xf32>,
      %swap3A_368 = arith.index_cast %squeeze3A : i32 to index
      %swap3A_369 = arith.constant 16 : index
      %swap3A_370 = tpu.vector_load %arg21[%swap3A_368, %swap3A_369] {strides = array<i32>} : memref<256x128xf32, #tpu.memory_space<vmem>>, vector<16xf32>,
      tpu.vector_store %arg21[%swap3A_368, %swap3A_369], %broadcast_in_dim3A_3 {strides = array<i32>} : memref<256x128xf32, #tpu.memory_space<vmem>>, vector<16xf32>,
      %swap3A_371 = arith.index_cast %squeeze3A : i32 to index
      %swap3A_372 = arith.constant 32 : index
      %swap3A_373 = tpu.vector_load %arg21[%swap3A_371, %swap3A_372] {strides = array<i32>} : memref<256x128xf32, #tpu.memory_space<vmem>>, vector<16xf32>,
      tpu.vector_store %arg21[%swap3A_371, %swap3A_372], %broadcast_in_dim3A_3 {strides = array<i32>} : memref<256x128xf32, #tpu.memory_space<vmem>>, vector<16xf32>,
      %swap3A_374 = arith.index_cast %squeeze3A : i32 to index
      %swap3A_375 = arith.constant 48 : index
      %swap3A_376 = tpu.vector_load %arg21[%swap3A_374, %swap3A_375] {strides = array<i32>} : memref<256x128xf32, #tpu.memory_space<vmem>>, vector<16xf32>,
      tpu.vector_store %arg21[%swap3A_374, %swap3A_375], %broadcast_in_dim3A_3 {strides = array<i32>} : memref<256x128xf32, #tpu.memory_space<vmem>>, vector<16xf32>,
      %swap3A_377 = arith.index_cast %squeeze3A : i32 to index
      %swap3A_378 = arith.constant 64 : index
      %swap3A_379 = tpu.vector_load %arg21[%swap3A_377, %swap3A_378] {strides = array<i32>} : memref<256x128xf32, #tpu.memory_space<vmem>>, vector<16xf32>,
      tpu.vector_store %arg21[%swap3A_377, %swap3A_378], %broadcast_in_dim3A_3 {strides = array<i32>} : memref<256x128xf32, #tpu.memory_space<vmem>>, vector<16xf32>,
      %swap3A_380 = arith.index_cast %squeeze3A : i32 to index
      %swap3A_381 = arith.constant 80 : index
      %swap3A_382 = tpu.vector_load %arg21[%swap3A_380, %swap3A_381] {strides = array<i32>} : memref<256x128xf32, #tpu.memory_space<vmem>>, vector<16xf32>,
      tpu.vector_store %arg21[%swap3A_380, %swap3A_381], %broadcast_in_dim3A_3 {strides = array<i32>} : memref<256x128xf32, #tpu.memory_space<vmem>>, vector<16xf32>,
      %swap3A_383 = arith.index_cast %squeeze3A : i32 to index
      %swap3A_384 = arith.constant 96 : index
      %swap3A_385 = tpu.vector_load %arg21[%swap3A_383, %swap3A_384] {strides = array<i32>} : memref<256x128xf32, #tpu.memory_space<vmem>>, vector<16xf32>,
      tpu.vector_store %arg21[%swap3A_383, %swap3A_384], %broadcast_in_dim3A_3 {strides = array<i32>} : memref<256x128xf32, #tpu.memory_space<vmem>>, vector<16xf32>,
      %swap3A_386 = arith.index_cast %squeeze3A : i32 to index
      %swap3A_387 = arith.constant 112 : index
      %swap3A_388 = tpu.vector_load %arg21[%swap3A_386, %swap3A_387] {strides = array<i32>} : memref<256x128xf32, #tpu.memory_space<vmem>>, vector<16xf32>,
      tpu.vector_store %arg21[%swap3A_386, %swap3A_387], %broadcast_in_dim3A_3 {strides = array<i32>} : memref<256x128xf32, #tpu.memory_space<vmem>>, vector<16xf32>,
    }
    %while3A_172 = arith.constant 1 : i32
    scf.for %while3A_364 = %while3A_170 to %while3A_166 step %while3A_172  : i32 {
      %broadcast_in_dim3A_365 = vector.broadcast %while3A_364 : i32 to vector<16xi32>
      %gather3A = tpu.vector_load_idx %arg19[%broadcast_in_dim3A_365] : memref<272xi32, #tpu.memory_space<vmem>>[vector<16xi32>], vector<16xi32>,
      %slice3A = vector.extract_strided_slice %gather3A {offsets = [0], sizes = [1], strides = [1]} : vector<16xi32> to vector<1xi32>
      %squeeze3A = vector.extract %slice3A[0] : i32 from vector<1xi32>
      %swap3A = arith.index_cast %squeeze3A : i32 to index
      %swap3A_366 = arith.constant 0 : index
      %swap3A_367 = tpu.vector_load %arg21[%swap3A, %swap3A_366] {strides = array<i32>} : memref<256x128xf32, #tpu.memory_space<vmem>>, vector<16xf32>,
      tpu.vector_store %arg21[%swap3A, %swap3A_366], %broadcast_in_dim3A_3 {strides = array<i32>} : memref<256x128xf32, #tpu.memory_space<vmem>>, vector<16xf32>,
      %swap3A_368 = arith.index_cast %squeeze3A : i32 to index
      %swap3A_369 = arith.constant 16 : index
      %swap3A_370 = tpu.vector_load %arg21[%swap3A_368, %swap3A_369] {strides = array<i32>} : memref<256x128xf32, #tpu.memory_space<vmem>>, vector<16xf32>,
      tpu.vector_store %arg21[%swap3A_368, %swap3A_369], %broadcast_in_dim3A_3 {strides = array<i32>} : memref<256x128xf32, #tpu.memory_space<vmem>>, vector<16xf32>,
      %swap3A_371 = arith.index_cast %squeeze3A : i32 to index
      %swap3A_372 = arith.constant 32 : index
      %swap3A_373 = tpu.vector_load %arg21[%swap3A_371, %swap3A_372] {strides = array<i32>} : memref<256x128xf32, #tpu.memory_space<vmem>>, vector<16xf32>,
      tpu.vector_store %arg21[%swap3A_371, %swap3A_372], %broadcast_in_dim3A_3 {strides = array<i32>} : memref<256x128xf32, #tpu.memory_space<vmem>>, vector<16xf32>,
      %swap3A_374 = arith.index_cast %squeeze3A : i32 to index
      %swap3A_375 = arith.constant 48 : index
      %swap3A_376 = tpu.vector_load %arg21[%swap3A_374, %swap3A_375] {strides = array<i32>} : memref<256x128xf32, #tpu.memory_space<vmem>>, vector<16xf32>,
      tpu.vector_store %arg21[%swap3A_374, %swap3A_375], %broadcast_in_dim3A_3 {strides = array<i32>} : memref<256x128xf32, #tpu.memory_space<vmem>>, vector<16xf32>,
      %swap3A_377 = arith.index_cast %squeeze3A : i32 to index
      %swap3A_378 = arith.constant 64 : index
      %swap3A_379 = tpu.vector_load %arg21[%swap3A_377, %swap3A_378] {strides = array<i32>} : memref<256x128xf32, #tpu.memory_space<vmem>>, vector<16xf32>,
      tpu.vector_store %arg21[%swap3A_377, %swap3A_378], %broadcast_in_dim3A_3 {strides = array<i32>} : memref<256x128xf32, #tpu.memory_space<vmem>>, vector<16xf32>,
      %swap3A_380 = arith.index_cast %squeeze3A : i32 to index
      %swap3A_381 = arith.constant 80 : index
      %swap3A_382 = tpu.vector_load %arg21[%swap3A_380, %swap3A_381] {strides = array<i32>} : memref<256x128xf32, #tpu.memory_space<vmem>>, vector<16xf32>,
      tpu.vector_store %arg21[%swap3A_380, %swap3A_381], %broadcast_in_dim3A_3 {strides = array<i32>} : memref<256x128xf32, #tpu.memory_space<vmem>>, vector<16xf32>,
      %swap3A_383 = arith.index_cast %squeeze3A : i32 to index
      %swap3A_384 = arith.constant 96 : index
      %swap3A_385 = tpu.vector_load %arg21[%swap3A_383, %swap3A_384] {strides = array<i32>} : memref<256x128xf32, #tpu.memory_space<vmem>>, vector<16xf32>,
      tpu.vector_store %arg21[%swap3A_383, %swap3A_384], %broadcast_in_dim3A_3 {strides = array<i32>} : memref<256x128xf32, #tpu.memory_space<vmem>>, vector<16xf32>,
      %swap3A_386 = arith.index_cast %squeeze3A : i32 to index
      %swap3A_387 = arith.constant 112 : index
      %swap3A_388 = tpu.vector_load %arg21[%swap3A_386, %swap3A_387] {strides = array<i32>} : memref<256x128xf32, #tpu.memory_space<vmem>>, vector<16xf32>,
      tpu.vector_store %arg21[%swap3A_386, %swap3A_387], %broadcast_in_dim3A_3 {strides = array<i32>} : memref<256x128xf32, #tpu.memory_space<vmem>>, vector<16xf32>,
    }
    %while3A_173 = arith.constant 0 : i32
    %while3A_174 = arith.constant 0 : i32
    %while3A_175 = arith.subi %select_n3A, %while3A_174 : i32
    %while3A_176 = arith.addi %while3A_174, %while3A_175 : i32
    %while3A_177 = arith.constant 1 : i32
    %while3A_178 = arith.divsi %while3A_175, %while3A_177 : i32
    %while3A_179 = arith.muli %while3A_178, %while3A_177 : i32
    %while3A_180 = arith.addi %while3A_174, %while3A_179 : i32
    %while3A_181 = arith.constant 1 : i32
    scf.for %while3A_364 = %while3A_174 to %while3A_180 step %while3A_181  : i32 {
      %mul3A_365 = arith.constant 16 : i32
      %mul3A_366 = arith.muli %while3A_364, %mul3A_365 : i32
      %mul3A_367 = arith.constant 16 : i32
      %mul3A_368 = arith.muli %while3A_364, %mul3A_367 : i32
      "tpu.region"() ({
        %run_scoped3A = tpu.sem_alloc : memref<!tpu.dma_semaphore, #tpu.memory_space<semaphore_mem>>
        %dma_start3A_369 = arith.constant 0 : i32
        %dma_start3A_370 = tpu.memref_slice %arg20[%mul3A_368, %dma_start3A_369] : memref<272x128xf32, #tpu.memory_space<vmem>> -> memref<16x128xf32, #tpu.memory_space<vmem>>
        %dma_start3A_371 = tpu.memref_slice %arg18[%mul3A_366] : memref<272xi32, #tpu.memory_space<vmem>> -> memref<16xi32, #tpu.memory_space<vmem>>
        %dma_start3A_372 = arith.constant 0 : i32
        %dma_start3A_373 = arith.constant 0 : i32
        %dma_start3A_374 = tpu.memref_slice %arg5[%dma_start3A_372, %dma_start3A_373] : memref<16384x128xf32, #tpu.memory_space<hbm>> -> memref<16384x128xf32, #tpu.memory_space<hbm>>
        tpu.enqueue_indirect_dma source(%dma_start3A_374 : memref<16384x128xf32, #tpu.memory_space<hbm>>) target(%dma_start3A_370 : memref<16x128xf32, #tpu.memory_space<vmem>>) offsets(%dma_start3A_371 : memref<16xi32, #tpu.memory_space<vmem>>) semaphore(%run_scoped3A : memref<!tpu.dma_semaphore, #tpu.memory_space<semaphore_mem>>)
        %dma_wait3A_375 = arith.constant 0 : i32
        %dma_wait3A_376 = tpu.memref_slice %arg20[%mul3A_368, %dma_wait3A_375] : memref<272x128xf32, #tpu.memory_space<vmem>> -> memref<16x128xf32, #tpu.memory_space<vmem>>
        %dma_wait3A_377 = tpu.memref_slice %arg18[%mul3A_366] : memref<272xi32, #tpu.memory_space<vmem>> -> memref<16xi32, #tpu.memory_space<vmem>>
        %dma_wait3A_378 = arith.constant 0 : i32
        %dma_wait3A_379 = arith.constant 0 : i32
        %dma_wait3A_380 = tpu.memref_slice %arg5[%dma_wait3A_378, %dma_wait3A_379] : memref<16384x128xf32, #tpu.memory_space<hbm>> -> memref<16384x128xf32, #tpu.memory_space<hbm>>
        tpu.wait_indirect_dma semaphore(%run_scoped3A : memref<!tpu.dma_semaphore, #tpu.memory_space<semaphore_mem>>) src(%dma_wait3A_380 : memref<16384x128xf32, #tpu.memory_space<hbm>>) dst(%dma_wait3A_376 : memref<16x128xf32, #tpu.memory_space<vmem>>)
        tpu.yield
      }) : () -> ()
    }
    %while3A_182 = arith.constant 1 : i32
    scf.for %while3A_364 = %while3A_180 to %while3A_176 step %while3A_182  : i32 {
      %mul3A_365 = arith.constant 16 : i32
      %mul3A_366 = arith.muli %while3A_364, %mul3A_365 : i32
      %mul3A_367 = arith.constant 16 : i32
      %mul3A_368 = arith.muli %while3A_364, %mul3A_367 : i32
      "tpu.region"() ({
        %run_scoped3A = tpu.sem_alloc : memref<!tpu.dma_semaphore, #tpu.memory_space<semaphore_mem>>
        %dma_start3A_369 = arith.constant 0 : i32
        %dma_start3A_370 = tpu.memref_slice %arg20[%mul3A_368, %dma_start3A_369] : memref<272x128xf32, #tpu.memory_space<vmem>> -> memref<16x128xf32, #tpu.memory_space<vmem>>
        %dma_start3A_371 = tpu.memref_slice %arg18[%mul3A_366] : memref<272xi32, #tpu.memory_space<vmem>> -> memref<16xi32, #tpu.memory_space<vmem>>
        %dma_start3A_372 = arith.constant 0 : i32
        %dma_start3A_373 = arith.constant 0 : i32
        %dma_start3A_374 = tpu.memref_slice %arg5[%dma_start3A_372, %dma_start3A_373] : memref<16384x128xf32, #tpu.memory_space<hbm>> -> memref<16384x128xf32, #tpu.memory_space<hbm>>
        tpu.enqueue_indirect_dma source(%dma_start3A_374 : memref<16384x128xf32, #tpu.memory_space<hbm>>) target(%dma_start3A_370 : memref<16x128xf32, #tpu.memory_space<vmem>>) offsets(%dma_start3A_371 : memref<16xi32, #tpu.memory_space<vmem>>) semaphore(%run_scoped3A : memref<!tpu.dma_semaphore, #tpu.memory_space<semaphore_mem>>)
        %dma_wait3A_375 = arith.constant 0 : i32
        %dma_wait3A_376 = tpu.memref_slice %arg20[%mul3A_368, %dma_wait3A_375] : memref<272x128xf32, #tpu.memory_space<vmem>> -> memref<16x128xf32, #tpu.memory_space<vmem>>
        %dma_wait3A_377 = tpu.memref_slice %arg18[%mul3A_366] : memref<272xi32, #tpu.memory_space<vmem>> -> memref<16xi32, #tpu.memory_space<vmem>>
        %dma_wait3A_378 = arith.constant 0 : i32
        %dma_wait3A_379 = arith.constant 0 : i32
        %dma_wait3A_380 = tpu.memref_slice %arg5[%dma_wait3A_378, %dma_wait3A_379] : memref<16384x128xf32, #tpu.memory_space<hbm>> -> memref<16384x128xf32, #tpu.memory_space<hbm>>
        tpu.wait_indirect_dma semaphore(%run_scoped3A : memref<!tpu.dma_semaphore, #tpu.memory_space<semaphore_mem>>) src(%dma_wait3A_380 : memref<16384x128xf32, #tpu.memory_space<hbm>>) dst(%dma_wait3A_376 : memref<16x128xf32, #tpu.memory_space<vmem>>)
        tpu.yield
      }) : () -> ()
    }
    %while3A_183 = arith.constant 0 : i32
    %while3A_184 = arith.constant 0 : i32
    %while3A_185 = arith.subi %scan3A_120, %while3A_184 : i32
    %while3A_186 = arith.addi %while3A_184, %while3A_185 : i32
    %while3A_187 = arith.constant 1 : i32
    %while3A_188 = arith.divsi %while3A_185, %while3A_187 : i32
    %while3A_189 = arith.muli %while3A_188, %while3A_187 : i32
    %while3A_190 = arith.addi %while3A_184, %while3A_189 : i32
    %while3A_191 = arith.constant 1 : i32
    scf.for %while3A_364 = %while3A_184 to %while3A_190 step %while3A_191  : i32 {
      %broadcast_in_dim3A_365 = vector.broadcast %while3A_364 : i32 to vector<16xi32>
      %gather3A = tpu.vector_load_idx %arg19[%broadcast_in_dim3A_365] : memref<272xi32, #tpu.memory_space<vmem>>[vector<16xi32>], vector<16xi32>,
      %slice3A = vector.extract_strided_slice %gather3A {offsets = [0], sizes = [1], strides = [1]} : vector<16xi32> to vector<1xi32>
      %squeeze3A = vector.extract %slice3A[0] : i32 from vector<1xi32>
      %get3A = arith.index_cast %while3A_364 : i32 to index
      %get3A_366 = arith.constant 0 : index
      %get3A_367 = tpu.vector_load %arg20[%get3A, %get3A_366] {strides = array<i32>} : memref<272x128xf32, #tpu.memory_space<vmem>>, vector<16xf32>,
      %swap3A = arith.index_cast %squeeze3A : i32 to index
      %swap3A_368 = arith.constant 0 : index
      %swap3A_369 = tpu.vector_load %arg21[%swap3A, %swap3A_368] {strides = array<i32>} : memref<256x128xf32, #tpu.memory_space<vmem>>, vector<16xf32>,
      tpu.vector_store %arg21[%swap3A, %swap3A_368], %get3A_367 {strides = array<i32>} : memref<256x128xf32, #tpu.memory_space<vmem>>, vector<16xf32>,
      %get3A_370 = arith.index_cast %while3A_364 : i32 to index
      %get3A_371 = arith.constant 16 : index
      %get3A_372 = tpu.vector_load %arg20[%get3A_370, %get3A_371] {strides = array<i32>} : memref<272x128xf32, #tpu.memory_space<vmem>>, vector<16xf32>,
      %swap3A_373 = arith.index_cast %squeeze3A : i32 to index
      %swap3A_374 = arith.constant 16 : index
      %swap3A_375 = tpu.vector_load %arg21[%swap3A_373, %swap3A_374] {strides = array<i32>} : memref<256x128xf32, #tpu.memory_space<vmem>>, vector<16xf32>,
      tpu.vector_store %arg21[%swap3A_373, %swap3A_374], %get3A_372 {strides = array<i32>} : memref<256x128xf32, #tpu.memory_space<vmem>>, vector<16xf32>,
      %get3A_376 = arith.index_cast %while3A_364 : i32 to index
      %get3A_377 = arith.constant 32 : index
      %get3A_378 = tpu.vector_load %arg20[%get3A_376, %get3A_377] {strides = array<i32>} : memref<272x128xf32, #tpu.memory_space<vmem>>, vector<16xf32>,
      %swap3A_379 = arith.index_cast %squeeze3A : i32 to index
      %swap3A_380 = arith.constant 32 : index
      %swap3A_381 = tpu.vector_load %arg21[%swap3A_379, %swap3A_380] {strides = array<i32>} : memref<256x128xf32, #tpu.memory_space<vmem>>, vector<16xf32>,
      tpu.vector_store %arg21[%swap3A_379, %swap3A_380], %get3A_378 {strides = array<i32>} : memref<256x128xf32, #tpu.memory_space<vmem>>, vector<16xf32>,
      %get3A_382 = arith.index_cast %while3A_364 : i32 to index
      %get3A_383 = arith.constant 48 : index
      %get3A_384 = tpu.vector_load %arg20[%get3A_382, %get3A_383] {strides = array<i32>} : memref<272x128xf32, #tpu.memory_space<vmem>>, vector<16xf32>,
      %swap3A_385 = arith.index_cast %squeeze3A : i32 to index
      %swap3A_386 = arith.constant 48 : index
      %swap3A_387 = tpu.vector_load %arg21[%swap3A_385, %swap3A_386] {strides = array<i32>} : memref<256x128xf32, #tpu.memory_space<vmem>>, vector<16xf32>,
      tpu.vector_store %arg21[%swap3A_385, %swap3A_386], %get3A_384 {strides = array<i32>} : memref<256x128xf32, #tpu.memory_space<vmem>>, vector<16xf32>,
      %get3A_388 = arith.index_cast %while3A_364 : i32 to index
      %get3A_389 = arith.constant 64 : index
      %get3A_390 = tpu.vector_load %arg20[%get3A_388, %get3A_389] {strides = array<i32>} : memref<272x128xf32, #tpu.memory_space<vmem>>, vector<16xf32>,
      %swap3A_391 = arith.index_cast %squeeze3A : i32 to index
      %swap3A_392 = arith.constant 64 : index
      %swap3A_393 = tpu.vector_load %arg21[%swap3A_391, %swap3A_392] {strides = array<i32>} : memref<256x128xf32, #tpu.memory_space<vmem>>, vector<16xf32>,
      tpu.vector_store %arg21[%swap3A_391, %swap3A_392], %get3A_390 {strides = array<i32>} : memref<256x128xf32, #tpu.memory_space<vmem>>, vector<16xf32>,
      %get3A_394 = arith.index_cast %while3A_364 : i32 to index
      %get3A_395 = arith.constant 80 : index
      %get3A_396 = tpu.vector_load %arg20[%get3A_394, %get3A_395] {strides = array<i32>} : memref<272x128xf32, #tpu.memory_space<vmem>>, vector<16xf32>,
      %swap3A_397 = arith.index_cast %squeeze3A : i32 to index
      %swap3A_398 = arith.constant 80 : index
      %swap3A_399 = tpu.vector_load %arg21[%swap3A_397, %swap3A_398] {strides = array<i32>} : memref<256x128xf32, #tpu.memory_space<vmem>>, vector<16xf32>,
      tpu.vector_store %arg21[%swap3A_397, %swap3A_398], %get3A_396 {strides = array<i32>} : memref<256x128xf32, #tpu.memory_space<vmem>>, vector<16xf32>,
      %get3A_400 = arith.index_cast %while3A_364 : i32 to index
      %get3A_401 = arith.constant 96 : index
      %get3A_402 = tpu.vector_load %arg20[%get3A_400, %get3A_401] {strides = array<i32>} : memref<272x128xf32, #tpu.memory_space<vmem>>, vector<16xf32>,
      %swap3A_403 = arith.index_cast %squeeze3A : i32 to index
      %swap3A_404 = arith.constant 96 : index
      %swap3A_405 = tpu.vector_load %arg21[%swap3A_403, %swap3A_404] {strides = array<i32>} : memref<256x128xf32, #tpu.memory_space<vmem>>, vector<16xf32>,
      tpu.vector_store %arg21[%swap3A_403, %swap3A_404], %get3A_402 {strides = array<i32>} : memref<256x128xf32, #tpu.memory_space<vmem>>, vector<16xf32>,
      %get3A_406 = arith.index_cast %while3A_364 : i32 to index
      %get3A_407 = arith.constant 112 : index
      %get3A_408 = tpu.vector_load %arg20[%get3A_406, %get3A_407] {strides = array<i32>} : memref<272x128xf32, #tpu.memory_space<vmem>>, vector<16xf32>,
      %swap3A_409 = arith.index_cast %squeeze3A : i32 to index
      %swap3A_410 = arith.constant 112 : index
      %swap3A_411 = tpu.vector_load %arg21[%swap3A_409, %swap3A_410] {strides = array<i32>} : memref<256x128xf32, #tpu.memory_space<vmem>>, vector<16xf32>,
      tpu.vector_store %arg21[%swap3A_409, %swap3A_410], %get3A_408 {strides = array<i32>} : memref<256x128xf32, #tpu.memory_space<vmem>>, vector<16xf32>,
    }
    %while3A_192 = arith.constant 1 : i32
    scf.for %while3A_364 = %while3A_190 to %while3A_186 step %while3A_192  : i32 {
      %broadcast_in_dim3A_365 = vector.broadcast %while3A_364 : i32 to vector<16xi32>
      %gather3A = tpu.vector_load_idx %arg19[%broadcast_in_dim3A_365] : memref<272xi32, #tpu.memory_space<vmem>>[vector<16xi32>], vector<16xi32>,
      %slice3A = vector.extract_strided_slice %gather3A {offsets = [0], sizes = [1], strides = [1]} : vector<16xi32> to vector<1xi32>
      %squeeze3A = vector.extract %slice3A[0] : i32 from vector<1xi32>
      %get3A = arith.index_cast %while3A_364 : i32 to index
      %get3A_366 = arith.constant 0 : index
      %get3A_367 = tpu.vector_load %arg20[%get3A, %get3A_366] {strides = array<i32>} : memref<272x128xf32, #tpu.memory_space<vmem>>, vector<16xf32>,
      %swap3A = arith.index_cast %squeeze3A : i32 to index
      %swap3A_368 = arith.constant 0 : index
      %swap3A_369 = tpu.vector_load %arg21[%swap3A, %swap3A_368] {strides = array<i32>} : memref<256x128xf32, #tpu.memory_space<vmem>>, vector<16xf32>,
      tpu.vector_store %arg21[%swap3A, %swap3A_368], %get3A_367 {strides = array<i32>} : memref<256x128xf32, #tpu.memory_space<vmem>>, vector<16xf32>,
      %get3A_370 = arith.index_cast %while3A_364 : i32 to index
      %get3A_371 = arith.constant 16 : index
      %get3A_372 = tpu.vector_load %arg20[%get3A_370, %get3A_371] {strides = array<i32>} : memref<272x128xf32, #tpu.memory_space<vmem>>, vector<16xf32>,
      %swap3A_373 = arith.index_cast %squeeze3A : i32 to index
      %swap3A_374 = arith.constant 16 : index
      %swap3A_375 = tpu.vector_load %arg21[%swap3A_373, %swap3A_374] {strides = array<i32>} : memref<256x128xf32, #tpu.memory_space<vmem>>, vector<16xf32>,
      tpu.vector_store %arg21[%swap3A_373, %swap3A_374], %get3A_372 {strides = array<i32>} : memref<256x128xf32, #tpu.memory_space<vmem>>, vector<16xf32>,
      %get3A_376 = arith.index_cast %while3A_364 : i32 to index
      %get3A_377 = arith.constant 32 : index
      %get3A_378 = tpu.vector_load %arg20[%get3A_376, %get3A_377] {strides = array<i32>} : memref<272x128xf32, #tpu.memory_space<vmem>>, vector<16xf32>,
      %swap3A_379 = arith.index_cast %squeeze3A : i32 to index
      %swap3A_380 = arith.constant 32 : index
      %swap3A_381 = tpu.vector_load %arg21[%swap3A_379, %swap3A_380] {strides = array<i32>} : memref<256x128xf32, #tpu.memory_space<vmem>>, vector<16xf32>,
      tpu.vector_store %arg21[%swap3A_379, %swap3A_380], %get3A_378 {strides = array<i32>} : memref<256x128xf32, #tpu.memory_space<vmem>>, vector<16xf32>,
      %get3A_382 = arith.index_cast %while3A_364 : i32 to index
      %get3A_383 = arith.constant 48 : index
      %get3A_384 = tpu.vector_load %arg20[%get3A_382, %get3A_383] {strides = array<i32>} : memref<272x128xf32, #tpu.memory_space<vmem>>, vector<16xf32>,
      %swap3A_385 = arith.index_cast %squeeze3A : i32 to index
      %swap3A_386 = arith.constant 48 : index
      %swap3A_387 = tpu.vector_load %arg21[%swap3A_385, %swap3A_386] {strides = array<i32>} : memref<256x128xf32, #tpu.memory_space<vmem>>, vector<16xf32>,
      tpu.vector_store %arg21[%swap3A_385, %swap3A_386], %get3A_384 {strides = array<i32>} : memref<256x128xf32, #tpu.memory_space<vmem>>, vector<16xf32>,
      %get3A_388 = arith.index_cast %while3A_364 : i32 to index
      %get3A_389 = arith.constant 64 : index
      %get3A_390 = tpu.vector_load %arg20[%get3A_388, %get3A_389] {strides = array<i32>} : memref<272x128xf32, #tpu.memory_space<vmem>>, vector<16xf32>,
      %swap3A_391 = arith.index_cast %squeeze3A : i32 to index
      %swap3A_392 = arith.constant 64 : index
      %swap3A_393 = tpu.vector_load %arg21[%swap3A_391, %swap3A_392] {strides = array<i32>} : memref<256x128xf32, #tpu.memory_space<vmem>>, vector<16xf32>,
      tpu.vector_store %arg21[%swap3A_391, %swap3A_392], %get3A_390 {strides = array<i32>} : memref<256x128xf32, #tpu.memory_space<vmem>>, vector<16xf32>,
      %get3A_394 = arith.index_cast %while3A_364 : i32 to index
      %get3A_395 = arith.constant 80 : index
      %get3A_396 = tpu.vector_load %arg20[%get3A_394, %get3A_395] {strides = array<i32>} : memref<272x128xf32, #tpu.memory_space<vmem>>, vector<16xf32>,
      %swap3A_397 = arith.index_cast %squeeze3A : i32 to index
      %swap3A_398 = arith.constant 80 : index
      %swap3A_399 = tpu.vector_load %arg21[%swap3A_397, %swap3A_398] {strides = array<i32>} : memref<256x128xf32, #tpu.memory_space<vmem>>, vector<16xf32>,
      tpu.vector_store %arg21[%swap3A_397, %swap3A_398], %get3A_396 {strides = array<i32>} : memref<256x128xf32, #tpu.memory_space<vmem>>, vector<16xf32>,
      %get3A_400 = arith.index_cast %while3A_364 : i32 to index
      %get3A_401 = arith.constant 96 : index
      %get3A_402 = tpu.vector_load %arg20[%get3A_400, %get3A_401] {strides = array<i32>} : memref<272x128xf32, #tpu.memory_space<vmem>>, vector<16xf32>,
      %swap3A_403 = arith.index_cast %squeeze3A : i32 to index
      %swap3A_404 = arith.constant 96 : index
      %swap3A_405 = tpu.vector_load %arg21[%swap3A_403, %swap3A_404] {strides = array<i32>} : memref<256x128xf32, #tpu.memory_space<vmem>>, vector<16xf32>,
      tpu.vector_store %arg21[%swap3A_403, %swap3A_404], %get3A_402 {strides = array<i32>} : memref<256x128xf32, #tpu.memory_space<vmem>>, vector<16xf32>,
      %get3A_406 = arith.index_cast %while3A_364 : i32 to index
      %get3A_407 = arith.constant 112 : index
      %get3A_408 = tpu.vector_load %arg20[%get3A_406, %get3A_407] {strides = array<i32>} : memref<272x128xf32, #tpu.memory_space<vmem>>, vector<16xf32>,
      %swap3A_409 = arith.index_cast %squeeze3A : i32 to index
      %swap3A_410 = arith.constant 112 : index
      %swap3A_411 = tpu.vector_load %arg21[%swap3A_409, %swap3A_410] {strides = array<i32>} : memref<256x128xf32, #tpu.memory_space<vmem>>, vector<16xf32>,
      tpu.vector_store %arg21[%swap3A_409, %swap3A_410], %get3A_408 {strides = array<i32>} : memref<256x128xf32, #tpu.memory_space<vmem>>, vector<16xf32>,
    }
    %add3A_193 = arith.constant 0 : i32
    %add3A_194 = arith.addi %mul3A_2, %add3A_193 : i32
    "tpu.region"() ({
      %run_scoped3A = tpu.sem_alloc : memref<!tpu.dma_semaphore, #tpu.memory_space<semaphore_mem>>
      %dma_start3A_364 = arith.constant 0 : i32
      %dma_start3A_365 = tpu.memref_slice %arg10[%add3A_194, %dma_start3A_364] : memref<16384x128xf32, #tpu.memory_space<hbm>> -> memref<256x128xf32, #tpu.memory_space<hbm>>
      %dma_start3A_366 = arith.constant 0 : i32
      %dma_start3A_367 = tpu.memref_slice %arg10[%add3A_194, %dma_start3A_366] : memref<16384x128xf32, #tpu.memory_space<hbm>> -> memref<256x128xf32, #tpu.memory_space<hbm>>
      tpu.enqueue_dma source(%arg21 : memref<256x128xf32, #tpu.memory_space<vmem>>) target(%dma_start3A_367 : memref<256x128xf32, #tpu.memory_space<hbm>>) target_semaphore(%run_scoped3A : memref<!tpu.dma_semaphore, #tpu.memory_space<semaphore_mem>>)
      %dma_wait3A_368 = arith.constant 0 : i32
      %dma_wait3A_369 = tpu.memref_slice %arg10[%add3A_194, %dma_wait3A_368] : memref<16384x128xf32, #tpu.memory_space<hbm>> -> memref<256x128xf32, #tpu.memory_space<hbm>>
      %dma_wait3A_370 = arith.constant 0 : i32
      %dma_wait3A_371 = tpu.memref_slice %arg10[%add3A_194, %dma_wait3A_370] : memref<16384x128xf32, #tpu.memory_space<hbm>> -> memref<256x128xf32, #tpu.memory_space<hbm>>
      tpu.wait_dma2 semaphore(%run_scoped3A : memref<!tpu.dma_semaphore, #tpu.memory_space<semaphore_mem>>) src(%arg21 : memref<256x128xf32, #tpu.memory_space<vmem>>) dst(%dma_wait3A_371 : memref<256x128xf32, #tpu.memory_space<hbm>>)
      tpu.yield
    }) : () -> ()
    %while3A_195 = arith.constant 0 : i32
    %while3A_196 = arith.constant 0 : i32
    %while3A_197 = arith.subi %scan3A_120, %while3A_196 : i32
    %while3A_198 = arith.addi %while3A_196, %while3A_197 : i32
    %while3A_199 = arith.constant 1 : i32
    %while3A_200 = arith.divsi %while3A_197, %while3A_199 : i32
    %while3A_201 = arith.muli %while3A_200, %while3A_199 : i32
    %while3A_202 = arith.addi %while3A_196, %while3A_201 : i32
    %while3A_203 = arith.constant 1 : i32
    scf.for %while3A_364 = %while3A_196 to %while3A_202 step %while3A_203  : i32 {
      %broadcast_in_dim3A_365 = vector.broadcast %while3A_364 : i32 to vector<16xi32>
      %gather3A = tpu.vector_load_idx %arg19[%broadcast_in_dim3A_365] : memref<272xi32, #tpu.memory_space<vmem>>[vector<16xi32>], vector<16xi32>,
      %slice3A = vector.extract_strided_slice %gather3A {offsets = [0], sizes = [1], strides = [1]} : vector<16xi32> to vector<1xi32>
      %squeeze3A = vector.extract %slice3A[0] : i32 from vector<1xi32>
      %swap3A = arith.index_cast %squeeze3A : i32 to index
      %swap3A_366 = arith.constant 0 : index
      %swap3A_367 = tpu.vector_load %arg21[%swap3A, %swap3A_366] {strides = array<i32>} : memref<256x128xf32, #tpu.memory_space<vmem>>, vector<16xf32>,
      tpu.vector_store %arg21[%swap3A, %swap3A_366], %broadcast_in_dim3A_3 {strides = array<i32>} : memref<256x128xf32, #tpu.memory_space<vmem>>, vector<16xf32>,
      %swap3A_368 = arith.index_cast %squeeze3A : i32 to index
      %swap3A_369 = arith.constant 16 : index
      %swap3A_370 = tpu.vector_load %arg21[%swap3A_368, %swap3A_369] {strides = array<i32>} : memref<256x128xf32, #tpu.memory_space<vmem>>, vector<16xf32>,
      tpu.vector_store %arg21[%swap3A_368, %swap3A_369], %broadcast_in_dim3A_3 {strides = array<i32>} : memref<256x128xf32, #tpu.memory_space<vmem>>, vector<16xf32>,
      %swap3A_371 = arith.index_cast %squeeze3A : i32 to index
      %swap3A_372 = arith.constant 32 : index
      %swap3A_373 = tpu.vector_load %arg21[%swap3A_371, %swap3A_372] {strides = array<i32>} : memref<256x128xf32, #tpu.memory_space<vmem>>, vector<16xf32>,
      tpu.vector_store %arg21[%swap3A_371, %swap3A_372], %broadcast_in_dim3A_3 {strides = array<i32>} : memref<256x128xf32, #tpu.memory_space<vmem>>, vector<16xf32>,
      %swap3A_374 = arith.index_cast %squeeze3A : i32 to index
      %swap3A_375 = arith.constant 48 : index
      %swap3A_376 = tpu.vector_load %arg21[%swap3A_374, %swap3A_375] {strides = array<i32>} : memref<256x128xf32, #tpu.memory_space<vmem>>, vector<16xf32>,
      tpu.vector_store %arg21[%swap3A_374, %swap3A_375], %broadcast_in_dim3A_3 {strides = array<i32>} : memref<256x128xf32, #tpu.memory_space<vmem>>, vector<16xf32>,
      %swap3A_377 = arith.index_cast %squeeze3A : i32 to index
      %swap3A_378 = arith.constant 64 : index
      %swap3A_379 = tpu.vector_load %arg21[%swap3A_377, %swap3A_378] {strides = array<i32>} : memref<256x128xf32, #tpu.memory_space<vmem>>, vector<16xf32>,
      tpu.vector_store %arg21[%swap3A_377, %swap3A_378], %broadcast_in_dim3A_3 {strides = array<i32>} : memref<256x128xf32, #tpu.memory_space<vmem>>, vector<16xf32>,
      %swap3A_380 = arith.index_cast %squeeze3A : i32 to index
      %swap3A_381 = arith.constant 80 : index
      %swap3A_382 = tpu.vector_load %arg21[%swap3A_380, %swap3A_381] {strides = array<i32>} : memref<256x128xf32, #tpu.memory_space<vmem>>, vector<16xf32>,
      tpu.vector_store %arg21[%swap3A_380, %swap3A_381], %broadcast_in_dim3A_3 {strides = array<i32>} : memref<256x128xf32, #tpu.memory_space<vmem>>, vector<16xf32>,
      %swap3A_383 = arith.index_cast %squeeze3A : i32 to index
      %swap3A_384 = arith.constant 96 : index
      %swap3A_385 = tpu.vector_load %arg21[%swap3A_383, %swap3A_384] {strides = array<i32>} : memref<256x128xf32, #tpu.memory_space<vmem>>, vector<16xf32>,
      tpu.vector_store %arg21[%swap3A_383, %swap3A_384], %broadcast_in_dim3A_3 {strides = array<i32>} : memref<256x128xf32, #tpu.memory_space<vmem>>, vector<16xf32>,
      %swap3A_386 = arith.index_cast %squeeze3A : i32 to index
      %swap3A_387 = arith.constant 112 : index
      %swap3A_388 = tpu.vector_load %arg21[%swap3A_386, %swap3A_387] {strides = array<i32>} : memref<256x128xf32, #tpu.memory_space<vmem>>, vector<16xf32>,
      tpu.vector_store %arg21[%swap3A_386, %swap3A_387], %broadcast_in_dim3A_3 {strides = array<i32>} : memref<256x128xf32, #tpu.memory_space<vmem>>, vector<16xf32>,
    }
    %while3A_204 = arith.constant 1 : i32
    scf.for %while3A_364 = %while3A_202 to %while3A_198 step %while3A_204  : i32 {
      %broadcast_in_dim3A_365 = vector.broadcast %while3A_364 : i32 to vector<16xi32>
      %gather3A = tpu.vector_load_idx %arg19[%broadcast_in_dim3A_365] : memref<272xi32, #tpu.memory_space<vmem>>[vector<16xi32>], vector<16xi32>,
      %slice3A = vector.extract_strided_slice %gather3A {offsets = [0], sizes = [1], strides = [1]} : vector<16xi32> to vector<1xi32>
      %squeeze3A = vector.extract %slice3A[0] : i32 from vector<1xi32>
      %swap3A = arith.index_cast %squeeze3A : i32 to index
      %swap3A_366 = arith.constant 0 : index
      %swap3A_367 = tpu.vector_load %arg21[%swap3A, %swap3A_366] {strides = array<i32>} : memref<256x128xf32, #tpu.memory_space<vmem>>, vector<16xf32>,
      tpu.vector_store %arg21[%swap3A, %swap3A_366], %broadcast_in_dim3A_3 {strides = array<i32>} : memref<256x128xf32, #tpu.memory_space<vmem>>, vector<16xf32>,
      %swap3A_368 = arith.index_cast %squeeze3A : i32 to index
      %swap3A_369 = arith.constant 16 : index
      %swap3A_370 = tpu.vector_load %arg21[%swap3A_368, %swap3A_369] {strides = array<i32>} : memref<256x128xf32, #tpu.memory_space<vmem>>, vector<16xf32>,
      tpu.vector_store %arg21[%swap3A_368, %swap3A_369], %broadcast_in_dim3A_3 {strides = array<i32>} : memref<256x128xf32, #tpu.memory_space<vmem>>, vector<16xf32>,
      %swap3A_371 = arith.index_cast %squeeze3A : i32 to index
      %swap3A_372 = arith.constant 32 : index
      %swap3A_373 = tpu.vector_load %arg21[%swap3A_371, %swap3A_372] {strides = array<i32>} : memref<256x128xf32, #tpu.memory_space<vmem>>, vector<16xf32>,
      tpu.vector_store %arg21[%swap3A_371, %swap3A_372], %broadcast_in_dim3A_3 {strides = array<i32>} : memref<256x128xf32, #tpu.memory_space<vmem>>, vector<16xf32>,
      %swap3A_374 = arith.index_cast %squeeze3A : i32 to index
      %swap3A_375 = arith.constant 48 : index
      %swap3A_376 = tpu.vector_load %arg21[%swap3A_374, %swap3A_375] {strides = array<i32>} : memref<256x128xf32, #tpu.memory_space<vmem>>, vector<16xf32>,
      tpu.vector_store %arg21[%swap3A_374, %swap3A_375], %broadcast_in_dim3A_3 {strides = array<i32>} : memref<256x128xf32, #tpu.memory_space<vmem>>, vector<16xf32>,
      %swap3A_377 = arith.index_cast %squeeze3A : i32 to index
      %swap3A_378 = arith.constant 64 : index
      %swap3A_379 = tpu.vector_load %arg21[%swap3A_377, %swap3A_378] {strides = array<i32>} : memref<256x128xf32, #tpu.memory_space<vmem>>, vector<16xf32>,
      tpu.vector_store %arg21[%swap3A_377, %swap3A_378], %broadcast_in_dim3A_3 {strides = array<i32>} : memref<256x128xf32, #tpu.memory_space<vmem>>, vector<16xf32>,
      %swap3A_380 = arith.index_cast %squeeze3A : i32 to index
      %swap3A_381 = arith.constant 80 : index
      %swap3A_382 = tpu.vector_load %arg21[%swap3A_380, %swap3A_381] {strides = array<i32>} : memref<256x128xf32, #tpu.memory_space<vmem>>, vector<16xf32>,
      tpu.vector_store %arg21[%swap3A_380, %swap3A_381], %broadcast_in_dim3A_3 {strides = array<i32>} : memref<256x128xf32, #tpu.memory_space<vmem>>, vector<16xf32>,
      %swap3A_383 = arith.index_cast %squeeze3A : i32 to index
      %swap3A_384 = arith.constant 96 : index
      %swap3A_385 = tpu.vector_load %arg21[%swap3A_383, %swap3A_384] {strides = array<i32>} : memref<256x128xf32, #tpu.memory_space<vmem>>, vector<16xf32>,
      tpu.vector_store %arg21[%swap3A_383, %swap3A_384], %broadcast_in_dim3A_3 {strides = array<i32>} : memref<256x128xf32, #tpu.memory_space<vmem>>, vector<16xf32>,
      %swap3A_386 = arith.index_cast %squeeze3A : i32 to index
      %swap3A_387 = arith.constant 112 : index
      %swap3A_388 = tpu.vector_load %arg21[%swap3A_386, %swap3A_387] {strides = array<i32>} : memref<256x128xf32, #tpu.memory_space<vmem>>, vector<16xf32>,
      tpu.vector_store %arg21[%swap3A_386, %swap3A_387], %broadcast_in_dim3A_3 {strides = array<i32>} : memref<256x128xf32, #tpu.memory_space<vmem>>, vector<16xf32>,
    }
    %scan3A_205 = arith.constant 0 : i32
    %scan3A_206 = arith.constant 0 : i32
    %scan3A_207 = arith.constant 17 : i32
    %scan3A_208 = arith.addi %scan3A_206, %scan3A_207 : i32
    %scan3A_209 = arith.constant 1 : i32
    scf.for %scan3A_364 = %scan3A_206 to %scan3A_208 step %scan3A_209  : i32 {
      %mul3A_365 = arith.constant 16 : i32
      %mul3A_366 = arith.muli %scan3A_364, %mul3A_365 : i32
      %add3A_367 = arith.addi %mul3A_2, %mul3A_366 : i32
      %add3A_368 = vector.broadcast %add3A_367 : i32 to vector<16xi32>
      %add3A_369 = arith.addi %add3A_368, %iota3A : vector<16xi32>
      %mul3A_370 = arith.constant 16 : i32
      %mul3A_371 = arith.muli %scan3A_364, %mul3A_370 : i32
      %swap3A = arith.index_cast %mul3A_371 : i32 to index
      %swap3A_372 = tpu.vector_load %arg18[%swap3A] {strides = array<i32>} : memref<272xi32, #tpu.memory_space<vmem>>, vector<16xi32>,
      tpu.vector_store %arg18[%swap3A], %add3A_369 {strides = array<i32>} : memref<272xi32, #tpu.memory_space<vmem>>, vector<16xi32>,
    }
    %scan3A_210 = arith.constant 17 : i32
    %scan3A_211 = arith.constant 0 : i32
    %scan3A_212 = arith.constant 0 : i32
    %scan3A_213 = arith.constant 16 : i32
    %scan3A_214 = arith.addi %scan3A_212, %scan3A_213 : i32
    %scan3A_215 = arith.constant 1 : i32
    %scan3A_216 = scf.for %scan3A_364 = %scan3A_212 to %scan3A_214 step %scan3A_215 iter_args(%scan3A_365 = %scan3A_211) -> (i32)  : i32 {
      %mul3A_366 = arith.constant 16 : i32
      %mul3A_367 = arith.muli %scan3A_364, %mul3A_366 : i32
      %add3A_368 = arith.constant 256 : i32
      %add3A_369 = arith.addi %add3A_368, %mul3A_367 : i32
      %get3A = arith.index_cast %add3A_369 : i32 to index
      %get3A_370 = tpu.vector_load %arg13[%get3A] {strides = array<i32>} : memref<512xi32, #tpu.memory_space<vmem>>, vector<16xi32>,
      %ge3A = arith.constant 0 : i32
      %ge3A_371 = vector.broadcast %ge3A : i32 to vector<16xi32>
      %ge3A_372 = arith.cmpi sge, %get3A_370, %ge3A_371 : vector<16xi32>
      %convert_element_type3A = arith.extui %ge3A_372 : vector<16xi1> to vector<16xi32>
      %broadcast_in_dim3A_373 = arith.constant true
      %broadcast_in_dim3A_374 = vector.broadcast %broadcast_in_dim3A_373 : i1 to vector<16xi1>
      %masked_cumsum3A = tpu.scan <sum>, %convert_element_type3A masked %broadcast_in_dim3A_374 : vector<16xi32>, vector<16xi1> -> vector<16xi32>
      %add3A_375 = vector.broadcast %scan3A_365 : i32 to vector<16xi32>
      %add3A_376 = arith.addi %add3A_375, %masked_cumsum3A : vector<16xi32>
      %sub3A_377 = arith.constant 1 : i32
      %sub3A_378 = vector.broadcast %sub3A_377 : i32 to vector<16xi32>
      %sub3A_379 = arith.subi %add3A_376, %sub3A_378 : vector<16xi32>
      %jit3A_380 = arith.constant 0 : i32
      %broadcast_in_dim3A_381 = vector.broadcast %jit3A_380 : i32 to vector<16xi32>
      %select_n3A_382 = arith.select %ge3A_372, %sub3A_379, %broadcast_in_dim3A_381 : vector<16xi1>, vector<16xi32>
      %jit3A_383 = arith.constant 0 : i32
      %broadcast_in_dim3A_384 = vector.broadcast %jit3A_383 : i32 to vector<16xi32>
      %select_n3A_385 = arith.select %ge3A_372, %get3A_370, %broadcast_in_dim3A_384 : vector<16xi1>, vector<16xi32>
      tpu.vector_store_idx %arg18[%select_n3A_382], %select_n3A_385 masked %ge3A_372 : memref<272xi32, #tpu.memory_space<vmem>>[vector<16xi32>], vector<16xi32>, vector<16xi1>
      %mul3A_386 = arith.constant 16 : i32
      %mul3A_387 = arith.muli %scan3A_364, %mul3A_386 : i32
      %add3A_388 = vector.broadcast %mul3A_387 : i32 to vector<16xi32>
      %add3A_389 = arith.addi %iota3A, %add3A_388 : vector<16xi32>
      tpu.vector_store_idx %arg19[%select_n3A_382], %add3A_389 masked %ge3A_372 : memref<272xi32, #tpu.memory_space<vmem>>[vector<16xi32>], vector<16xi32>, vector<16xi1>
      %slice3A = vector.extract_strided_slice %masked_cumsum3A {offsets = [15], sizes = [1], strides = [1]} : vector<16xi32> to vector<1xi32>
      %squeeze3A = vector.extract %slice3A[0] : i32 from vector<1xi32>
      %add3A_390 = arith.addi %scan3A_365, %squeeze3A : i32
      scf.yield %add3A_390 : i32
    }
    %scan3A_217 = arith.constant 16 : i32
    %add3A_218 = arith.constant 16 : i32
    %add3A_219 = arith.addi %scan3A_216, %add3A_218 : i32
    %sub3A_220 = arith.constant 1 : i32
    %sub3A_221 = arith.subi %add3A_219, %sub3A_220 : i32
    %jit3A_222 = arith.constant 16 : i32
    %div3A_223 = arith.divsi %sub3A_221, %jit3A_222 : i32
    %sign3A_224 = arith.constant 0 : i32
    %sign3A_225 = arith.cmpi sgt, %sub3A_221, %sign3A_224 : i32
    %sign3A_226 = arith.extui %sign3A_225 : i1 to i32
    %sign3A_227 = arith.constant 0 : i32
    %sign3A_228 = arith.cmpi slt, %sub3A_221, %sign3A_227 : i32
    %sign3A_229 = arith.extui %sign3A_228 : i1 to i32
    %sign3A_230 = arith.subi %sign3A_226, %sign3A_229 : i32
    %sign3A_231 = arith.constant 0 : i32
    %sign3A_232 = arith.cmpi sgt, %jit3A_222, %sign3A_231 : i32
    %sign3A_233 = arith.extui %sign3A_232 : i1 to i32
    %sign3A_234 = arith.constant 0 : i32
    %sign3A_235 = arith.cmpi slt, %jit3A_222, %sign3A_234 : i32
    %sign3A_236 = arith.extui %sign3A_235 : i1 to i32
    %sign3A_237 = arith.subi %sign3A_233, %sign3A_236 : i32
    %ne3A_238 = arith.cmpi ne, %sign3A_230, %sign3A_237 : i32
    %rem3A_239 = arith.remsi %sub3A_221, %jit3A_222 : i32
    %ne3A_240 = arith.constant 0 : i32
    %ne3A_241 = arith.cmpi ne, %rem3A_239, %ne3A_240 : i32
    %and3A_242 = arith.andi %ne3A_238, %ne3A_241 : i1
    %sub3A_243 = arith.constant 1 : i32
    %sub3A_244 = arith.subi %div3A_223, %sub3A_243 : i32
    %select_n3A_245 = arith.select %and3A_242, %sub3A_244, %div3A_223 : i32
    %while3A_246 = arith.constant 0 : i32
    %while3A_247 = arith.constant 0 : i32
    %while3A_248 = arith.subi %select_n3A_245, %while3A_247 : i32
    %while3A_249 = arith.addi %while3A_247, %while3A_248 : i32
    %while3A_250 = arith.constant 1 : i32
    %while3A_251 = arith.divsi %while3A_248, %while3A_250 : i32
    %while3A_252 = arith.muli %while3A_251, %while3A_250 : i32
    %while3A_253 = arith.addi %while3A_247, %while3A_252 : i32
    %while3A_254 = arith.constant 1 : i32
    scf.for %while3A_364 = %while3A_247 to %while3A_253 step %while3A_254  : i32 {
      %mul3A_365 = arith.constant 16 : i32
      %mul3A_366 = arith.muli %while3A_364, %mul3A_365 : i32
      %mul3A_367 = arith.constant 16 : i32
      %mul3A_368 = arith.muli %while3A_364, %mul3A_367 : i32
      "tpu.region"() ({
        %run_scoped3A = tpu.sem_alloc : memref<!tpu.dma_semaphore, #tpu.memory_space<semaphore_mem>>
        %dma_start3A_369 = arith.constant 0 : i32
        %dma_start3A_370 = tpu.memref_slice %arg20[%mul3A_368, %dma_start3A_369] : memref<272x128xf32, #tpu.memory_space<vmem>> -> memref<16x128xf32, #tpu.memory_space<vmem>>
        %dma_start3A_371 = tpu.memref_slice %arg18[%mul3A_366] : memref<272xi32, #tpu.memory_space<vmem>> -> memref<16xi32, #tpu.memory_space<vmem>>
        %dma_start3A_372 = arith.constant 0 : i32
        %dma_start3A_373 = arith.constant 0 : i32
        %dma_start3A_374 = tpu.memref_slice %arg4[%dma_start3A_372, %dma_start3A_373] : memref<16384x128xf32, #tpu.memory_space<hbm>> -> memref<16384x128xf32, #tpu.memory_space<hbm>>
        tpu.enqueue_indirect_dma source(%dma_start3A_374 : memref<16384x128xf32, #tpu.memory_space<hbm>>) target(%dma_start3A_370 : memref<16x128xf32, #tpu.memory_space<vmem>>) offsets(%dma_start3A_371 : memref<16xi32, #tpu.memory_space<vmem>>) semaphore(%run_scoped3A : memref<!tpu.dma_semaphore, #tpu.memory_space<semaphore_mem>>)
        %dma_wait3A_375 = arith.constant 0 : i32
        %dma_wait3A_376 = tpu.memref_slice %arg20[%mul3A_368, %dma_wait3A_375] : memref<272x128xf32, #tpu.memory_space<vmem>> -> memref<16x128xf32, #tpu.memory_space<vmem>>
        %dma_wait3A_377 = tpu.memref_slice %arg18[%mul3A_366] : memref<272xi32, #tpu.memory_space<vmem>> -> memref<16xi32, #tpu.memory_space<vmem>>
        %dma_wait3A_378 = arith.constant 0 : i32
        %dma_wait3A_379 = arith.constant 0 : i32
        %dma_wait3A_380 = tpu.memref_slice %arg4[%dma_wait3A_378, %dma_wait3A_379] : memref<16384x128xf32, #tpu.memory_space<hbm>> -> memref<16384x128xf32, #tpu.memory_space<hbm>>
        tpu.wait_indirect_dma semaphore(%run_scoped3A : memref<!tpu.dma_semaphore, #tpu.memory_space<semaphore_mem>>) src(%dma_wait3A_380 : memref<16384x128xf32, #tpu.memory_space<hbm>>) dst(%dma_wait3A_376 : memref<16x128xf32, #tpu.memory_space<vmem>>)
        tpu.yield
      }) : () -> ()
    }
    %while3A_255 = arith.constant 1 : i32
    scf.for %while3A_364 = %while3A_253 to %while3A_249 step %while3A_255  : i32 {
      %mul3A_365 = arith.constant 16 : i32
      %mul3A_366 = arith.muli %while3A_364, %mul3A_365 : i32
      %mul3A_367 = arith.constant 16 : i32
      %mul3A_368 = arith.muli %while3A_364, %mul3A_367 : i32
      "tpu.region"() ({
        %run_scoped3A = tpu.sem_alloc : memref<!tpu.dma_semaphore, #tpu.memory_space<semaphore_mem>>
        %dma_start3A_369 = arith.constant 0 : i32
        %dma_start3A_370 = tpu.memref_slice %arg20[%mul3A_368, %dma_start3A_369] : memref<272x128xf32, #tpu.memory_space<vmem>> -> memref<16x128xf32, #tpu.memory_space<vmem>>
        %dma_start3A_371 = tpu.memref_slice %arg18[%mul3A_366] : memref<272xi32, #tpu.memory_space<vmem>> -> memref<16xi32, #tpu.memory_space<vmem>>
        %dma_start3A_372 = arith.constant 0 : i32
        %dma_start3A_373 = arith.constant 0 : i32
        %dma_start3A_374 = tpu.memref_slice %arg4[%dma_start3A_372, %dma_start3A_373] : memref<16384x128xf32, #tpu.memory_space<hbm>> -> memref<16384x128xf32, #tpu.memory_space<hbm>>
        tpu.enqueue_indirect_dma source(%dma_start3A_374 : memref<16384x128xf32, #tpu.memory_space<hbm>>) target(%dma_start3A_370 : memref<16x128xf32, #tpu.memory_space<vmem>>) offsets(%dma_start3A_371 : memref<16xi32, #tpu.memory_space<vmem>>) semaphore(%run_scoped3A : memref<!tpu.dma_semaphore, #tpu.memory_space<semaphore_mem>>)
        %dma_wait3A_375 = arith.constant 0 : i32
        %dma_wait3A_376 = tpu.memref_slice %arg20[%mul3A_368, %dma_wait3A_375] : memref<272x128xf32, #tpu.memory_space<vmem>> -> memref<16x128xf32, #tpu.memory_space<vmem>>
        %dma_wait3A_377 = tpu.memref_slice %arg18[%mul3A_366] : memref<272xi32, #tpu.memory_space<vmem>> -> memref<16xi32, #tpu.memory_space<vmem>>
        %dma_wait3A_378 = arith.constant 0 : i32
        %dma_wait3A_379 = arith.constant 0 : i32
        %dma_wait3A_380 = tpu.memref_slice %arg4[%dma_wait3A_378, %dma_wait3A_379] : memref<16384x128xf32, #tpu.memory_space<hbm>> -> memref<16384x128xf32, #tpu.memory_space<hbm>>
        tpu.wait_indirect_dma semaphore(%run_scoped3A : memref<!tpu.dma_semaphore, #tpu.memory_space<semaphore_mem>>) src(%dma_wait3A_380 : memref<16384x128xf32, #tpu.memory_space<hbm>>) dst(%dma_wait3A_376 : memref<16x128xf32, #tpu.memory_space<vmem>>)
        tpu.yield
      }) : () -> ()
    }
    %while3A_256 = arith.constant 0 : i32
    %while3A_257 = arith.constant 0 : i32
    %while3A_258 = arith.subi %scan3A_216, %while3A_257 : i32
    %while3A_259 = arith.addi %while3A_257, %while3A_258 : i32
    %while3A_260 = arith.constant 1 : i32
    %while3A_261 = arith.divsi %while3A_258, %while3A_260 : i32
    %while3A_262 = arith.muli %while3A_261, %while3A_260 : i32
    %while3A_263 = arith.addi %while3A_257, %while3A_262 : i32
    %while3A_264 = arith.constant 1 : i32
    scf.for %while3A_364 = %while3A_257 to %while3A_263 step %while3A_264  : i32 {
      %broadcast_in_dim3A_365 = vector.broadcast %while3A_364 : i32 to vector<16xi32>
      %gather3A = tpu.vector_load_idx %arg19[%broadcast_in_dim3A_365] : memref<272xi32, #tpu.memory_space<vmem>>[vector<16xi32>], vector<16xi32>,
      %slice3A = vector.extract_strided_slice %gather3A {offsets = [0], sizes = [1], strides = [1]} : vector<16xi32> to vector<1xi32>
      %squeeze3A = vector.extract %slice3A[0] : i32 from vector<1xi32>
      %get3A = arith.index_cast %while3A_364 : i32 to index
      %get3A_366 = arith.constant 0 : index
      %get3A_367 = tpu.vector_load %arg20[%get3A, %get3A_366] {strides = array<i32>} : memref<272x128xf32, #tpu.memory_space<vmem>>, vector<16xf32>,
      %swap3A = arith.index_cast %squeeze3A : i32 to index
      %swap3A_368 = arith.constant 0 : index
      %swap3A_369 = tpu.vector_load %arg21[%swap3A, %swap3A_368] {strides = array<i32>} : memref<256x128xf32, #tpu.memory_space<vmem>>, vector<16xf32>,
      tpu.vector_store %arg21[%swap3A, %swap3A_368], %get3A_367 {strides = array<i32>} : memref<256x128xf32, #tpu.memory_space<vmem>>, vector<16xf32>,
      %get3A_370 = arith.index_cast %while3A_364 : i32 to index
      %get3A_371 = arith.constant 16 : index
      %get3A_372 = tpu.vector_load %arg20[%get3A_370, %get3A_371] {strides = array<i32>} : memref<272x128xf32, #tpu.memory_space<vmem>>, vector<16xf32>,
      %swap3A_373 = arith.index_cast %squeeze3A : i32 to index
      %swap3A_374 = arith.constant 16 : index
      %swap3A_375 = tpu.vector_load %arg21[%swap3A_373, %swap3A_374] {strides = array<i32>} : memref<256x128xf32, #tpu.memory_space<vmem>>, vector<16xf32>,
      tpu.vector_store %arg21[%swap3A_373, %swap3A_374], %get3A_372 {strides = array<i32>} : memref<256x128xf32, #tpu.memory_space<vmem>>, vector<16xf32>,
      %get3A_376 = arith.index_cast %while3A_364 : i32 to index
      %get3A_377 = arith.constant 32 : index
      %get3A_378 = tpu.vector_load %arg20[%get3A_376, %get3A_377] {strides = array<i32>} : memref<272x128xf32, #tpu.memory_space<vmem>>, vector<16xf32>,
      %swap3A_379 = arith.index_cast %squeeze3A : i32 to index
      %swap3A_380 = arith.constant 32 : index
      %swap3A_381 = tpu.vector_load %arg21[%swap3A_379, %swap3A_380] {strides = array<i32>} : memref<256x128xf32, #tpu.memory_space<vmem>>, vector<16xf32>,
      tpu.vector_store %arg21[%swap3A_379, %swap3A_380], %get3A_378 {strides = array<i32>} : memref<256x128xf32, #tpu.memory_space<vmem>>, vector<16xf32>,
      %get3A_382 = arith.index_cast %while3A_364 : i32 to index
      %get3A_383 = arith.constant 48 : index
      %get3A_384 = tpu.vector_load %arg20[%get3A_382, %get3A_383] {strides = array<i32>} : memref<272x128xf32, #tpu.memory_space<vmem>>, vector<16xf32>,
      %swap3A_385 = arith.index_cast %squeeze3A : i32 to index
      %swap3A_386 = arith.constant 48 : index
      %swap3A_387 = tpu.vector_load %arg21[%swap3A_385, %swap3A_386] {strides = array<i32>} : memref<256x128xf32, #tpu.memory_space<vmem>>, vector<16xf32>,
      tpu.vector_store %arg21[%swap3A_385, %swap3A_386], %get3A_384 {strides = array<i32>} : memref<256x128xf32, #tpu.memory_space<vmem>>, vector<16xf32>,
      %get3A_388 = arith.index_cast %while3A_364 : i32 to index
      %get3A_389 = arith.constant 64 : index
      %get3A_390 = tpu.vector_load %arg20[%get3A_388, %get3A_389] {strides = array<i32>} : memref<272x128xf32, #tpu.memory_space<vmem>>, vector<16xf32>,
      %swap3A_391 = arith.index_cast %squeeze3A : i32 to index
      %swap3A_392 = arith.constant 64 : index
      %swap3A_393 = tpu.vector_load %arg21[%swap3A_391, %swap3A_392] {strides = array<i32>} : memref<256x128xf32, #tpu.memory_space<vmem>>, vector<16xf32>,
      tpu.vector_store %arg21[%swap3A_391, %swap3A_392], %get3A_390 {strides = array<i32>} : memref<256x128xf32, #tpu.memory_space<vmem>>, vector<16xf32>,
      %get3A_394 = arith.index_cast %while3A_364 : i32 to index
      %get3A_395 = arith.constant 80 : index
      %get3A_396 = tpu.vector_load %arg20[%get3A_394, %get3A_395] {strides = array<i32>} : memref<272x128xf32, #tpu.memory_space<vmem>>, vector<16xf32>,
      %swap3A_397 = arith.index_cast %squeeze3A : i32 to index
      %swap3A_398 = arith.constant 80 : index
      %swap3A_399 = tpu.vector_load %arg21[%swap3A_397, %swap3A_398] {strides = array<i32>} : memref<256x128xf32, #tpu.memory_space<vmem>>, vector<16xf32>,
      tpu.vector_store %arg21[%swap3A_397, %swap3A_398], %get3A_396 {strides = array<i32>} : memref<256x128xf32, #tpu.memory_space<vmem>>, vector<16xf32>,
      %get3A_400 = arith.index_cast %while3A_364 : i32 to index
      %get3A_401 = arith.constant 96 : index
      %get3A_402 = tpu.vector_load %arg20[%get3A_400, %get3A_401] {strides = array<i32>} : memref<272x128xf32, #tpu.memory_space<vmem>>, vector<16xf32>,
      %swap3A_403 = arith.index_cast %squeeze3A : i32 to index
      %swap3A_404 = arith.constant 96 : index
      %swap3A_405 = tpu.vector_load %arg21[%swap3A_403, %swap3A_404] {strides = array<i32>} : memref<256x128xf32, #tpu.memory_space<vmem>>, vector<16xf32>,
      tpu.vector_store %arg21[%swap3A_403, %swap3A_404], %get3A_402 {strides = array<i32>} : memref<256x128xf32, #tpu.memory_space<vmem>>, vector<16xf32>,
      %get3A_406 = arith.index_cast %while3A_364 : i32 to index
      %get3A_407 = arith.constant 112 : index
      %get3A_408 = tpu.vector_load %arg20[%get3A_406, %get3A_407] {strides = array<i32>} : memref<272x128xf32, #tpu.memory_space<vmem>>, vector<16xf32>,
      %swap3A_409 = arith.index_cast %squeeze3A : i32 to index
      %swap3A_410 = arith.constant 112 : index
      %swap3A_411 = tpu.vector_load %arg21[%swap3A_409, %swap3A_410] {strides = array<i32>} : memref<256x128xf32, #tpu.memory_space<vmem>>, vector<16xf32>,
      tpu.vector_store %arg21[%swap3A_409, %swap3A_410], %get3A_408 {strides = array<i32>} : memref<256x128xf32, #tpu.memory_space<vmem>>, vector<16xf32>,
    }
    %while3A_265 = arith.constant 1 : i32
    scf.for %while3A_364 = %while3A_263 to %while3A_259 step %while3A_265  : i32 {
      %broadcast_in_dim3A_365 = vector.broadcast %while3A_364 : i32 to vector<16xi32>
      %gather3A = tpu.vector_load_idx %arg19[%broadcast_in_dim3A_365] : memref<272xi32, #tpu.memory_space<vmem>>[vector<16xi32>], vector<16xi32>,
      %slice3A = vector.extract_strided_slice %gather3A {offsets = [0], sizes = [1], strides = [1]} : vector<16xi32> to vector<1xi32>
      %squeeze3A = vector.extract %slice3A[0] : i32 from vector<1xi32>
      %get3A = arith.index_cast %while3A_364 : i32 to index
      %get3A_366 = arith.constant 0 : index
      %get3A_367 = tpu.vector_load %arg20[%get3A, %get3A_366] {strides = array<i32>} : memref<272x128xf32, #tpu.memory_space<vmem>>, vector<16xf32>,
      %swap3A = arith.index_cast %squeeze3A : i32 to index
      %swap3A_368 = arith.constant 0 : index
      %swap3A_369 = tpu.vector_load %arg21[%swap3A, %swap3A_368] {strides = array<i32>} : memref<256x128xf32, #tpu.memory_space<vmem>>, vector<16xf32>,
      tpu.vector_store %arg21[%swap3A, %swap3A_368], %get3A_367 {strides = array<i32>} : memref<256x128xf32, #tpu.memory_space<vmem>>, vector<16xf32>,
      %get3A_370 = arith.index_cast %while3A_364 : i32 to index
      %get3A_371 = arith.constant 16 : index
      %get3A_372 = tpu.vector_load %arg20[%get3A_370, %get3A_371] {strides = array<i32>} : memref<272x128xf32, #tpu.memory_space<vmem>>, vector<16xf32>,
      %swap3A_373 = arith.index_cast %squeeze3A : i32 to index
      %swap3A_374 = arith.constant 16 : index
      %swap3A_375 = tpu.vector_load %arg21[%swap3A_373, %swap3A_374] {strides = array<i32>} : memref<256x128xf32, #tpu.memory_space<vmem>>, vector<16xf32>,
      tpu.vector_store %arg21[%swap3A_373, %swap3A_374], %get3A_372 {strides = array<i32>} : memref<256x128xf32, #tpu.memory_space<vmem>>, vector<16xf32>,
      %get3A_376 = arith.index_cast %while3A_364 : i32 to index
      %get3A_377 = arith.constant 32 : index
      %get3A_378 = tpu.vector_load %arg20[%get3A_376, %get3A_377] {strides = array<i32>} : memref<272x128xf32, #tpu.memory_space<vmem>>, vector<16xf32>,
      %swap3A_379 = arith.index_cast %squeeze3A : i32 to index
      %swap3A_380 = arith.constant 32 : index
      %swap3A_381 = tpu.vector_load %arg21[%swap3A_379, %swap3A_380] {strides = array<i32>} : memref<256x128xf32, #tpu.memory_space<vmem>>, vector<16xf32>,
      tpu.vector_store %arg21[%swap3A_379, %swap3A_380], %get3A_378 {strides = array<i32>} : memref<256x128xf32, #tpu.memory_space<vmem>>, vector<16xf32>,
      %get3A_382 = arith.index_cast %while3A_364 : i32 to index
      %get3A_383 = arith.constant 48 : index
      %get3A_384 = tpu.vector_load %arg20[%get3A_382, %get3A_383] {strides = array<i32>} : memref<272x128xf32, #tpu.memory_space<vmem>>, vector<16xf32>,
      %swap3A_385 = arith.index_cast %squeeze3A : i32 to index
      %swap3A_386 = arith.constant 48 : index
      %swap3A_387 = tpu.vector_load %arg21[%swap3A_385, %swap3A_386] {strides = array<i32>} : memref<256x128xf32, #tpu.memory_space<vmem>>, vector<16xf32>,
      tpu.vector_store %arg21[%swap3A_385, %swap3A_386], %get3A_384 {strides = array<i32>} : memref<256x128xf32, #tpu.memory_space<vmem>>, vector<16xf32>,
      %get3A_388 = arith.index_cast %while3A_364 : i32 to index
      %get3A_389 = arith.constant 64 : index
      %get3A_390 = tpu.vector_load %arg20[%get3A_388, %get3A_389] {strides = array<i32>} : memref<272x128xf32, #tpu.memory_space<vmem>>, vector<16xf32>,
      %swap3A_391 = arith.index_cast %squeeze3A : i32 to index
      %swap3A_392 = arith.constant 64 : index
      %swap3A_393 = tpu.vector_load %arg21[%swap3A_391, %swap3A_392] {strides = array<i32>} : memref<256x128xf32, #tpu.memory_space<vmem>>, vector<16xf32>,
      tpu.vector_store %arg21[%swap3A_391, %swap3A_392], %get3A_390 {strides = array<i32>} : memref<256x128xf32, #tpu.memory_space<vmem>>, vector<16xf32>,
      %get3A_394 = arith.index_cast %while3A_364 : i32 to index
      %get3A_395 = arith.constant 80 : index
      %get3A_396 = tpu.vector_load %arg20[%get3A_394, %get3A_395] {strides = array<i32>} : memref<272x128xf32, #tpu.memory_space<vmem>>, vector<16xf32>,
      %swap3A_397 = arith.index_cast %squeeze3A : i32 to index
      %swap3A_398 = arith.constant 80 : index
      %swap3A_399 = tpu.vector_load %arg21[%swap3A_397, %swap3A_398] {strides = array<i32>} : memref<256x128xf32, #tpu.memory_space<vmem>>, vector<16xf32>,
      tpu.vector_store %arg21[%swap3A_397, %swap3A_398], %get3A_396 {strides = array<i32>} : memref<256x128xf32, #tpu.memory_space<vmem>>, vector<16xf32>,
      %get3A_400 = arith.index_cast %while3A_364 : i32 to index
      %get3A_401 = arith.constant 96 : index
      %get3A_402 = tpu.vector_load %arg20[%get3A_400, %get3A_401] {strides = array<i32>} : memref<272x128xf32, #tpu.memory_space<vmem>>, vector<16xf32>,
      %swap3A_403 = arith.index_cast %squeeze3A : i32 to index
      %swap3A_404 = arith.constant 96 : index
      %swap3A_405 = tpu.vector_load %arg21[%swap3A_403, %swap3A_404] {strides = array<i32>} : memref<256x128xf32, #tpu.memory_space<vmem>>, vector<16xf32>,
      tpu.vector_store %arg21[%swap3A_403, %swap3A_404], %get3A_402 {strides = array<i32>} : memref<256x128xf32, #tpu.memory_space<vmem>>, vector<16xf32>,
      %get3A_406 = arith.index_cast %while3A_364 : i32 to index
      %get3A_407 = arith.constant 112 : index
      %get3A_408 = tpu.vector_load %arg20[%get3A_406, %get3A_407] {strides = array<i32>} : memref<272x128xf32, #tpu.memory_space<vmem>>, vector<16xf32>,
      %swap3A_409 = arith.index_cast %squeeze3A : i32 to index
      %swap3A_410 = arith.constant 112 : index
      %swap3A_411 = tpu.vector_load %arg21[%swap3A_409, %swap3A_410] {strides = array<i32>} : memref<256x128xf32, #tpu.memory_space<vmem>>, vector<16xf32>,
      tpu.vector_store %arg21[%swap3A_409, %swap3A_410], %get3A_408 {strides = array<i32>} : memref<256x128xf32, #tpu.memory_space<vmem>>, vector<16xf32>,
    }
    %add3A_266 = arith.constant 256 : i32
    %add3A_267 = arith.addi %mul3A_2, %add3A_266 : i32
    "tpu.region"() ({
      %run_scoped3A = tpu.sem_alloc : memref<!tpu.dma_semaphore, #tpu.memory_space<semaphore_mem>>
      %dma_start3A_364 = arith.constant 0 : i32
      %dma_start3A_365 = tpu.memref_slice %arg8[%add3A_267, %dma_start3A_364] : memref<16384x128xf32, #tpu.memory_space<hbm>> -> memref<256x128xf32, #tpu.memory_space<hbm>>
      %dma_start3A_366 = arith.constant 0 : i32
      %dma_start3A_367 = tpu.memref_slice %arg8[%add3A_267, %dma_start3A_366] : memref<16384x128xf32, #tpu.memory_space<hbm>> -> memref<256x128xf32, #tpu.memory_space<hbm>>
      tpu.enqueue_dma source(%arg21 : memref<256x128xf32, #tpu.memory_space<vmem>>) target(%dma_start3A_367 : memref<256x128xf32, #tpu.memory_space<hbm>>) target_semaphore(%run_scoped3A : memref<!tpu.dma_semaphore, #tpu.memory_space<semaphore_mem>>)
      %dma_wait3A_368 = arith.constant 0 : i32
      %dma_wait3A_369 = tpu.memref_slice %arg8[%add3A_267, %dma_wait3A_368] : memref<16384x128xf32, #tpu.memory_space<hbm>> -> memref<256x128xf32, #tpu.memory_space<hbm>>
      %dma_wait3A_370 = arith.constant 0 : i32
      %dma_wait3A_371 = tpu.memref_slice %arg8[%add3A_267, %dma_wait3A_370] : memref<16384x128xf32, #tpu.memory_space<hbm>> -> memref<256x128xf32, #tpu.memory_space<hbm>>
      tpu.wait_dma2 semaphore(%run_scoped3A : memref<!tpu.dma_semaphore, #tpu.memory_space<semaphore_mem>>) src(%arg21 : memref<256x128xf32, #tpu.memory_space<vmem>>) dst(%dma_wait3A_371 : memref<256x128xf32, #tpu.memory_space<hbm>>)
      tpu.yield
    }) : () -> ()
    %while3A_268 = arith.constant 0 : i32
    %while3A_269 = arith.constant 0 : i32
    %while3A_270 = arith.subi %scan3A_216, %while3A_269 : i32
    %while3A_271 = arith.addi %while3A_269, %while3A_270 : i32
    %while3A_272 = arith.constant 1 : i32
    %while3A_273 = arith.divsi %while3A_270, %while3A_272 : i32
    %while3A_274 = arith.muli %while3A_273, %while3A_272 : i32
    %while3A_275 = arith.addi %while3A_269, %while3A_274 : i32
    %while3A_276 = arith.constant 1 : i32
    scf.for %while3A_364 = %while3A_269 to %while3A_275 step %while3A_276  : i32 {
      %broadcast_in_dim3A_365 = vector.broadcast %while3A_364 : i32 to vector<16xi32>
      %gather3A = tpu.vector_load_idx %arg19[%broadcast_in_dim3A_365] : memref<272xi32, #tpu.memory_space<vmem>>[vector<16xi32>], vector<16xi32>,
      %slice3A = vector.extract_strided_slice %gather3A {offsets = [0], sizes = [1], strides = [1]} : vector<16xi32> to vector<1xi32>
      %squeeze3A = vector.extract %slice3A[0] : i32 from vector<1xi32>
      %swap3A = arith.index_cast %squeeze3A : i32 to index
      %swap3A_366 = arith.constant 0 : index
      %swap3A_367 = tpu.vector_load %arg21[%swap3A, %swap3A_366] {strides = array<i32>} : memref<256x128xf32, #tpu.memory_space<vmem>>, vector<16xf32>,
      tpu.vector_store %arg21[%swap3A, %swap3A_366], %broadcast_in_dim3A_3 {strides = array<i32>} : memref<256x128xf32, #tpu.memory_space<vmem>>, vector<16xf32>,
      %swap3A_368 = arith.index_cast %squeeze3A : i32 to index
      %swap3A_369 = arith.constant 16 : index
      %swap3A_370 = tpu.vector_load %arg21[%swap3A_368, %swap3A_369] {strides = array<i32>} : memref<256x128xf32, #tpu.memory_space<vmem>>, vector<16xf32>,
      tpu.vector_store %arg21[%swap3A_368, %swap3A_369], %broadcast_in_dim3A_3 {strides = array<i32>} : memref<256x128xf32, #tpu.memory_space<vmem>>, vector<16xf32>,
      %swap3A_371 = arith.index_cast %squeeze3A : i32 to index
      %swap3A_372 = arith.constant 32 : index
      %swap3A_373 = tpu.vector_load %arg21[%swap3A_371, %swap3A_372] {strides = array<i32>} : memref<256x128xf32, #tpu.memory_space<vmem>>, vector<16xf32>,
      tpu.vector_store %arg21[%swap3A_371, %swap3A_372], %broadcast_in_dim3A_3 {strides = array<i32>} : memref<256x128xf32, #tpu.memory_space<vmem>>, vector<16xf32>,
      %swap3A_374 = arith.index_cast %squeeze3A : i32 to index
      %swap3A_375 = arith.constant 48 : index
      %swap3A_376 = tpu.vector_load %arg21[%swap3A_374, %swap3A_375] {strides = array<i32>} : memref<256x128xf32, #tpu.memory_space<vmem>>, vector<16xf32>,
      tpu.vector_store %arg21[%swap3A_374, %swap3A_375], %broadcast_in_dim3A_3 {strides = array<i32>} : memref<256x128xf32, #tpu.memory_space<vmem>>, vector<16xf32>,
      %swap3A_377 = arith.index_cast %squeeze3A : i32 to index
      %swap3A_378 = arith.constant 64 : index
      %swap3A_379 = tpu.vector_load %arg21[%swap3A_377, %swap3A_378] {strides = array<i32>} : memref<256x128xf32, #tpu.memory_space<vmem>>, vector<16xf32>,
      tpu.vector_store %arg21[%swap3A_377, %swap3A_378], %broadcast_in_dim3A_3 {strides = array<i32>} : memref<256x128xf32, #tpu.memory_space<vmem>>, vector<16xf32>,
      %swap3A_380 = arith.index_cast %squeeze3A : i32 to index
      %swap3A_381 = arith.constant 80 : index
      %swap3A_382 = tpu.vector_load %arg21[%swap3A_380, %swap3A_381] {strides = array<i32>} : memref<256x128xf32, #tpu.memory_space<vmem>>, vector<16xf32>,
      tpu.vector_store %arg21[%swap3A_380, %swap3A_381], %broadcast_in_dim3A_3 {strides = array<i32>} : memref<256x128xf32, #tpu.memory_space<vmem>>, vector<16xf32>,
      %swap3A_383 = arith.index_cast %squeeze3A : i32 to index
      %swap3A_384 = arith.constant 96 : index
      %swap3A_385 = tpu.vector_load %arg21[%swap3A_383, %swap3A_384] {strides = array<i32>} : memref<256x128xf32, #tpu.memory_space<vmem>>, vector<16xf32>,
      tpu.vector_store %arg21[%swap3A_383, %swap3A_384], %broadcast_in_dim3A_3 {strides = array<i32>} : memref<256x128xf32, #tpu.memory_space<vmem>>, vector<16xf32>,
      %swap3A_386 = arith.index_cast %squeeze3A : i32 to index
      %swap3A_387 = arith.constant 112 : index
      %swap3A_388 = tpu.vector_load %arg21[%swap3A_386, %swap3A_387] {strides = array<i32>} : memref<256x128xf32, #tpu.memory_space<vmem>>, vector<16xf32>,
      tpu.vector_store %arg21[%swap3A_386, %swap3A_387], %broadcast_in_dim3A_3 {strides = array<i32>} : memref<256x128xf32, #tpu.memory_space<vmem>>, vector<16xf32>,
    }
    %while3A_277 = arith.constant 1 : i32
    scf.for %while3A_364 = %while3A_275 to %while3A_271 step %while3A_277  : i32 {
      %broadcast_in_dim3A_365 = vector.broadcast %while3A_364 : i32 to vector<16xi32>
      %gather3A = tpu.vector_load_idx %arg19[%broadcast_in_dim3A_365] : memref<272xi32, #tpu.memory_space<vmem>>[vector<16xi32>], vector<16xi32>,
      %slice3A = vector.extract_strided_slice %gather3A {offsets = [0], sizes = [1], strides = [1]} : vector<16xi32> to vector<1xi32>
      %squeeze3A = vector.extract %slice3A[0] : i32 from vector<1xi32>
      %swap3A = arith.index_cast %squeeze3A : i32 to index
      %swap3A_366 = arith.constant 0 : index
      %swap3A_367 = tpu.vector_load %arg21[%swap3A, %swap3A_366] {strides = array<i32>} : memref<256x128xf32, #tpu.memory_space<vmem>>, vector<16xf32>,
      tpu.vector_store %arg21[%swap3A, %swap3A_366], %broadcast_in_dim3A_3 {strides = array<i32>} : memref<256x128xf32, #tpu.memory_space<vmem>>, vector<16xf32>,
      %swap3A_368 = arith.index_cast %squeeze3A : i32 to index
      %swap3A_369 = arith.constant 16 : index
      %swap3A_370 = tpu.vector_load %arg21[%swap3A_368, %swap3A_369] {strides = array<i32>} : memref<256x128xf32, #tpu.memory_space<vmem>>, vector<16xf32>,
      tpu.vector_store %arg21[%swap3A_368, %swap3A_369], %broadcast_in_dim3A_3 {strides = array<i32>} : memref<256x128xf32, #tpu.memory_space<vmem>>, vector<16xf32>,
      %swap3A_371 = arith.index_cast %squeeze3A : i32 to index
      %swap3A_372 = arith.constant 32 : index
      %swap3A_373 = tpu.vector_load %arg21[%swap3A_371, %swap3A_372] {strides = array<i32>} : memref<256x128xf32, #tpu.memory_space<vmem>>, vector<16xf32>,
      tpu.vector_store %arg21[%swap3A_371, %swap3A_372], %broadcast_in_dim3A_3 {strides = array<i32>} : memref<256x128xf32, #tpu.memory_space<vmem>>, vector<16xf32>,
      %swap3A_374 = arith.index_cast %squeeze3A : i32 to index
      %swap3A_375 = arith.constant 48 : index
      %swap3A_376 = tpu.vector_load %arg21[%swap3A_374, %swap3A_375] {strides = array<i32>} : memref<256x128xf32, #tpu.memory_space<vmem>>, vector<16xf32>,
      tpu.vector_store %arg21[%swap3A_374, %swap3A_375], %broadcast_in_dim3A_3 {strides = array<i32>} : memref<256x128xf32, #tpu.memory_space<vmem>>, vector<16xf32>,
      %swap3A_377 = arith.index_cast %squeeze3A : i32 to index
      %swap3A_378 = arith.constant 64 : index
      %swap3A_379 = tpu.vector_load %arg21[%swap3A_377, %swap3A_378] {strides = array<i32>} : memref<256x128xf32, #tpu.memory_space<vmem>>, vector<16xf32>,
      tpu.vector_store %arg21[%swap3A_377, %swap3A_378], %broadcast_in_dim3A_3 {strides = array<i32>} : memref<256x128xf32, #tpu.memory_space<vmem>>, vector<16xf32>,
      %swap3A_380 = arith.index_cast %squeeze3A : i32 to index
      %swap3A_381 = arith.constant 80 : index
      %swap3A_382 = tpu.vector_load %arg21[%swap3A_380, %swap3A_381] {strides = array<i32>} : memref<256x128xf32, #tpu.memory_space<vmem>>, vector<16xf32>,
      tpu.vector_store %arg21[%swap3A_380, %swap3A_381], %broadcast_in_dim3A_3 {strides = array<i32>} : memref<256x128xf32, #tpu.memory_space<vmem>>, vector<16xf32>,
      %swap3A_383 = arith.index_cast %squeeze3A : i32 to index
      %swap3A_384 = arith.constant 96 : index
      %swap3A_385 = tpu.vector_load %arg21[%swap3A_383, %swap3A_384] {strides = array<i32>} : memref<256x128xf32, #tpu.memory_space<vmem>>, vector<16xf32>,
      tpu.vector_store %arg21[%swap3A_383, %swap3A_384], %broadcast_in_dim3A_3 {strides = array<i32>} : memref<256x128xf32, #tpu.memory_space<vmem>>, vector<16xf32>,
      %swap3A_386 = arith.index_cast %squeeze3A : i32 to index
      %swap3A_387 = arith.constant 112 : index
      %swap3A_388 = tpu.vector_load %arg21[%swap3A_386, %swap3A_387] {strides = array<i32>} : memref<256x128xf32, #tpu.memory_space<vmem>>, vector<16xf32>,
      tpu.vector_store %arg21[%swap3A_386, %swap3A_387], %broadcast_in_dim3A_3 {strides = array<i32>} : memref<256x128xf32, #tpu.memory_space<vmem>>, vector<16xf32>,
    }
    %while3A_278 = arith.constant 0 : i32
    %while3A_279 = arith.constant 0 : i32
    %while3A_280 = arith.subi %select_n3A_245, %while3A_279 : i32
    %while3A_281 = arith.addi %while3A_279, %while3A_280 : i32
    %while3A_282 = arith.constant 1 : i32
    %while3A_283 = arith.divsi %while3A_280, %while3A_282 : i32
    %while3A_284 = arith.muli %while3A_283, %while3A_282 : i32
    %while3A_285 = arith.addi %while3A_279, %while3A_284 : i32
    %while3A_286 = arith.constant 1 : i32
    scf.for %while3A_364 = %while3A_279 to %while3A_285 step %while3A_286  : i32 {
      %mul3A_365 = arith.constant 16 : i32
      %mul3A_366 = arith.muli %while3A_364, %mul3A_365 : i32
      %mul3A_367 = arith.constant 16 : i32
      %mul3A_368 = arith.muli %while3A_364, %mul3A_367 : i32
      "tpu.region"() ({
        %run_scoped3A = tpu.sem_alloc : memref<!tpu.dma_semaphore, #tpu.memory_space<semaphore_mem>>
        %dma_start3A_369 = arith.constant 0 : i32
        %dma_start3A_370 = tpu.memref_slice %arg20[%mul3A_368, %dma_start3A_369] : memref<272x128xf32, #tpu.memory_space<vmem>> -> memref<16x128xf32, #tpu.memory_space<vmem>>
        %dma_start3A_371 = tpu.memref_slice %arg18[%mul3A_366] : memref<272xi32, #tpu.memory_space<vmem>> -> memref<16xi32, #tpu.memory_space<vmem>>
        %dma_start3A_372 = arith.constant 0 : i32
        %dma_start3A_373 = arith.constant 0 : i32
        %dma_start3A_374 = tpu.memref_slice %arg5[%dma_start3A_372, %dma_start3A_373] : memref<16384x128xf32, #tpu.memory_space<hbm>> -> memref<16384x128xf32, #tpu.memory_space<hbm>>
        tpu.enqueue_indirect_dma source(%dma_start3A_374 : memref<16384x128xf32, #tpu.memory_space<hbm>>) target(%dma_start3A_370 : memref<16x128xf32, #tpu.memory_space<vmem>>) offsets(%dma_start3A_371 : memref<16xi32, #tpu.memory_space<vmem>>) semaphore(%run_scoped3A : memref<!tpu.dma_semaphore, #tpu.memory_space<semaphore_mem>>)
        %dma_wait3A_375 = arith.constant 0 : i32
        %dma_wait3A_376 = tpu.memref_slice %arg20[%mul3A_368, %dma_wait3A_375] : memref<272x128xf32, #tpu.memory_space<vmem>> -> memref<16x128xf32, #tpu.memory_space<vmem>>
        %dma_wait3A_377 = tpu.memref_slice %arg18[%mul3A_366] : memref<272xi32, #tpu.memory_space<vmem>> -> memref<16xi32, #tpu.memory_space<vmem>>
        %dma_wait3A_378 = arith.constant 0 : i32
        %dma_wait3A_379 = arith.constant 0 : i32
        %dma_wait3A_380 = tpu.memref_slice %arg5[%dma_wait3A_378, %dma_wait3A_379] : memref<16384x128xf32, #tpu.memory_space<hbm>> -> memref<16384x128xf32, #tpu.memory_space<hbm>>
        tpu.wait_indirect_dma semaphore(%run_scoped3A : memref<!tpu.dma_semaphore, #tpu.memory_space<semaphore_mem>>) src(%dma_wait3A_380 : memref<16384x128xf32, #tpu.memory_space<hbm>>) dst(%dma_wait3A_376 : memref<16x128xf32, #tpu.memory_space<vmem>>)
        tpu.yield
      }) : () -> ()
    }
    %while3A_287 = arith.constant 1 : i32
    scf.for %while3A_364 = %while3A_285 to %while3A_281 step %while3A_287  : i32 {
      %mul3A_365 = arith.constant 16 : i32
      %mul3A_366 = arith.muli %while3A_364, %mul3A_365 : i32
      %mul3A_367 = arith.constant 16 : i32
      %mul3A_368 = arith.muli %while3A_364, %mul3A_367 : i32
      "tpu.region"() ({
        %run_scoped3A = tpu.sem_alloc : memref<!tpu.dma_semaphore, #tpu.memory_space<semaphore_mem>>
        %dma_start3A_369 = arith.constant 0 : i32
        %dma_start3A_370 = tpu.memref_slice %arg20[%mul3A_368, %dma_start3A_369] : memref<272x128xf32, #tpu.memory_space<vmem>> -> memref<16x128xf32, #tpu.memory_space<vmem>>
        %dma_start3A_371 = tpu.memref_slice %arg18[%mul3A_366] : memref<272xi32, #tpu.memory_space<vmem>> -> memref<16xi32, #tpu.memory_space<vmem>>
        %dma_start3A_372 = arith.constant 0 : i32
        %dma_start3A_373 = arith.constant 0 : i32
        %dma_start3A_374 = tpu.memref_slice %arg5[%dma_start3A_372, %dma_start3A_373] : memref<16384x128xf32, #tpu.memory_space<hbm>> -> memref<16384x128xf32, #tpu.memory_space<hbm>>
        tpu.enqueue_indirect_dma source(%dma_start3A_374 : memref<16384x128xf32, #tpu.memory_space<hbm>>) target(%dma_start3A_370 : memref<16x128xf32, #tpu.memory_space<vmem>>) offsets(%dma_start3A_371 : memref<16xi32, #tpu.memory_space<vmem>>) semaphore(%run_scoped3A : memref<!tpu.dma_semaphore, #tpu.memory_space<semaphore_mem>>)
        %dma_wait3A_375 = arith.constant 0 : i32
        %dma_wait3A_376 = tpu.memref_slice %arg20[%mul3A_368, %dma_wait3A_375] : memref<272x128xf32, #tpu.memory_space<vmem>> -> memref<16x128xf32, #tpu.memory_space<vmem>>
        %dma_wait3A_377 = tpu.memref_slice %arg18[%mul3A_366] : memref<272xi32, #tpu.memory_space<vmem>> -> memref<16xi32, #tpu.memory_space<vmem>>
        %dma_wait3A_378 = arith.constant 0 : i32
        %dma_wait3A_379 = arith.constant 0 : i32
        %dma_wait3A_380 = tpu.memref_slice %arg5[%dma_wait3A_378, %dma_wait3A_379] : memref<16384x128xf32, #tpu.memory_space<hbm>> -> memref<16384x128xf32, #tpu.memory_space<hbm>>
        tpu.wait_indirect_dma semaphore(%run_scoped3A : memref<!tpu.dma_semaphore, #tpu.memory_space<semaphore_mem>>) src(%dma_wait3A_380 : memref<16384x128xf32, #tpu.memory_space<hbm>>) dst(%dma_wait3A_376 : memref<16x128xf32, #tpu.memory_space<vmem>>)
        tpu.yield
      }) : () -> ()
    }
    %while3A_288 = arith.constant 0 : i32
    %while3A_289 = arith.constant 0 : i32
    %while3A_290 = arith.subi %scan3A_216, %while3A_289 : i32
    %while3A_291 = arith.addi %while3A_289, %while3A_290 : i32
    %while3A_292 = arith.constant 1 : i32
    %while3A_293 = arith.divsi %while3A_290, %while3A_292 : i32
    %while3A_294 = arith.muli %while3A_293, %while3A_292 : i32
    %while3A_295 = arith.addi %while3A_289, %while3A_294 : i32
    %while3A_296 = arith.constant 1 : i32
    scf.for %while3A_364 = %while3A_289 to %while3A_295 step %while3A_296  : i32 {
      %broadcast_in_dim3A_365 = vector.broadcast %while3A_364 : i32 to vector<16xi32>
      %gather3A = tpu.vector_load_idx %arg19[%broadcast_in_dim3A_365] : memref<272xi32, #tpu.memory_space<vmem>>[vector<16xi32>], vector<16xi32>,
      %slice3A = vector.extract_strided_slice %gather3A {offsets = [0], sizes = [1], strides = [1]} : vector<16xi32> to vector<1xi32>
      %squeeze3A = vector.extract %slice3A[0] : i32 from vector<1xi32>
      %get3A = arith.index_cast %while3A_364 : i32 to index
      %get3A_366 = arith.constant 0 : index
      %get3A_367 = tpu.vector_load %arg20[%get3A, %get3A_366] {strides = array<i32>} : memref<272x128xf32, #tpu.memory_space<vmem>>, vector<16xf32>,
      %swap3A = arith.index_cast %squeeze3A : i32 to index
      %swap3A_368 = arith.constant 0 : index
      %swap3A_369 = tpu.vector_load %arg21[%swap3A, %swap3A_368] {strides = array<i32>} : memref<256x128xf32, #tpu.memory_space<vmem>>, vector<16xf32>,
      tpu.vector_store %arg21[%swap3A, %swap3A_368], %get3A_367 {strides = array<i32>} : memref<256x128xf32, #tpu.memory_space<vmem>>, vector<16xf32>,
      %get3A_370 = arith.index_cast %while3A_364 : i32 to index
      %get3A_371 = arith.constant 16 : index
      %get3A_372 = tpu.vector_load %arg20[%get3A_370, %get3A_371] {strides = array<i32>} : memref<272x128xf32, #tpu.memory_space<vmem>>, vector<16xf32>,
      %swap3A_373 = arith.index_cast %squeeze3A : i32 to index
      %swap3A_374 = arith.constant 16 : index
      %swap3A_375 = tpu.vector_load %arg21[%swap3A_373, %swap3A_374] {strides = array<i32>} : memref<256x128xf32, #tpu.memory_space<vmem>>, vector<16xf32>,
      tpu.vector_store %arg21[%swap3A_373, %swap3A_374], %get3A_372 {strides = array<i32>} : memref<256x128xf32, #tpu.memory_space<vmem>>, vector<16xf32>,
      %get3A_376 = arith.index_cast %while3A_364 : i32 to index
      %get3A_377 = arith.constant 32 : index
      %get3A_378 = tpu.vector_load %arg20[%get3A_376, %get3A_377] {strides = array<i32>} : memref<272x128xf32, #tpu.memory_space<vmem>>, vector<16xf32>,
      %swap3A_379 = arith.index_cast %squeeze3A : i32 to index
      %swap3A_380 = arith.constant 32 : index
      %swap3A_381 = tpu.vector_load %arg21[%swap3A_379, %swap3A_380] {strides = array<i32>} : memref<256x128xf32, #tpu.memory_space<vmem>>, vector<16xf32>,
      tpu.vector_store %arg21[%swap3A_379, %swap3A_380], %get3A_378 {strides = array<i32>} : memref<256x128xf32, #tpu.memory_space<vmem>>, vector<16xf32>,
      %get3A_382 = arith.index_cast %while3A_364 : i32 to index
      %get3A_383 = arith.constant 48 : index
      %get3A_384 = tpu.vector_load %arg20[%get3A_382, %get3A_383] {strides = array<i32>} : memref<272x128xf32, #tpu.memory_space<vmem>>, vector<16xf32>,
      %swap3A_385 = arith.index_cast %squeeze3A : i32 to index
      %swap3A_386 = arith.constant 48 : index
      %swap3A_387 = tpu.vector_load %arg21[%swap3A_385, %swap3A_386] {strides = array<i32>} : memref<256x128xf32, #tpu.memory_space<vmem>>, vector<16xf32>,
      tpu.vector_store %arg21[%swap3A_385, %swap3A_386], %get3A_384 {strides = array<i32>} : memref<256x128xf32, #tpu.memory_space<vmem>>, vector<16xf32>,
      %get3A_388 = arith.index_cast %while3A_364 : i32 to index
      %get3A_389 = arith.constant 64 : index
      %get3A_390 = tpu.vector_load %arg20[%get3A_388, %get3A_389] {strides = array<i32>} : memref<272x128xf32, #tpu.memory_space<vmem>>, vector<16xf32>,
      %swap3A_391 = arith.index_cast %squeeze3A : i32 to index
      %swap3A_392 = arith.constant 64 : index
      %swap3A_393 = tpu.vector_load %arg21[%swap3A_391, %swap3A_392] {strides = array<i32>} : memref<256x128xf32, #tpu.memory_space<vmem>>, vector<16xf32>,
      tpu.vector_store %arg21[%swap3A_391, %swap3A_392], %get3A_390 {strides = array<i32>} : memref<256x128xf32, #tpu.memory_space<vmem>>, vector<16xf32>,
      %get3A_394 = arith.index_cast %while3A_364 : i32 to index
      %get3A_395 = arith.constant 80 : index
      %get3A_396 = tpu.vector_load %arg20[%get3A_394, %get3A_395] {strides = array<i32>} : memref<272x128xf32, #tpu.memory_space<vmem>>, vector<16xf32>,
      %swap3A_397 = arith.index_cast %squeeze3A : i32 to index
      %swap3A_398 = arith.constant 80 : index
      %swap3A_399 = tpu.vector_load %arg21[%swap3A_397, %swap3A_398] {strides = array<i32>} : memref<256x128xf32, #tpu.memory_space<vmem>>, vector<16xf32>,
      tpu.vector_store %arg21[%swap3A_397, %swap3A_398], %get3A_396 {strides = array<i32>} : memref<256x128xf32, #tpu.memory_space<vmem>>, vector<16xf32>,
      %get3A_400 = arith.index_cast %while3A_364 : i32 to index
      %get3A_401 = arith.constant 96 : index
      %get3A_402 = tpu.vector_load %arg20[%get3A_400, %get3A_401] {strides = array<i32>} : memref<272x128xf32, #tpu.memory_space<vmem>>, vector<16xf32>,
      %swap3A_403 = arith.index_cast %squeeze3A : i32 to index
      %swap3A_404 = arith.constant 96 : index
      %swap3A_405 = tpu.vector_load %arg21[%swap3A_403, %swap3A_404] {strides = array<i32>} : memref<256x128xf32, #tpu.memory_space<vmem>>, vector<16xf32>,
      tpu.vector_store %arg21[%swap3A_403, %swap3A_404], %get3A_402 {strides = array<i32>} : memref<256x128xf32, #tpu.memory_space<vmem>>, vector<16xf32>,
      %get3A_406 = arith.index_cast %while3A_364 : i32 to index
      %get3A_407 = arith.constant 112 : index
      %get3A_408 = tpu.vector_load %arg20[%get3A_406, %get3A_407] {strides = array<i32>} : memref<272x128xf32, #tpu.memory_space<vmem>>, vector<16xf32>,
      %swap3A_409 = arith.index_cast %squeeze3A : i32 to index
      %swap3A_410 = arith.constant 112 : index
      %swap3A_411 = tpu.vector_load %arg21[%swap3A_409, %swap3A_410] {strides = array<i32>} : memref<256x128xf32, #tpu.memory_space<vmem>>, vector<16xf32>,
      tpu.vector_store %arg21[%swap3A_409, %swap3A_410], %get3A_408 {strides = array<i32>} : memref<256x128xf32, #tpu.memory_space<vmem>>, vector<16xf32>,
    }
    %while3A_297 = arith.constant 1 : i32
    scf.for %while3A_364 = %while3A_295 to %while3A_291 step %while3A_297  : i32 {
      %broadcast_in_dim3A_365 = vector.broadcast %while3A_364 : i32 to vector<16xi32>
      %gather3A = tpu.vector_load_idx %arg19[%broadcast_in_dim3A_365] : memref<272xi32, #tpu.memory_space<vmem>>[vector<16xi32>], vector<16xi32>,
      %slice3A = vector.extract_strided_slice %gather3A {offsets = [0], sizes = [1], strides = [1]} : vector<16xi32> to vector<1xi32>
      %squeeze3A = vector.extract %slice3A[0] : i32 from vector<1xi32>
      %get3A = arith.index_cast %while3A_364 : i32 to index
      %get3A_366 = arith.constant 0 : index
      %get3A_367 = tpu.vector_load %arg20[%get3A, %get3A_366] {strides = array<i32>} : memref<272x128xf32, #tpu.memory_space<vmem>>, vector<16xf32>,
      %swap3A = arith.index_cast %squeeze3A : i32 to index
      %swap3A_368 = arith.constant 0 : index
      %swap3A_369 = tpu.vector_load %arg21[%swap3A, %swap3A_368] {strides = array<i32>} : memref<256x128xf32, #tpu.memory_space<vmem>>, vector<16xf32>,
      tpu.vector_store %arg21[%swap3A, %swap3A_368], %get3A_367 {strides = array<i32>} : memref<256x128xf32, #tpu.memory_space<vmem>>, vector<16xf32>,
      %get3A_370 = arith.index_cast %while3A_364 : i32 to index
      %get3A_371 = arith.constant 16 : index
      %get3A_372 = tpu.vector_load %arg20[%get3A_370, %get3A_371] {strides = array<i32>} : memref<272x128xf32, #tpu.memory_space<vmem>>, vector<16xf32>,
      %swap3A_373 = arith.index_cast %squeeze3A : i32 to index
      %swap3A_374 = arith.constant 16 : index
      %swap3A_375 = tpu.vector_load %arg21[%swap3A_373, %swap3A_374] {strides = array<i32>} : memref<256x128xf32, #tpu.memory_space<vmem>>, vector<16xf32>,
      tpu.vector_store %arg21[%swap3A_373, %swap3A_374], %get3A_372 {strides = array<i32>} : memref<256x128xf32, #tpu.memory_space<vmem>>, vector<16xf32>,
      %get3A_376 = arith.index_cast %while3A_364 : i32 to index
      %get3A_377 = arith.constant 32 : index
      %get3A_378 = tpu.vector_load %arg20[%get3A_376, %get3A_377] {strides = array<i32>} : memref<272x128xf32, #tpu.memory_space<vmem>>, vector<16xf32>,
      %swap3A_379 = arith.index_cast %squeeze3A : i32 to index
      %swap3A_380 = arith.constant 32 : index
      %swap3A_381 = tpu.vector_load %arg21[%swap3A_379, %swap3A_380] {strides = array<i32>} : memref<256x128xf32, #tpu.memory_space<vmem>>, vector<16xf32>,
      tpu.vector_store %arg21[%swap3A_379, %swap3A_380], %get3A_378 {strides = array<i32>} : memref<256x128xf32, #tpu.memory_space<vmem>>, vector<16xf32>,
      %get3A_382 = arith.index_cast %while3A_364 : i32 to index
      %get3A_383 = arith.constant 48 : index
      %get3A_384 = tpu.vector_load %arg20[%get3A_382, %get3A_383] {strides = array<i32>} : memref<272x128xf32, #tpu.memory_space<vmem>>, vector<16xf32>,
      %swap3A_385 = arith.index_cast %squeeze3A : i32 to index
      %swap3A_386 = arith.constant 48 : index
      %swap3A_387 = tpu.vector_load %arg21[%swap3A_385, %swap3A_386] {strides = array<i32>} : memref<256x128xf32, #tpu.memory_space<vmem>>, vector<16xf32>,
      tpu.vector_store %arg21[%swap3A_385, %swap3A_386], %get3A_384 {strides = array<i32>} : memref<256x128xf32, #tpu.memory_space<vmem>>, vector<16xf32>,
      %get3A_388 = arith.index_cast %while3A_364 : i32 to index
      %get3A_389 = arith.constant 64 : index
      %get3A_390 = tpu.vector_load %arg20[%get3A_388, %get3A_389] {strides = array<i32>} : memref<272x128xf32, #tpu.memory_space<vmem>>, vector<16xf32>,
      %swap3A_391 = arith.index_cast %squeeze3A : i32 to index
      %swap3A_392 = arith.constant 64 : index
      %swap3A_393 = tpu.vector_load %arg21[%swap3A_391, %swap3A_392] {strides = array<i32>} : memref<256x128xf32, #tpu.memory_space<vmem>>, vector<16xf32>,
      tpu.vector_store %arg21[%swap3A_391, %swap3A_392], %get3A_390 {strides = array<i32>} : memref<256x128xf32, #tpu.memory_space<vmem>>, vector<16xf32>,
      %get3A_394 = arith.index_cast %while3A_364 : i32 to index
      %get3A_395 = arith.constant 80 : index
      %get3A_396 = tpu.vector_load %arg20[%get3A_394, %get3A_395] {strides = array<i32>} : memref<272x128xf32, #tpu.memory_space<vmem>>, vector<16xf32>,
      %swap3A_397 = arith.index_cast %squeeze3A : i32 to index
      %swap3A_398 = arith.constant 80 : index
      %swap3A_399 = tpu.vector_load %arg21[%swap3A_397, %swap3A_398] {strides = array<i32>} : memref<256x128xf32, #tpu.memory_space<vmem>>, vector<16xf32>,
      tpu.vector_store %arg21[%swap3A_397, %swap3A_398], %get3A_396 {strides = array<i32>} : memref<256x128xf32, #tpu.memory_space<vmem>>, vector<16xf32>,
      %get3A_400 = arith.index_cast %while3A_364 : i32 to index
      %get3A_401 = arith.constant 96 : index
      %get3A_402 = tpu.vector_load %arg20[%get3A_400, %get3A_401] {strides = array<i32>} : memref<272x128xf32, #tpu.memory_space<vmem>>, vector<16xf32>,
      %swap3A_403 = arith.index_cast %squeeze3A : i32 to index
      %swap3A_404 = arith.constant 96 : index
      %swap3A_405 = tpu.vector_load %arg21[%swap3A_403, %swap3A_404] {strides = array<i32>} : memref<256x128xf32, #tpu.memory_space<vmem>>, vector<16xf32>,
      tpu.vector_store %arg21[%swap3A_403, %swap3A_404], %get3A_402 {strides = array<i32>} : memref<256x128xf32, #tpu.memory_space<vmem>>, vector<16xf32>,
      %get3A_406 = arith.index_cast %while3A_364 : i32 to index
      %get3A_407 = arith.constant 112 : index
      %get3A_408 = tpu.vector_load %arg20[%get3A_406, %get3A_407] {strides = array<i32>} : memref<272x128xf32, #tpu.memory_space<vmem>>, vector<16xf32>,
      %swap3A_409 = arith.index_cast %squeeze3A : i32 to index
      %swap3A_410 = arith.constant 112 : index
      %swap3A_411 = tpu.vector_load %arg21[%swap3A_409, %swap3A_410] {strides = array<i32>} : memref<256x128xf32, #tpu.memory_space<vmem>>, vector<16xf32>,
      tpu.vector_store %arg21[%swap3A_409, %swap3A_410], %get3A_408 {strides = array<i32>} : memref<256x128xf32, #tpu.memory_space<vmem>>, vector<16xf32>,
    }
    %add3A_298 = arith.constant 256 : i32
    %add3A_299 = arith.addi %mul3A_2, %add3A_298 : i32
    "tpu.region"() ({
      %run_scoped3A = tpu.sem_alloc : memref<!tpu.dma_semaphore, #tpu.memory_space<semaphore_mem>>
      %dma_start3A_364 = arith.constant 0 : i32
      %dma_start3A_365 = tpu.memref_slice %arg10[%add3A_299, %dma_start3A_364] : memref<16384x128xf32, #tpu.memory_space<hbm>> -> memref<256x128xf32, #tpu.memory_space<hbm>>
      %dma_start3A_366 = arith.constant 0 : i32
      %dma_start3A_367 = tpu.memref_slice %arg10[%add3A_299, %dma_start3A_366] : memref<16384x128xf32, #tpu.memory_space<hbm>> -> memref<256x128xf32, #tpu.memory_space<hbm>>
      tpu.enqueue_dma source(%arg21 : memref<256x128xf32, #tpu.memory_space<vmem>>) target(%dma_start3A_367 : memref<256x128xf32, #tpu.memory_space<hbm>>) target_semaphore(%run_scoped3A : memref<!tpu.dma_semaphore, #tpu.memory_space<semaphore_mem>>)
      %dma_wait3A_368 = arith.constant 0 : i32
      %dma_wait3A_369 = tpu.memref_slice %arg10[%add3A_299, %dma_wait3A_368] : memref<16384x128xf32, #tpu.memory_space<hbm>> -> memref<256x128xf32, #tpu.memory_space<hbm>>
      %dma_wait3A_370 = arith.constant 0 : i32
      %dma_wait3A_371 = tpu.memref_slice %arg10[%add3A_299, %dma_wait3A_370] : memref<16384x128xf32, #tpu.memory_space<hbm>> -> memref<256x128xf32, #tpu.memory_space<hbm>>
      tpu.wait_dma2 semaphore(%run_scoped3A : memref<!tpu.dma_semaphore, #tpu.memory_space<semaphore_mem>>) src(%arg21 : memref<256x128xf32, #tpu.memory_space<vmem>>) dst(%dma_wait3A_371 : memref<256x128xf32, #tpu.memory_space<hbm>>)
      tpu.yield
    }) : () -> ()
    %while3A_300 = arith.constant 0 : i32
    %while3A_301 = arith.constant 0 : i32
    %while3A_302 = arith.subi %scan3A_216, %while3A_301 : i32
    %while3A_303 = arith.addi %while3A_301, %while3A_302 : i32
    %while3A_304 = arith.constant 1 : i32
    %while3A_305 = arith.divsi %while3A_302, %while3A_304 : i32
    %while3A_306 = arith.muli %while3A_305, %while3A_304 : i32
    %while3A_307 = arith.addi %while3A_301, %while3A_306 : i32
    %while3A_308 = arith.constant 1 : i32
    scf.for %while3A_364 = %while3A_301 to %while3A_307 step %while3A_308  : i32 {
      %broadcast_in_dim3A_365 = vector.broadcast %while3A_364 : i32 to vector<16xi32>
      %gather3A = tpu.vector_load_idx %arg19[%broadcast_in_dim3A_365] : memref<272xi32, #tpu.memory_space<vmem>>[vector<16xi32>], vector<16xi32>,
      %slice3A = vector.extract_strided_slice %gather3A {offsets = [0], sizes = [1], strides = [1]} : vector<16xi32> to vector<1xi32>
      %squeeze3A = vector.extract %slice3A[0] : i32 from vector<1xi32>
      %swap3A = arith.index_cast %squeeze3A : i32 to index
      %swap3A_366 = arith.constant 0 : index
      %swap3A_367 = tpu.vector_load %arg21[%swap3A, %swap3A_366] {strides = array<i32>} : memref<256x128xf32, #tpu.memory_space<vmem>>, vector<16xf32>,
      tpu.vector_store %arg21[%swap3A, %swap3A_366], %broadcast_in_dim3A_3 {strides = array<i32>} : memref<256x128xf32, #tpu.memory_space<vmem>>, vector<16xf32>,
      %swap3A_368 = arith.index_cast %squeeze3A : i32 to index
      %swap3A_369 = arith.constant 16 : index
      %swap3A_370 = tpu.vector_load %arg21[%swap3A_368, %swap3A_369] {strides = array<i32>} : memref<256x128xf32, #tpu.memory_space<vmem>>, vector<16xf32>,
      tpu.vector_store %arg21[%swap3A_368, %swap3A_369], %broadcast_in_dim3A_3 {strides = array<i32>} : memref<256x128xf32, #tpu.memory_space<vmem>>, vector<16xf32>,
      %swap3A_371 = arith.index_cast %squeeze3A : i32 to index
      %swap3A_372 = arith.constant 32 : index
      %swap3A_373 = tpu.vector_load %arg21[%swap3A_371, %swap3A_372] {strides = array<i32>} : memref<256x128xf32, #tpu.memory_space<vmem>>, vector<16xf32>,
      tpu.vector_store %arg21[%swap3A_371, %swap3A_372], %broadcast_in_dim3A_3 {strides = array<i32>} : memref<256x128xf32, #tpu.memory_space<vmem>>, vector<16xf32>,
      %swap3A_374 = arith.index_cast %squeeze3A : i32 to index
      %swap3A_375 = arith.constant 48 : index
      %swap3A_376 = tpu.vector_load %arg21[%swap3A_374, %swap3A_375] {strides = array<i32>} : memref<256x128xf32, #tpu.memory_space<vmem>>, vector<16xf32>,
      tpu.vector_store %arg21[%swap3A_374, %swap3A_375], %broadcast_in_dim3A_3 {strides = array<i32>} : memref<256x128xf32, #tpu.memory_space<vmem>>, vector<16xf32>,
      %swap3A_377 = arith.index_cast %squeeze3A : i32 to index
      %swap3A_378 = arith.constant 64 : index
      %swap3A_379 = tpu.vector_load %arg21[%swap3A_377, %swap3A_378] {strides = array<i32>} : memref<256x128xf32, #tpu.memory_space<vmem>>, vector<16xf32>,
      tpu.vector_store %arg21[%swap3A_377, %swap3A_378], %broadcast_in_dim3A_3 {strides = array<i32>} : memref<256x128xf32, #tpu.memory_space<vmem>>, vector<16xf32>,
      %swap3A_380 = arith.index_cast %squeeze3A : i32 to index
      %swap3A_381 = arith.constant 80 : index
      %swap3A_382 = tpu.vector_load %arg21[%swap3A_380, %swap3A_381] {strides = array<i32>} : memref<256x128xf32, #tpu.memory_space<vmem>>, vector<16xf32>,
      tpu.vector_store %arg21[%swap3A_380, %swap3A_381], %broadcast_in_dim3A_3 {strides = array<i32>} : memref<256x128xf32, #tpu.memory_space<vmem>>, vector<16xf32>,
      %swap3A_383 = arith.index_cast %squeeze3A : i32 to index
      %swap3A_384 = arith.constant 96 : index
      %swap3A_385 = tpu.vector_load %arg21[%swap3A_383, %swap3A_384] {strides = array<i32>} : memref<256x128xf32, #tpu.memory_space<vmem>>, vector<16xf32>,
      tpu.vector_store %arg21[%swap3A_383, %swap3A_384], %broadcast_in_dim3A_3 {strides = array<i32>} : memref<256x128xf32, #tpu.memory_space<vmem>>, vector<16xf32>,
      %swap3A_386 = arith.index_cast %squeeze3A : i32 to index
      %swap3A_387 = arith.constant 112 : index
      %swap3A_388 = tpu.vector_load %arg21[%swap3A_386, %swap3A_387] {strides = array<i32>} : memref<256x128xf32, #tpu.memory_space<vmem>>, vector<16xf32>,
      tpu.vector_store %arg21[%swap3A_386, %swap3A_387], %broadcast_in_dim3A_3 {strides = array<i32>} : memref<256x128xf32, #tpu.memory_space<vmem>>, vector<16xf32>,
    }
    %while3A_309 = arith.constant 1 : i32
    scf.for %while3A_364 = %while3A_307 to %while3A_303 step %while3A_309  : i32 {
      %broadcast_in_dim3A_365 = vector.broadcast %while3A_364 : i32 to vector<16xi32>
      %gather3A = tpu.vector_load_idx %arg19[%broadcast_in_dim3A_365] : memref<272xi32, #tpu.memory_space<vmem>>[vector<16xi32>], vector<16xi32>,
      %slice3A = vector.extract_strided_slice %gather3A {offsets = [0], sizes = [1], strides = [1]} : vector<16xi32> to vector<1xi32>
      %squeeze3A = vector.extract %slice3A[0] : i32 from vector<1xi32>
      %swap3A = arith.index_cast %squeeze3A : i32 to index
      %swap3A_366 = arith.constant 0 : index
      %swap3A_367 = tpu.vector_load %arg21[%swap3A, %swap3A_366] {strides = array<i32>} : memref<256x128xf32, #tpu.memory_space<vmem>>, vector<16xf32>,
      tpu.vector_store %arg21[%swap3A, %swap3A_366], %broadcast_in_dim3A_3 {strides = array<i32>} : memref<256x128xf32, #tpu.memory_space<vmem>>, vector<16xf32>,
      %swap3A_368 = arith.index_cast %squeeze3A : i32 to index
      %swap3A_369 = arith.constant 16 : index
      %swap3A_370 = tpu.vector_load %arg21[%swap3A_368, %swap3A_369] {strides = array<i32>} : memref<256x128xf32, #tpu.memory_space<vmem>>, vector<16xf32>,
      tpu.vector_store %arg21[%swap3A_368, %swap3A_369], %broadcast_in_dim3A_3 {strides = array<i32>} : memref<256x128xf32, #tpu.memory_space<vmem>>, vector<16xf32>,
      %swap3A_371 = arith.index_cast %squeeze3A : i32 to index
      %swap3A_372 = arith.constant 32 : index
      %swap3A_373 = tpu.vector_load %arg21[%swap3A_371, %swap3A_372] {strides = array<i32>} : memref<256x128xf32, #tpu.memory_space<vmem>>, vector<16xf32>,
      tpu.vector_store %arg21[%swap3A_371, %swap3A_372], %broadcast_in_dim3A_3 {strides = array<i32>} : memref<256x128xf32, #tpu.memory_space<vmem>>, vector<16xf32>,
      %swap3A_374 = arith.index_cast %squeeze3A : i32 to index
      %swap3A_375 = arith.constant 48 : index
      %swap3A_376 = tpu.vector_load %arg21[%swap3A_374, %swap3A_375] {strides = array<i32>} : memref<256x128xf32, #tpu.memory_space<vmem>>, vector<16xf32>,
      tpu.vector_store %arg21[%swap3A_374, %swap3A_375], %broadcast_in_dim3A_3 {strides = array<i32>} : memref<256x128xf32, #tpu.memory_space<vmem>>, vector<16xf32>,
      %swap3A_377 = arith.index_cast %squeeze3A : i32 to index
      %swap3A_378 = arith.constant 64 : index
      %swap3A_379 = tpu.vector_load %arg21[%swap3A_377, %swap3A_378] {strides = array<i32>} : memref<256x128xf32, #tpu.memory_space<vmem>>, vector<16xf32>,
      tpu.vector_store %arg21[%swap3A_377, %swap3A_378], %broadcast_in_dim3A_3 {strides = array<i32>} : memref<256x128xf32, #tpu.memory_space<vmem>>, vector<16xf32>,
      %swap3A_380 = arith.index_cast %squeeze3A : i32 to index
      %swap3A_381 = arith.constant 80 : index
      %swap3A_382 = tpu.vector_load %arg21[%swap3A_380, %swap3A_381] {strides = array<i32>} : memref<256x128xf32, #tpu.memory_space<vmem>>, vector<16xf32>,
      tpu.vector_store %arg21[%swap3A_380, %swap3A_381], %broadcast_in_dim3A_3 {strides = array<i32>} : memref<256x128xf32, #tpu.memory_space<vmem>>, vector<16xf32>,
      %swap3A_383 = arith.index_cast %squeeze3A : i32 to index
      %swap3A_384 = arith.constant 96 : index
      %swap3A_385 = tpu.vector_load %arg21[%swap3A_383, %swap3A_384] {strides = array<i32>} : memref<256x128xf32, #tpu.memory_space<vmem>>, vector<16xf32>,
      tpu.vector_store %arg21[%swap3A_383, %swap3A_384], %broadcast_in_dim3A_3 {strides = array<i32>} : memref<256x128xf32, #tpu.memory_space<vmem>>, vector<16xf32>,
      %swap3A_386 = arith.index_cast %squeeze3A : i32 to index
      %swap3A_387 = arith.constant 112 : index
      %swap3A_388 = tpu.vector_load %arg21[%swap3A_386, %swap3A_387] {strides = array<i32>} : memref<256x128xf32, #tpu.memory_space<vmem>>, vector<16xf32>,
      tpu.vector_store %arg21[%swap3A_386, %swap3A_387], %broadcast_in_dim3A_3 {strides = array<i32>} : memref<256x128xf32, #tpu.memory_space<vmem>>, vector<16xf32>,
    }
    %dma_wait3A_310 = arith.constant 0 : i32
    %dma_wait3A_311 = tpu.memref_slice %arg16[%dma_wait3A_310] : memref<512xi32, #tpu.memory_space<vmem>> -> memref<128xi32, #tpu.memory_space<vmem>>
    %dma_wait3A_312 = arith.constant 0 : i32
    %dma_wait3A_313 = tpu.memref_slice %arg14[%dma_wait3A_312] : memref<512xi32, #tpu.memory_space<vmem>> -> memref<128xi32, #tpu.memory_space<vmem>>
    %dma_wait3A_314 = arith.constant 0 : i32
    %dma_wait3A_315 = tpu.memref_slice %arg6[%dma_wait3A_314] : memref<16384xi32, #tpu.memory_space<hbm>> -> memref<16384xi32, #tpu.memory_space<hbm>>
    tpu.wait_indirect_dma semaphore(%arg23 : memref<!tpu.dma_semaphore, #tpu.memory_space<semaphore_mem>>) src(%dma_wait3A_315 : memref<16384xi32, #tpu.memory_space<hbm>>) dst(%dma_wait3A_311 : memref<128xi32, #tpu.memory_space<vmem>>)
    %dma_wait3A_316 = arith.constant 128 : i32
    %dma_wait3A_317 = tpu.memref_slice %arg16[%dma_wait3A_316] : memref<512xi32, #tpu.memory_space<vmem>> -> memref<128xi32, #tpu.memory_space<vmem>>
    %dma_wait3A_318 = arith.constant 128 : i32
    %dma_wait3A_319 = tpu.memref_slice %arg14[%dma_wait3A_318] : memref<512xi32, #tpu.memory_space<vmem>> -> memref<128xi32, #tpu.memory_space<vmem>>
    %dma_wait3A_320 = arith.constant 0 : i32
    %dma_wait3A_321 = tpu.memref_slice %arg6[%dma_wait3A_320] : memref<16384xi32, #tpu.memory_space<hbm>> -> memref<16384xi32, #tpu.memory_space<hbm>>
    tpu.wait_indirect_dma semaphore(%arg23 : memref<!tpu.dma_semaphore, #tpu.memory_space<semaphore_mem>>) src(%dma_wait3A_321 : memref<16384xi32, #tpu.memory_space<hbm>>) dst(%dma_wait3A_317 : memref<128xi32, #tpu.memory_space<vmem>>)
    %dma_wait3A_322 = arith.constant 256 : i32
    %dma_wait3A_323 = tpu.memref_slice %arg16[%dma_wait3A_322] : memref<512xi32, #tpu.memory_space<vmem>> -> memref<128xi32, #tpu.memory_space<vmem>>
    %dma_wait3A_324 = arith.constant 256 : i32
    %dma_wait3A_325 = tpu.memref_slice %arg14[%dma_wait3A_324] : memref<512xi32, #tpu.memory_space<vmem>> -> memref<128xi32, #tpu.memory_space<vmem>>
    %dma_wait3A_326 = arith.constant 0 : i32
    %dma_wait3A_327 = tpu.memref_slice %arg6[%dma_wait3A_326] : memref<16384xi32, #tpu.memory_space<hbm>> -> memref<16384xi32, #tpu.memory_space<hbm>>
    tpu.wait_indirect_dma semaphore(%arg23 : memref<!tpu.dma_semaphore, #tpu.memory_space<semaphore_mem>>) src(%dma_wait3A_327 : memref<16384xi32, #tpu.memory_space<hbm>>) dst(%dma_wait3A_323 : memref<128xi32, #tpu.memory_space<vmem>>)
    %dma_wait3A_328 = arith.constant 384 : i32
    %dma_wait3A_329 = tpu.memref_slice %arg16[%dma_wait3A_328] : memref<512xi32, #tpu.memory_space<vmem>> -> memref<128xi32, #tpu.memory_space<vmem>>
    %dma_wait3A_330 = arith.constant 384 : i32
    %dma_wait3A_331 = tpu.memref_slice %arg14[%dma_wait3A_330] : memref<512xi32, #tpu.memory_space<vmem>> -> memref<128xi32, #tpu.memory_space<vmem>>
    %dma_wait3A_332 = arith.constant 0 : i32
    %dma_wait3A_333 = tpu.memref_slice %arg6[%dma_wait3A_332] : memref<16384xi32, #tpu.memory_space<hbm>> -> memref<16384xi32, #tpu.memory_space<hbm>>
    tpu.wait_indirect_dma semaphore(%arg23 : memref<!tpu.dma_semaphore, #tpu.memory_space<semaphore_mem>>) src(%dma_wait3A_333 : memref<16384xi32, #tpu.memory_space<hbm>>) dst(%dma_wait3A_329 : memref<128xi32, #tpu.memory_space<vmem>>)
    %dma_wait3A_334 = arith.constant 0 : i32
    %dma_wait3A_335 = tpu.memref_slice %arg17[%dma_wait3A_334] : memref<512xf32, #tpu.memory_space<vmem>> -> memref<128xf32, #tpu.memory_space<vmem>>
    %dma_wait3A_336 = arith.constant 0 : i32
    %dma_wait3A_337 = tpu.memref_slice %arg14[%dma_wait3A_336] : memref<512xi32, #tpu.memory_space<vmem>> -> memref<128xi32, #tpu.memory_space<vmem>>
    %dma_wait3A_338 = arith.constant 0 : i32
    %dma_wait3A_339 = tpu.memref_slice %arg7[%dma_wait3A_338] : memref<16384xf32, #tpu.memory_space<hbm>> -> memref<16384xf32, #tpu.memory_space<hbm>>
    tpu.wait_indirect_dma semaphore(%arg23 : memref<!tpu.dma_semaphore, #tpu.memory_space<semaphore_mem>>) src(%dma_wait3A_339 : memref<16384xf32, #tpu.memory_space<hbm>>) dst(%dma_wait3A_335 : memref<128xf32, #tpu.memory_space<vmem>>)
    %dma_wait3A_340 = arith.constant 128 : i32
    %dma_wait3A_341 = tpu.memref_slice %arg17[%dma_wait3A_340] : memref<512xf32, #tpu.memory_space<vmem>> -> memref<128xf32, #tpu.memory_space<vmem>>
    %dma_wait3A_342 = arith.constant 128 : i32
    %dma_wait3A_343 = tpu.memref_slice %arg14[%dma_wait3A_342] : memref<512xi32, #tpu.memory_space<vmem>> -> memref<128xi32, #tpu.memory_space<vmem>>
    %dma_wait3A_344 = arith.constant 0 : i32
    %dma_wait3A_345 = tpu.memref_slice %arg7[%dma_wait3A_344] : memref<16384xf32, #tpu.memory_space<hbm>> -> memref<16384xf32, #tpu.memory_space<hbm>>
    tpu.wait_indirect_dma semaphore(%arg23 : memref<!tpu.dma_semaphore, #tpu.memory_space<semaphore_mem>>) src(%dma_wait3A_345 : memref<16384xf32, #tpu.memory_space<hbm>>) dst(%dma_wait3A_341 : memref<128xf32, #tpu.memory_space<vmem>>)
    %dma_wait3A_346 = arith.constant 256 : i32
    %dma_wait3A_347 = tpu.memref_slice %arg17[%dma_wait3A_346] : memref<512xf32, #tpu.memory_space<vmem>> -> memref<128xf32, #tpu.memory_space<vmem>>
    %dma_wait3A_348 = arith.constant 256 : i32
    %dma_wait3A_349 = tpu.memref_slice %arg14[%dma_wait3A_348] : memref<512xi32, #tpu.memory_space<vmem>> -> memref<128xi32, #tpu.memory_space<vmem>>
    %dma_wait3A_350 = arith.constant 0 : i32
    %dma_wait3A_351 = tpu.memref_slice %arg7[%dma_wait3A_350] : memref<16384xf32, #tpu.memory_space<hbm>> -> memref<16384xf32, #tpu.memory_space<hbm>>
    tpu.wait_indirect_dma semaphore(%arg23 : memref<!tpu.dma_semaphore, #tpu.memory_space<semaphore_mem>>) src(%dma_wait3A_351 : memref<16384xf32, #tpu.memory_space<hbm>>) dst(%dma_wait3A_347 : memref<128xf32, #tpu.memory_space<vmem>>)
    %dma_wait3A_352 = arith.constant 384 : i32
    %dma_wait3A_353 = tpu.memref_slice %arg17[%dma_wait3A_352] : memref<512xf32, #tpu.memory_space<vmem>> -> memref<128xf32, #tpu.memory_space<vmem>>
    %dma_wait3A_354 = arith.constant 384 : i32
    %dma_wait3A_355 = tpu.memref_slice %arg14[%dma_wait3A_354] : memref<512xi32, #tpu.memory_space<vmem>> -> memref<128xi32, #tpu.memory_space<vmem>>
    %dma_wait3A_356 = arith.constant 0 : i32
    %dma_wait3A_357 = tpu.memref_slice %arg7[%dma_wait3A_356] : memref<16384xf32, #tpu.memory_space<hbm>> -> memref<16384xf32, #tpu.memory_space<hbm>>
    tpu.wait_indirect_dma semaphore(%arg23 : memref<!tpu.dma_semaphore, #tpu.memory_space<semaphore_mem>>) src(%dma_wait3A_357 : memref<16384xf32, #tpu.memory_space<hbm>>) dst(%dma_wait3A_353 : memref<128xf32, #tpu.memory_space<vmem>>)
    %scan3A_358 = arith.constant 0 : i32
    %scan3A_359 = arith.constant 0 : i32
    %scan3A_360 = arith.constant 32 : i32
    %scan3A_361 = arith.addi %scan3A_359, %scan3A_360 : i32
    %scan3A_362 = arith.constant 1 : i32
    scf.for %scan3A_364 = %scan3A_359 to %scan3A_361 step %scan3A_362  : i32 {
      %mul3A_365 = arith.constant 16 : i32
      %mul3A_366 = arith.muli %scan3A_364, %mul3A_365 : i32
      %get3A = arith.index_cast %mul3A_366 : i32 to index
      %get3A_367 = tpu.vector_load %arg15[%get3A] {strides = array<i32>} : memref<512xf32, #tpu.memory_space<vmem>>, vector<16xf32>,
      %get3A_368 = arith.index_cast %mul3A_366 : i32 to index
      %get3A_369 = tpu.vector_load %arg17[%get3A_368] {strides = array<i32>} : memref<512xf32, #tpu.memory_space<vmem>>, vector<16xf32>,
      %mul3A_370 = arith.mulf %get3A_369, %get3A_367 : vector<16xf32>
      %swap3A = arith.index_cast %mul3A_366 : i32 to index
      %swap3A_371 = tpu.vector_load %arg17[%swap3A] {strides = array<i32>} : memref<512xf32, #tpu.memory_space<vmem>>, vector<16xf32>,
      tpu.vector_store %arg17[%swap3A], %mul3A_370 {strides = array<i32>} : memref<512xf32, #tpu.memory_space<vmem>>, vector<16xf32>,
      %get3A_372 = arith.index_cast %mul3A_366 : i32 to index
      %get3A_373 = tpu.vector_load %arg16[%get3A_372] {strides = array<i32>} : memref<512xi32, #tpu.memory_space<vmem>>, vector<16xi32>,
      %convert_element_type3A = arith.fptosi %get3A_367 : vector<16xf32> to vector<16xi32>
      %mul3A_374 = arith.muli %get3A_373, %convert_element_type3A : vector<16xi32>
      %swap3A_375 = arith.index_cast %mul3A_366 : i32 to index
      %swap3A_376 = tpu.vector_load %arg16[%swap3A_375] {strides = array<i32>} : memref<512xi32, #tpu.memory_space<vmem>>, vector<16xi32>,
      tpu.vector_store %arg16[%swap3A_375], %mul3A_374 {strides = array<i32>} : memref<512xi32, #tpu.memory_space<vmem>>, vector<16xi32>,
    }
    %scan3A_363 = arith.constant 32 : i32
    "tpu.region"() ({
      %run_scoped3A = tpu.sem_alloc : memref<!tpu.dma_semaphore, #tpu.memory_space<semaphore_mem>>
      %dma_start3A_364 = tpu.memref_slice %arg9[%mul3A_2] : memref<16384xi32, #tpu.memory_space<hbm>> -> memref<512xi32, #tpu.memory_space<hbm>>
      %dma_start3A_365 = tpu.memref_slice %arg9[%mul3A_2] : memref<16384xi32, #tpu.memory_space<hbm>> -> memref<512xi32, #tpu.memory_space<hbm>>
      tpu.enqueue_dma source(%arg16 : memref<512xi32, #tpu.memory_space<vmem>>) target(%dma_start3A_365 : memref<512xi32, #tpu.memory_space<hbm>>) target_semaphore(%run_scoped3A : memref<!tpu.dma_semaphore, #tpu.memory_space<semaphore_mem>>)
      %dma_wait3A_366 = tpu.memref_slice %arg9[%mul3A_2] : memref<16384xi32, #tpu.memory_space<hbm>> -> memref<512xi32, #tpu.memory_space<hbm>>
      %dma_wait3A_367 = tpu.memref_slice %arg9[%mul3A_2] : memref<16384xi32, #tpu.memory_space<hbm>> -> memref<512xi32, #tpu.memory_space<hbm>>
      tpu.wait_dma2 semaphore(%run_scoped3A : memref<!tpu.dma_semaphore, #tpu.memory_space<semaphore_mem>>) src(%arg16 : memref<512xi32, #tpu.memory_space<vmem>>) dst(%dma_wait3A_367 : memref<512xi32, #tpu.memory_space<hbm>>)
      tpu.yield
    }) : () -> ()
    "tpu.region"() ({
      %run_scoped3A = tpu.sem_alloc : memref<!tpu.dma_semaphore, #tpu.memory_space<semaphore_mem>>
      %dma_start3A_364 = tpu.memref_slice %arg11[%mul3A_2] : memref<16384xf32, #tpu.memory_space<hbm>> -> memref<512xf32, #tpu.memory_space<hbm>>
      %dma_start3A_365 = tpu.memref_slice %arg11[%mul3A_2] : memref<16384xf32, #tpu.memory_space<hbm>> -> memref<512xf32, #tpu.memory_space<hbm>>
      tpu.enqueue_dma source(%arg17 : memref<512xf32, #tpu.memory_space<vmem>>) target(%dma_start3A_365 : memref<512xf32, #tpu.memory_space<hbm>>) target_semaphore(%run_scoped3A : memref<!tpu.dma_semaphore, #tpu.memory_space<semaphore_mem>>)
      %dma_wait3A_366 = tpu.memref_slice %arg11[%mul3A_2] : memref<16384xf32, #tpu.memory_space<hbm>> -> memref<512xf32, #tpu.memory_space<hbm>>
      %dma_wait3A_367 = tpu.memref_slice %arg11[%mul3A_2] : memref<16384xf32, #tpu.memory_space<hbm>> -> memref<512xf32, #tpu.memory_space<hbm>>
      tpu.wait_dma2 semaphore(%run_scoped3A : memref<!tpu.dma_semaphore, #tpu.memory_space<semaphore_mem>>) src(%arg17 : memref<512xf32, #tpu.memory_space<vmem>>) dst(%dma_wait3A_367 : memref<512xf32, #tpu.memory_space<hbm>>)
      tpu.yield
    }) : () -> ()
    return
  }
}

</mosaic_0001>

<sc_bundles>
// kernel: kernel.4.cloned.1.call-start
scs
__scs_entry_jumppad:
0x0: {  	(pc) =	sbr.rel $0x88, $3  }
0x1: {  	(tag) =	ssettag $0x0;
	lr =	simm.s32 $0x1  }
0x2: {  	[smem:$0x3F9B] =	sst lr;
	_ =	strace $0xD0000000  }
0x3: {  	_ = 	snop  }
0x4: {  	_ = 	snop  }
0x5: {  	_ = 	snop  }
0x6: {  	_ = 	snop  }
0x7: {  	_ = 	snop  }
__scs_overlays_trampoline_lowered:
0x8: {  	[smem:$0x3FAA] =	sst s0  }
0x9: {  	[smem:$0x3FAB] =	sst s1  }
0xa: {  	[smem:$0x3FAC] =	sst s2  }
0xb: {  	[smem:$0x3FAD] =	sst s3  }
0xc: {  	[smem:$0x3FAE] =	sst s4  }
0xd: {  	[smem:$0x3FAF] =	sst s5  }
0xe: {  	[smem:$0x3FB0] =	sst s6  }
0xf: {  	[smem:$0x3FB1] =	sst s7  }
0x10: {  	[smem:$0x3FB2] =	sst s8  }
0x11: {  	[smem:$0x3FB3] =	sst s9;
	s0 =	simm.s32 @!p0 $0x0  }
0x12: {  	s1 =	sld [smem:$0x3F99];
	s0 =	simm.s32 @p0 $0x1  }
0x13: {  	[smem:$0x3FB4] =	sst s0;
	s0 =	simm.s32 @!p1 $0x0  }
0x14: {  	s2 =	sld [smem:$0x3F98];
	s0 =	simm.s32 @p1 $0x1  }
0x15: {  	[smem:$0x3FB5] =	sst s0;
	s0 =	simm.s32 @!p2 $0x0  }
0x16: {  	s3 =	sld [smem:$0x3FDB];
	s0 =	simm.s32 @p2 $0x1  }
0x17: {  	s4 =	simm.s32 $0x1BF5;
	[smem:$0x3FB7] =	sst s0  }
0x18: {  	s0 =	sld [smem:$0x3F9A];
	_ =	swait.ge [sflag:s4], $0x0  }
0x19: {  	s7 =	sld [smem:$0x3F9B]  }
0x1a: {  	s8 =	sadd.s32 $0xFFFFE003, lr  }
0x1b: {  	s9 =	sadd.s32 $0xFFFFFEF7, lr;
	s5 =	simm.s32 $0xFFFFFFFF;
	p2 =	slt.u32 s8, $0xFFFFF086  }
0x1c: {  	p1 =	slt.u32 s9, $0xF7A;
	s5 =	simm.s32 @!p2 $0x0  }
0x1d: {  	s5 =	simm.s32 @p1 $0x1;
	p0 =	seq.s32 s7, s2  }
0x1e: {  	s7 =	smul.u32 @!p0 $0xF7A, s2;
	p2 =	seq.s32 @!p0 s5, $0x0  }
0x1f: {  	s9 =	smul.u32 $0xF7A, s1;
	s8 =	simm.s32 @!p0 $0x1BF5;
	p2 =	por !p2, p0  }
0x20: {  	[sflag:s8] =	ssyncset.s32 @!p0 $0xFFFFF086;
	s6 =	sadd.s32 @!p0 s3, s7;
	s7 =	simm.s32 @!p0 $0x108  }
0x21: {  	s3 =	sadd.s32 s3, s9;
	s6 =	sadd.s32 @!p0 $0x88, s6;
	s7 =	simm.s32 @p2 $0x1082  }
0x22: {  	[simem:s7], [sflag:s8] =	dma.local @!p0 [hbm:s6], $0xF7A  }
0x23: {  	s9 =	sor.u32 $0xD0000000, s2;
	s6 =	simm.s32 $0x108;
	_ =	swait.ge @!p0 [sflag:s8], $0x0  }
0x24: {  	s3 =	sadd.s32 $0x88, s3;
	s6 =	simm.s32 @!p1 $0x1082;
	[sflag:s4] =	ssyncset.s32 $0xFFFFF086  }
0x25: {  	[simem:s6], [sflag:s4] =	dma.local [hbm:s3], $0xF7A  }
0x26: {  	[smem:$0x3F9B] =	sst s1;
	(tag) =	ssettag s2;
	_ =	strace s9  }
0x27: {  	s1 =	sld [smem:$0x3FAB]  }
0x28: {  	s2 =	sld [smem:$0x3FAC]  }
0x29: {  	s4 =	sld [smem:$0x3FAE]  }
0x2a: {  	p0 =	seq.s32 s5, $0x0;
	s5 =	sld [smem:$0x3FAF]  }
0x2b: {  	s6 =	sld [smem:$0x3FB0]  }
0x2c: {  	s7 =	sld [smem:$0x3FB1]  }
0x2d: {  	s3 =	simm.s32 $0x108;
	s8 =	sld [smem:$0x3FB2]  }
0x2e: {  	s3 =	simm.s32 @!p0 $0x1082;
	s9 =	sld [smem:$0x3FB3]  }
0x2f: {  	lr =	sadd.s32 s0, s3;
	s0 =	sld [smem:$0x3FAA]  }
0x30: {  	s3 =	sld [smem:$0x3FAD]  }
0x31: {  	[smem:$0x3FB6] =	sst s10  }
0x32: {  	s10 =	sld [smem:$0x3FB4];
	_ =	sdelay $0x3  }
0x33: {  	p0 =	seq.s32 s10, $0x1;
	s10 =	sld [smem:$0x3FB6];
	_ =	sdelay $0x3  }
0x34: {  	[smem:$0x3FB6] =	sst s10  }
0x35: {  	s10 =	sld [smem:$0x3FB5];
	_ =	sdelay $0x3  }
0x36: {  	p1 =	seq.s32 s10, $0x1;
	s10 =	sld [smem:$0x3FB6];
	_ =	sdelay $0x3  }
0x37: {  	[smem:$0x3FB6] =	sst s10  }
0x38: {  	s10 =	sld [smem:$0x3FB7]  }
0x39: {  	_ = 	snop;
	(pc) =	sbr.ind lr, $3  }
0x3a: {  	_ = 	snop  }
0x3b: {  	_ = 	snop  }
0x3c: {  	p2 =	seq.s32 s10, $0x1;
	s10 =	sld [smem:$0x3FB6]  }
0x3d: {  	_ =	shalt  }
0x3e: {  	_ =	shalt  }
0x3f: {  	_ =	shalt  }
0x40: {  	_ =	shalt  }
0x41: {  	_ =	shalt  }
0x42: {  	_ =	shalt  }
0x43: {  	_ =	shalt  }
0x44: {  	_ =	shalt  }
0x45: {  	_ =	shalt  }
0x46: {  	_ =	shalt  }
0x47: {  	_ =	shalt  }
0x48: {  	_ =	shalt  }
0x49: {  	_ =	shalt  }
0x4a: {  	_ =	shalt  }
0x4b: {  	_ =	shalt  }
0x4c: {  	_ =	shalt  }
0x4d: {  	_ =	shalt  }
0x4e: {  	_ =	shalt  }
0x4f: {  	_ =	shalt  }
0x50: {  	_ =	shalt  }
0x51: {  	_ =	shalt  }
0x52: {  	_ =	shalt  }
0x53: {  	_ =	shalt  }
0x54: {  	_ =	shalt  }
0x55: {  	_ =	shalt  }
0x56: {  	_ =	shalt  }
0x57: {  	_ =	shalt  }
0x58: {  	_ =	shalt  }
0x59: {  	_ =	shalt  }
0x5a: {  	_ =	shalt  }
0x5b: {  	_ =	shalt  }
0x5c: {  	_ =	shalt  }
0x5d: {  	_ =	shalt  }
0x5e: {  	_ =	shalt  }
0x5f: {  	_ =	shalt  }
0x60: {  	_ =	shalt  }
0x61: {  	_ =	shalt  }
0x62: {  	_ =	shalt  }
0x63: {  	_ =	shalt  }
0x64: {  	_ =	shalt  }
0x65: {  	_ =	shalt  }
0x66: {  	_ =	shalt  }
0x67: {  	_ =	shalt  }
0x68: {  	_ =	shalt  }
0x69: {  	_ =	shalt  }
0x6a: {  	_ =	shalt  }
0x6b: {  	_ =	shalt  }
0x6c: {  	_ =	shalt  }
0x6d: {  	_ =	shalt  }
0x6e: {  	_ =	shalt  }
0x6f: {  	_ =	shalt  }
0x70: {  	_ =	shalt  }
0x71: {  	_ =	shalt  }
0x72: {  	_ =	shalt  }
0x73: {  	_ =	shalt  }
0x74: {  	_ =	shalt  }
0x75: {  	_ =	shalt  }
0x76: {  	_ =	shalt  }
0x77: {  	_ =	shalt  }
0x78: {  	_ =	shalt  }
0x79: {  	_ =	shalt  }
0x7a: {  	_ =	shalt  }
0x7b: {  	_ =	shalt  }
0x7c: {  	_ =	shalt  }
0x7d: {  	_ =	shalt  }
0x7e: {  	_ =	shalt  }
0x7f: {  	_ =	shalt  }
0x80: {  	_ =	shalt  }
0x81: {  	_ =	shalt  }
0x82: {  	_ =	shalt  }
0x83: {  	_ =	shalt  }
0x84: {  	_ =	shalt  }
0x85: {  	_ =	shalt  }
0x86: {  	_ =	shalt  }
0x87: {  	_ =	shalt  }
.Lfunc_end0:
.L_simem_size_0:
called_computation_lowered:
.L_overlay_start_0:
0x88: {  	s2 =	sld [smem:$0x3FD9]  }
0x89: {  	s3 =	sld [smem:$0x3FFE];
	_ =	sdelay $0x1  }
0x8a: {  	s1 =	srdreg.scid  }
0x8b: {  	s0 =	sand.u32 $0x1, s1  }
0x8c: {  	s14 =	sshll.u32 s0, $0xA;
	s2 =	sadd.s32 s3, s2  }
0x8d: {  	s2 =	sadd.s32 s2, s14  }
0x8e: {  	[smem:$0x3FC2] =	sst s2  }
0x8f: {  	_ = 	snop  }
0x90: {  	s2 =	sld [smem:$0x3FD0];
	_ =	sdelay $0x2  }
0x91: {  	s4 =	simm.s32 $0xA;
	s5 =	simm.s32 $0x10;
	s15 =	sld [smem:$0x3FC5]  }
0x92: {  	[smem:s5], [sflag:s4] =	dma.local [hbm:s2], $0x1  }
0x93: {  	_ =	swait.eq [sflag:s4], $0x1  }
0x94: {  	[sflag:s4] =	ssyncset.done $0x0  }
0x95: {  	s16 =	sld [smem:$0x12];
	[sflag:s4] =	ssyncadd.s32 $0xFFFFFFFF  }
0x96: {  	s17 =	sld [smem:$0x15];
	(tm) =	ssettm $0x1  }
0x97: {  	s18 =	sld [smem:$0x3FFB];
	_ =	sdelay $0x3  }
0x98: {  	_ =	strace s18  }
0x99: {  	s5 =	sld [smem:$0x3FFC];
	_ =	sdelay $0x3  }
0x9a: {  	_ =	strace s5  }
0x9b: {  	s5 =	sld [smem:$0x3FFD];
	_ =	sdelay $0x3  }
0x9c: {  	_ =	strace s5  }
0x9d: {  	_ =	strace $0x8FFFFFFF  }
0x9e: {  	s19 =	sld [smem:$0x3FDB];
	_ =	sdelay $0x1  }
0x9f: {  	s6 =	simm.s32 $_scs_section_size  }
0xa0: {  	s7 =	simm.s32 $_size__tile_overlayer_lowered;
	s8 =	simm.s32 $_tile_overlayer_lowered  }
0xa1: {  	s22 =	simm.s32 $0x1BFF;
	s21 =	sshll.u32 s8, $0x1;
	s5 =	sadd.s32 s6, s19  }
0xa2: {  	s9 =	simm.s32 $0x0;
	s20 =	sshll.u32 s7, $0x1;
	s7 =	sadd.s32 s21, s5  }
0xa3: {  	[timem:s9], [sflag:s22] =	dma.local [hbm:s7], s20  }
0xa4: {  	_ =	swait.ge [sflag:s22], s20  }
0xa5: {  	s6 =	ssub.s32 $0x0, s20;
	[sflag:s22] =	ssyncset.done $0x0  }
0xa6: {  	[sflag:s22] =	ssyncadd.s32 s6;
	_ =	sdelay $0x1  }
0xa7: {  	s23 =	simm.s32 $0x1B8B  }
0xa8: {  	_ =	swait.ge [sflag:s23], $0x1  }
0xa9: {  	[sflag:s23] =	ssyncset.done $0x0  }
0xaa: {  	s25 =	simm.s32 $0x1B8E;
	s24 =	sld [smem:$0x3FFE];
	[sflag:s23] =	ssyncadd.s32 $0xFFFFFFFF  }
0xab: {  	s26 =	simm.s32 $execute0_lowered;
	[smem:$0x3FD2] =	sst s25  }
0xac: {  	s7 =	sshll.u32 s26, $0x1;
	_ =	strace $0x80000046;
	[dreg:$0x1] =	wrdreg $0xFFFFFFFF  }
0xad: {  	s28 =	simm.s32 $_size_execute0_lowered;
	s5 =	sadd.s32 s5, s7;
	[dreg:$0x0] =	wrdreg $0x0  }
0xae: {  	s7 =	sshll.u32 s28, $0x1;
	[dreg:$0x2] =	wrdreg s5  }
0xaf: {  	[dreg:$0x3] =	wrdreg s7  }
0xb0: {  	[dreg:$0x4] =	wrdreg $0xC0  }
0xb1: {  	_ =	task [dreg:s9], $0x5FFFF  }
0xb2: {  	[dreg:$0x1] =	wrdreg $0xFFFFFFFF  }
0xb3: {  	[dreg:$0x0] =	wrdreg $0x60  }
0xb4: {  	[dreg:$0x2] =	wrdreg s15  }
0xb5: {  	[dreg:$0x3] =	wrdreg s16  }
0xb6: {  	[dreg:$0x4] =	wrdreg s24  }
0xb7: {  	[dreg:$0x5] =	wrdreg s17  }
0xb8: {  	[dreg:$0x6] =	wrdreg $0x9  }
0xb9: {  	_ =	task.clear_ibuf [dreg:s9], $0x7FFFF;
	_ =	strace $0x90000046  }
0xba: {  	s29 =	simm.s32 $0x9;
	_ =	strace $0x80000048  }
0xbb: {  	_ =	swait.ge [sflag:s29], $0x1  }
0xbc: {  	[sflag:s29] =	ssyncadd.s32 $0xFFFFFFFF  }
0xbd: {  	_ =	strace $0x90000048  }
0xbe: {  	_ =	sfence  }
0xbf: {  	s30 =	sld [smem:$0x0];
	_ =	sdelay $0x2  }
0xc0: {  	s31 =	sshll.u32 s1, $0xD;
	s1 =	sshrl.u32 s1, $0x2  }
0xc1: {  	s3 =	sand.u32 $0x4000, s31;
	s1 =	sadd.s32 s1, s30  }
0xc2: {  	s0 =	sor.u32 s3, s0;
	s1 =	sshll.u32 s1, $0x11  }
0xc3: {  	s0 =	sor.u32 s1, s0  }
0xc4: {  	s0 =	sadd.s32 $0x8F2B, s0  }
0xc5: {  	[sflag:s0] =	ssyncadd.remote.s32 $0x1  }
0xc6: {  	_ =	sfence.sel $0xFFFF  }
0xc7: {  	[dreg:$0x0] =	wrdreg $0xFFFFFFFF;
	(pc) =	sbr.abs _section_cstart, $3  }
0xc8: {  	[dreg:$0x1] =	wrdreg $0xFFFFFFFF  }
0xc9: {  	_ =	task.clear_ibuf [dreg:s9], $0x2FFFF;
	_ =	strace $0x9FFFFFFF  }
0xca: {  	(tm) =	ssettm $0x7FFFFFFF  }
0xcb: {  	_ =	shalt  }
tec
execute0_lowered:
.L_overlay_start_1:
0x0: {  	(tag) =	ssettag $0x1  }
0x1: {  	s1 =	rddreg [dreg:$0x0]  }
0x2: {  	s5 =	rddreg [dreg:$0x1]  }
0x3: {  	s4 =	rddreg [dreg:$0x2]  }
0x4: {  	s6 =	rddreg [dreg:$0x3]  }
0x5: {  	s0 =	rddreg [dreg:$0x4];
	s7 =	srdreg.scid  }
0x6: {  	s2 =	stileid.u32;
	s3 =	simm.s32 $0x0;
	s11 =	simm.s32 $0x6600  }
0x7: {  	s12 =	simm.s32 $0x0;
	s7 =	sand.u32 $0x1, s7;
	s8 =	sshll.u32 s2, $0x1  }
0x8: {  	[smem:$0x7FF] =	sst s3;
	s8 =	sor.u32 s7, s8;
	s7 =	ssub.s32 $0x2, s7  }
0x9: {  	_ =	strace $0x80000047;
	s9 =	sshll.u32 s8, $0xA;
	s30 =	sshrl.u32 s7, $0x1  }
0xa: {  	v0 =	vlaneseq.u32;
	s10 =	smul.u32 $0xC0, s8;
	s31 =	sshll.u32 s8, $0xD;
	s8 =	sshll.u32 s8, $0x6  }
0xb: {  	v1 =	vmul.u32 $0x3, v0;
	s4 =	sadd.s32 s9, s4;
	s7 =	ssub.s32 s7, s30;
	s6 =	sadd.s32 s6, s8  }
0xc: {  	v3 =	vimm.s32 $0xFFFFFFFF;
	s8 =	simm.s32 $0x1;
	s9 =	simm.s32 $0x4000;
	s4 =	sadd.s32 $0x1000, s4  }
0xd: {  	v4 =	vadd.s32 $0x1, v1;
	v5 =	vadd.s32 $0x2, v1;
	v2 =	vmov s31;
	s5 =	sadd.s32 s5, s10;
	s7 =	smax.u32 s7, $0x1;
	s10 =	simm.s32 $0x6000  }
.LBB2_1:
0xe: {  	s13 =	simm.s32 $0x0;
	s14 =	simm.s32 $0x200  }
.LBB2_2:
0xf: {  	p0 =	sne.s32 s14, $0x7E00;
	[tilespmem:s13+$0x4070] =	vst v3  }
0x10: {  	[tilespmem:s13+$0x4000] =	vst v3  }
0x11: {  	[tilespmem:s13+$0x4010] =	vst v3  }
.Ltmp0:
0x12: {  	[tilespmem:s13+$0x4020] =	vst v3;
	(pc) =	sbr.rel @p0 .LBB2_2-.Ltmp0, $4  }
0x13: {  	[tilespmem:s13+$0x4030] =	vst v3  }
0x14: {  	[tilespmem:s13+$0x4040] =	vst v3  }
0x15: {  	[tilespmem:s13+$0x4050] =	vst v3  }
0x16: {  	[tilespmem:s13+$0x4060] =	vst v3;
	s13 =	sshra.s32 s14, $0x2;
	s14 =	sadd.s32 $0x200, s14  }
0x17: {  	[tilespmem:s13+$0x4070] =	vst v3  }
0x18: {  	[tilespmem:s13+$0x4000] =	vst v3  }
0x19: {  	[tilespmem:s13+$0x4010] =	vst v3  }
0x1a: {  	[tilespmem:s13+$0x4020] =	vst v3  }
0x1b: {  	[tilespmem:s13+$0x4030] =	vst v3  }
0x1c: {  	[tilespmem:s13+$0x4040] =	vst v3  }
0x1d: {  	[tilespmem:s13+$0x4050] =	vst v3  }
.Ltmp1:
0x1e: {  	[tilespmem:s13+$0x4060] =	vst v3;
	s13 =	simm.s32 $0x0;
	(pc) =	sbr.rel .LBB2_4-.Ltmp1, $4  }
0x1f: {  	[tilespmem:s13], [sflag:$0x1] =	stream.linear.gather [hbm4b:s1+s13], $0x4000, $0x38;
	[tilespmem:$0x6800] =	vst v63  }
0x20: {  	_ =	swait.ge [sflag:s8], $0x4000  }
0x21: {  	[sflag:s8] =	ssyncset.done $0x0  }
0x22: {  	[sflag:s8] =	ssyncadd.s32 $0xFFFFC000  }
.LBB2_8:
0x23: {  	s13 =	sadd.s32 $0x1, s13  }
0x24: {  	p0 =	sne.s32 s13, $0x200  }
.Ltmp2:
0x25: {  	_ = 	snop;
	(pc) =	sbr.rel @!p0 .LBB2_9-.Ltmp2, $1  }
0x26: {  	_ =	sdelay $0x3  }
.LBB2_4:
0x27: {  	s14 =	sshll.u32 s13, $0x5  }
0x28: {  	v6 =	vld [tilespmem:s14+$0x0];
	_ =	sdelay $0x4  }
0x29: {  	v6 =	vsub.s32 v6, v2  }
0x2a: {  	vm0 =	vlt.u32 v6, $0x2000  }
0x2b: {  	v6 =	vnsel vm0, $0x0, v6;
	_ =	sdelay $0x3  }
0x2c: {  	v7 =	vor.u32 s14, v0  }
0x2d: {  	[tilespmem:v6+s9+$0x0] =	vst.idx.msk vm0, v7  }
0x2e: {  	v8 =	vld.idx.msk [tilespmem:v6+s9+$0x0], vm0;
	_ =	sdelay $0x4  }
0x2f: {  	vm1 =	vgt.s32 v7, v8  }
0x30: {  	vm1 =	vmand vm0, vm1  }
0x31: {  	v8 =	vmpcnt.ones.xlane vm1;
	_ =	sdelay $0x1  }
0x32: {  	(v2sf) =	vpush v8, $0x0;
	_ =	sdelay $0xe  }
0x33: {  	s15 =	spop (v2sf)  }
0x34: {  	p0 =	slt.s32 s15, $0x1  }
.Ltmp3:
0x35: {  	_ = 	snop;
	(pc) =	sbr.rel @p0 .LBB2_6-.Ltmp3, $1  }
0x36: {  	_ =	sdelay $0x3  }
.LBB2_5:
0x37: {  	v8 =	vld.idx.msk [tilespmem:v6+s9+$0x0], vm0;
	_ =	sdelay $0x4  }
0x38: {  	vm1 =	vgt.s32 v7, v8  }
0x39: {  	vm1 =	vmand vm0, vm1;
	_ =	sdelay $0x5  }
0x3a: {  	[tilespmem:v6+s9+$0x0] =	vst.idx.msk vm1, v7  }
0x3b: {  	v8 =	vld.idx.msk [tilespmem:v6+s9+$0x0], vm0;
	_ =	sdelay $0x4  }
0x3c: {  	vm1 =	vgt.s32 v7, v8  }
0x3d: {  	vm1 =	vmand vm0, vm1  }
0x3e: {  	v8 =	vmpcnt.ones.xlane vm1;
	_ =	sdelay $0x1  }
0x3f: {  	(v2sf) =	vpush v8, $0x0;
	_ =	sdelay $0xe  }
0x40: {  	s15 =	spop (v2sf)  }
0x41: {  	p0 =	sgt.s32 s15, $0x0  }
.Ltmp4:
0x42: {  	_ = 	snop;
	(pc) =	sbr.rel @p0 .LBB2_5-.Ltmp4, $1  }
0x43: {  	_ =	sdelay $0x3  }
.LBB2_6:
0x44: {  	s14 =	sor.u32 $0x10, s14  }
0x45: {  	v6 =	vld [tilespmem:s14+$0x0];
	_ =	sdelay $0x4  }
0x46: {  	v6 =	vsub.s32 v6, v2  }
0x47: {  	vm0 =	vlt.u32 v6, $0x2000  }
0x48: {  	v6 =	vnsel vm0, $0x0, v6;
	_ =	sdelay $0x3  }
0x49: {  	v7 =	vor.u32 s14, v0  }
0x4a: {  	[tilespmem:v6+s9+$0x0] =	vst.idx.msk vm0, v7  }
0x4b: {  	v8 =	vld.idx.msk [tilespmem:v6+s9+$0x0], vm0;
	_ =	sdelay $0x4  }
0x4c: {  	vm1 =	vgt.s32 v7, v8  }
0x4d: {  	vm1 =	vmand vm0, vm1  }
0x4e: {  	v8 =	vmpcnt.ones.xlane vm1;
	_ =	sdelay $0x1  }
0x4f: {  	(v2sf) =	vpush v8, $0x0;
	_ =	sdelay $0xe  }
0x50: {  	s31 =	spop (v2sf)  }
0x51: {  	p0 =	slt.s32 s31, $0x1  }
.Ltmp5:
0x52: {  	_ = 	snop;
	(pc) =	sbr.rel @p0 .LBB2_8-.Ltmp5, $1  }
0x53: {  	_ =	sdelay $0x3  }
.LBB2_7:
0x54: {  	v8 =	vld.idx.msk [tilespmem:v6+s9+$0x0], vm0;
	_ =	sdelay $0x4  }
0x55: {  	vm1 =	vgt.s32 v7, v8  }
0x56: {  	vm1 =	vmand vm0, vm1;
	_ =	sdelay $0x5  }
0x57: {  	[tilespmem:v6+s9+$0x0] =	vst.idx.msk vm1, v7  }
0x58: {  	v8 =	vld.idx.msk [tilespmem:v6+s9+$0x0], vm0;
	_ =	sdelay $0x4  }
0x59: {  	vm1 =	vgt.s32 v7, v8  }
0x5a: {  	vm1 =	vmand vm0, vm1  }
0x5b: {  	v8 =	vmpcnt.ones.xlane vm1;
	_ =	sdelay $0x1  }
0x5c: {  	(v2sf) =	vpush v8, $0x0;
	_ =	sdelay $0xe  }
0x5d: {  	s14 =	spop (v2sf)  }
0x5e: {  	p0 =	sgt.s32 s14, $0x0  }
.Ltmp6:
0x5f: {  	_ = 	snop;
	(pc) =	sbr.rel @p0 .LBB2_7-.Ltmp6, $1  }
0x60: {  	_ =	sdelay $0x3  }
.Ltmp7:
0x61: {  	_ = 	snop;
	(pc) =	sbr.rel .LBB2_8-.Ltmp7, $1  }
0x62: {  	_ =	sdelay $0x3  }
.LBB2_9:
0x63: {  	s13 =	simm.s32 $0x0  }
0x64: {  	v6 =	vmov s13  }
0x65: {  	v6 =	vmul.u32 $0x3, v6  }
0x66: {  	[hbm4b:s4+s13] =	stream.linear.scatter [tilespmem:s9], [sflag:$0x1], $0x2000, $0x38;
	[tilespmem:$0x6800] =	vst v63  }
0x67: {  	_ =	swait.ge [sflag:s8], $0x2000;
	v6 =	vbroadcast v6, $0x0  }
0x68: {  	[sflag:s8] =	ssyncset.done $0x0  }
0x69: {  	[sflag:s8] =	ssyncadd.s32 $0xFFFFE000;
	v7 =	vadd.s32 v4, v6  }
0x6a: {  	[tilespmem:s10], [sflag:$0x1] =	stream.linear.gather [hbm4b:s5+s13], $0x600, $0x38;
	v8 =	vadd.s32 v1, v6;
	[tilespmem:$0x6800] =	vst v63  }
0x6b: {  	_ =	swait.ge [sflag:s8], $0x600;
	v6 =	vadd.s32 v5, v6  }
0x6c: {  	[sflag:s8] =	ssyncset.done $0x0  }
0x6d: {  	[sflag:s8] =	ssyncadd.s32 $0xFFFFFA00  }
0x6e: {  	v7 =	vld.idx.msk [tilespmem:v7+s10+$0x0], $0xffff  }
0x6f: {  	s31 =	simm.s32 $0x10;
	v8 =	vld.idx.msk [tilespmem:v8+s10+$0x0], $0xffff  }
0x70: {  	v9 =	vmov s31;
	v6 =	vld.idx.msk [tilespmem:v6+s10+$0x0], $0xffff  }
0x71: {  	v9 =	vmul.u32 $0x3, v9;
	_ =	sdelay $0x1  }
0x72: {  	v9 =	vbroadcast v9, $0x0;
	v7 =	vmul.f32 $9.900000090e-01, v7;
	_ =	sdelay $0x1  }
0x73: {  	v10 =	vadd.s32 v4, v9;
	v6 =	vmul.f32 $9.800999760e-01, v6;
	v7 =	vadd.f32 v7, v8  }
0x74: {  	v11 =	vadd.s32 v1, v9  }
0x75: {  	v9 =	vadd.s32 v5, v9;
	v6 =	vadd.f32 v6, v7  }
0x76: {  	s13 =	simm.s32 $0x6600  }
0x77: {  	[tilespmem:s13+$0x0] =	vst v6  }
0x78: {  	v8 =	vld.idx.msk [tilespmem:v10+s10+$0x0], $0xffff  }
0x79: {  	s14 =	simm.s32 $0x20;
	v6 =	vld.idx.msk [tilespmem:v11+s10+$0x0], $0xffff  }
0x7a: {  	v7 =	vld.idx.msk [tilespmem:v9+s10+$0x0], $0xffff;
	v9 =	vmov s14;
	s14 =	simm.s32 $0x30  }
.LBB2_10:
0x7b: {  	p0 =	sne.s32 s14, $0x1F0;
	v9 =	vmul.u32 $0x3, v9;
	_ =	sdelay $0x1  }
0x7c: {  	v8 =	vmul.f32 $9.900000090e-01, v8;
	v9 =	vbroadcast v9, $0x0;
	_ =	sdelay $0x1  }
0x7d: {  	v6 =	vadd.f32 v8, v6;
	v7 =	vmul.f32 $9.800999760e-01, v7;
	v10 =	vadd.s32 v4, v9  }
0x7e: {  	v11 =	vadd.s32 v1, v9  }
0x7f: {  	v9 =	vadd.s32 v5, v9;
	v6 =	vadd.f32 v7, v6  }
0x80: {  	s13 =	sadd.s32 $0x10, s13  }
.Ltmp8:
0x81: {  	[tilespmem:s13+$0x0] =	vst v6;
	(pc) =	sbr.rel @p0 .LBB2_10-.Ltmp8, $4  }
0x82: {  	v8 =	vld.idx.msk [tilespmem:v10+s10+$0x0], $0xffff  }
0x83: {  	v6 =	vld.idx.msk [tilespmem:v11+s10+$0x0], $0xffff  }
0x84: {  	v7 =	vld.idx.msk [tilespmem:v9+s10+$0x0], $0xffff  }
0x85: {  	v9 =	vmov s14;
	s14 =	sadd.s32 $0x10, s14  }
0x86: {  	v9 =	vmul.u32 $0x3, v9;
	_ =	sdelay $0x1  }
0x87: {  	v8 =	vmul.f32 $9.900000090e-01, v8;
	v9 =	vbroadcast v9, $0x0;
	_ =	sdelay $0x1  }
0x88: {  	v6 =	vadd.f32 v8, v6;
	v7 =	vmul.f32 $9.800999760e-01, v7;
	v10 =	vadd.s32 v4, v9  }
0x89: {  	v62 =	vadd.s32 v1, v9  }
0x8a: {  	v9 =	vadd.s32 v5, v9;
	v6 =	vadd.f32 v7, v6  }
0x8b: {  	s13 =	sadd.s32 $0x10, s13  }
0x8c: {  	[tilespmem:s13+$0x0] =	vst v6  }
0x8d: {  	v6 =	vld.idx.msk [tilespmem:v10+s10+$0x0], $0xffff  }
0x8e: {  	v7 =	vld.idx.msk [tilespmem:v62+s10+$0x0], $0xffff  }
0x8f: {  	v63 =	vld.idx.msk [tilespmem:v9+s10+$0x0], $0xffff;
	_ =	sdelay $0x2  }
0x90: {  	v6 =	vmul.f32 $9.900000090e-01, v6;
	_ =	sdelay $0x1  }
0x91: {  	v6 =	vadd.f32 v6, v7;
	v7 =	vmul.f32 $9.800999760e-01, v63;
	_ =	sdelay $0x1  }
0x92: {  	s12 =	sadd.s32 $0x1, s12;
	v6 =	vadd.f32 v7, v6  }
0x93: {  	p0 =	sne.s32 s12, s7;
	s13 =	sadd.s32 $0x10, s13  }
.Ltmp9:
0x94: {  	[tilespmem:s13+$0x0] =	vst v6;
	(pc) =	sbr.rel @p0 .LBB2_1-.Ltmp9, $4  }
0x95: {  	[hbm4b:s6+s3] =	stream.linear.scatter [tilespmem:s11], [sflag:$0x1], $0x200, $0x38;
	[tilespmem:$0x6800] =	vst v63  }
0x96: {  	_ =	swait.ge [sflag:s8], $0x200  }
0x97: {  	[sflag:s8] =	ssyncset.done $0x0  }
0x98: {  	[sflag:s8] =	ssyncadd.s32 $0xFFFFFE00  }
0x99: {  	_ =	sfence.sel $0x180000  }
0x9a: {  	[bflag:$0x0] =	sbarrier.arrive $0xFFFF  }
0x9b: {  	p0 =	sne.s32 s2, $0x0;
	_ =	strace $0x90000047  }
0x9c: {  	s0 =	sadd.s32 @!p0 $0x100000, s0;
	[bflag:$0x2] =	sbarrier.arrive $0xFFFF  }
0x9d: {  	[sflag:s0] =	ssyncadd.tile.s32 @!p0 $0x1;
	_ =	shalt  }
.Lfunc_end2:
_tile_overlayer_lowered:
.L_overlay_start_2:
0x9e: {  	(tag) =	ssettag $0x2  }
0x9f: {  	s0 =	rddreg [dreg:$0x0];
	s2 =	stileid.u32  }
0xa0: {  	s1 =	rddreg [dreg:$0x1];
	p0 =	sne.s32 s2, $0x0  }
0xa1: {  	s3 =	rddreg [dreg:$0x2];
	[bflag:$0x3] =	sbarrier.arrive $0xFFFF;
	s2 =	simm.s32 @!p0 $0x1C01  }
0xa2: {  	[timem:s3], [sflag:s2] =	dma.local @!p0 [hbm:s0], s1  }
0xa3: {  	s0 =	simm.s32 @!p0 $0x1  }
0xa4: {  	_ =	swait.ge @!p0 [sflag:s0], s1  }
0xa5: {  	s1 =	ssub.s32 @!p0 $0x0, s1;
	[sflag:s0] =	ssyncset.done @!p0 $0x0  }
0xa6: {  	[sflag:s0] =	ssyncadd.s32 @!p0 s1  }
0xa7: {  	[bflag:$0x3] =	sbarrier.arrive $0xFFFF  }
0xa8: {  	_ =	shalt  }

// kernel: kernel.7.cloned.1.call-start
scs
__scs_entry_jumppad:
0x0: {  	(pc) =	sbr.rel $0x88, $3  }
0x1: {  	(tag) =	ssettag $0x0;
	lr =	simm.s32 $0x1  }
0x2: {  	[smem:$0x3F9B] =	sst lr;
	_ =	strace $0xD0000000  }
0x3: {  	_ = 	snop  }
0x4: {  	_ = 	snop  }
0x5: {  	_ = 	snop  }
0x6: {  	_ = 	snop  }
0x7: {  	_ = 	snop  }
__scs_overlays_trampoline_lowered:
0x8: {  	[smem:$0x3FAA] =	sst s0  }
0x9: {  	[smem:$0x3FAB] =	sst s1  }
0xa: {  	[smem:$0x3FAC] =	sst s2  }
0xb: {  	[smem:$0x3FAD] =	sst s3  }
0xc: {  	[smem:$0x3FAE] =	sst s4  }
0xd: {  	[smem:$0x3FAF] =	sst s5  }
0xe: {  	[smem:$0x3FB0] =	sst s6  }
0xf: {  	[smem:$0x3FB1] =	sst s7  }
0x10: {  	[smem:$0x3FB2] =	sst s8  }
0x11: {  	[smem:$0x3FB3] =	sst s9;
	s0 =	simm.s32 @!p0 $0x0  }
0x12: {  	s1 =	sld [smem:$0x3F99];
	s0 =	simm.s32 @p0 $0x1  }
0x13: {  	[smem:$0x3FB4] =	sst s0;
	s0 =	simm.s32 @!p1 $0x0  }
0x14: {  	s2 =	sld [smem:$0x3F98];
	s0 =	simm.s32 @p1 $0x1  }
0x15: {  	[smem:$0x3FB5] =	sst s0;
	s0 =	simm.s32 @!p2 $0x0  }
0x16: {  	s3 =	sld [smem:$0x3FDB];
	s0 =	simm.s32 @p2 $0x1  }
0x17: {  	s4 =	simm.s32 $0x1BF5;
	[smem:$0x3FB7] =	sst s0  }
0x18: {  	s0 =	sld [smem:$0x3F9A];
	_ =	swait.ge [sflag:s4], $0x0  }
0x19: {  	s7 =	sld [smem:$0x3F9B]  }
0x1a: {  	s8 =	sadd.s32 $0xFFFFE003, lr  }
0x1b: {  	s9 =	sadd.s32 $0xFFFFFEF7, lr;
	s5 =	simm.s32 $0xFFFFFFFF;
	p2 =	slt.u32 s8, $0xFFFFF086  }
0x1c: {  	p1 =	slt.u32 s9, $0xF7A;
	s5 =	simm.s32 @!p2 $0x0  }
0x1d: {  	s5 =	simm.s32 @p1 $0x1;
	p0 =	seq.s32 s7, s2  }
0x1e: {  	s7 =	smul.u32 @!p0 $0xF7A, s2;
	p2 =	seq.s32 @!p0 s5, $0x0  }
0x1f: {  	s9 =	smul.u32 $0xF7A, s1;
	s8 =	simm.s32 @!p0 $0x1BF5;
	p2 =	por !p2, p0  }
0x20: {  	[sflag:s8] =	ssyncset.s32 @!p0 $0xFFFFF086;
	s6 =	sadd.s32 @!p0 s3, s7;
	s7 =	simm.s32 @!p0 $0x108  }
0x21: {  	s3 =	sadd.s32 s3, s9;
	s6 =	sadd.s32 @!p0 $0x88, s6;
	s7 =	simm.s32 @p2 $0x1082  }
0x22: {  	[simem:s7], [sflag:s8] =	dma.local @!p0 [hbm:s6], $0xF7A  }
0x23: {  	s9 =	sor.u32 $0xD0000000, s2;
	s6 =	simm.s32 $0x108;
	_ =	swait.ge @!p0 [sflag:s8], $0x0  }
0x24: {  	s3 =	sadd.s32 $0x88, s3;
	s6 =	simm.s32 @!p1 $0x1082;
	[sflag:s4] =	ssyncset.s32 $0xFFFFF086  }
0x25: {  	[simem:s6], [sflag:s4] =	dma.local [hbm:s3], $0xF7A  }
0x26: {  	[smem:$0x3F9B] =	sst s1;
	(tag) =	ssettag s2;
	_ =	strace s9  }
0x27: {  	s1 =	sld [smem:$0x3FAB]  }
0x28: {  	s2 =	sld [smem:$0x3FAC]  }
0x29: {  	s4 =	sld [smem:$0x3FAE]  }
0x2a: {  	p0 =	seq.s32 s5, $0x0;
	s5 =	sld [smem:$0x3FAF]  }
0x2b: {  	s6 =	sld [smem:$0x3FB0]  }
0x2c: {  	s7 =	sld [smem:$0x3FB1]  }
0x2d: {  	s3 =	simm.s32 $0x108;
	s8 =	sld [smem:$0x3FB2]  }
0x2e: {  	s3 =	simm.s32 @!p0 $0x1082;
	s9 =	sld [smem:$0x3FB3]  }
0x2f: {  	lr =	sadd.s32 s0, s3;
	s0 =	sld [smem:$0x3FAA]  }
0x30: {  	s3 =	sld [smem:$0x3FAD]  }
0x31: {  	[smem:$0x3FB6] =	sst s10  }
0x32: {  	s10 =	sld [smem:$0x3FB4];
	_ =	sdelay $0x3  }
0x33: {  	p0 =	seq.s32 s10, $0x1;
	s10 =	sld [smem:$0x3FB6];
	_ =	sdelay $0x3  }
0x34: {  	[smem:$0x3FB6] =	sst s10  }
0x35: {  	s10 =	sld [smem:$0x3FB5];
	_ =	sdelay $0x3  }
0x36: {  	p1 =	seq.s32 s10, $0x1;
	s10 =	sld [smem:$0x3FB6];
	_ =	sdelay $0x3  }
0x37: {  	[smem:$0x3FB6] =	sst s10  }
0x38: {  	s10 =	sld [smem:$0x3FB7]  }
0x39: {  	_ = 	snop;
	(pc) =	sbr.ind lr, $3  }
0x3a: {  	_ = 	snop  }
0x3b: {  	_ = 	snop  }
0x3c: {  	p2 =	seq.s32 s10, $0x1;
	s10 =	sld [smem:$0x3FB6]  }
0x3d: {  	_ =	shalt  }
0x3e: {  	_ =	shalt  }
0x3f: {  	_ =	shalt  }
0x40: {  	_ =	shalt  }
0x41: {  	_ =	shalt  }
0x42: {  	_ =	shalt  }
0x43: {  	_ =	shalt  }
0x44: {  	_ =	shalt  }
0x45: {  	_ =	shalt  }
0x46: {  	_ =	shalt  }
0x47: {  	_ =	shalt  }
0x48: {  	_ =	shalt  }
0x49: {  	_ =	shalt  }
0x4a: {  	_ =	shalt  }
0x4b: {  	_ =	shalt  }
0x4c: {  	_ =	shalt  }
0x4d: {  	_ =	shalt  }
0x4e: {  	_ =	shalt  }
0x4f: {  	_ =	shalt  }
0x50: {  	_ =	shalt  }
0x51: {  	_ =	shalt  }
0x52: {  	_ =	shalt  }
0x53: {  	_ =	shalt  }
0x54: {  	_ =	shalt  }
0x55: {  	_ =	shalt  }
0x56: {  	_ =	shalt  }
0x57: {  	_ =	shalt  }
0x58: {  	_ =	shalt  }
0x59: {  	_ =	shalt  }
0x5a: {  	_ =	shalt  }
0x5b: {  	_ =	shalt  }
0x5c: {  	_ =	shalt  }
0x5d: {  	_ =	shalt  }
0x5e: {  	_ =	shalt  }
0x5f: {  	_ =	shalt  }
0x60: {  	_ =	shalt  }
0x61: {  	_ =	shalt  }
0x62: {  	_ =	shalt  }
0x63: {  	_ =	shalt  }
0x64: {  	_ =	shalt  }
0x65: {  	_ =	shalt  }
0x66: {  	_ =	shalt  }
0x67: {  	_ =	shalt  }
0x68: {  	_ =	shalt  }
0x69: {  	_ =	shalt  }
0x6a: {  	_ =	shalt  }
0x6b: {  	_ =	shalt  }
0x6c: {  	_ =	shalt  }
0x6d: {  	_ =	shalt  }
0x6e: {  	_ =	shalt  }
0x6f: {  	_ =	shalt  }
0x70: {  	_ =	shalt  }
0x71: {  	_ =	shalt  }
0x72: {  	_ =	shalt  }
0x73: {  	_ =	shalt  }
0x74: {  	_ =	shalt  }
0x75: {  	_ =	shalt  }
0x76: {  	_ =	shalt  }
0x77: {  	_ =	shalt  }
0x78: {  	_ =	shalt  }
0x79: {  	_ =	shalt  }
0x7a: {  	_ =	shalt  }
0x7b: {  	_ =	shalt  }
0x7c: {  	_ =	shalt  }
0x7d: {  	_ =	shalt  }
0x7e: {  	_ =	shalt  }
0x7f: {  	_ =	shalt  }
0x80: {  	_ =	shalt  }
0x81: {  	_ =	shalt  }
0x82: {  	_ =	shalt  }
0x83: {  	_ =	shalt  }
0x84: {  	_ =	shalt  }
0x85: {  	_ =	shalt  }
0x86: {  	_ =	shalt  }
0x87: {  	_ =	shalt  }
.Lfunc_end0:
.L_simem_size_0:
called_computation.1_lowered:
.L_overlay_start_0:
0x88: {  	s2 =	sld [smem:$0x3FD9]  }
0x89: {  	s3 =	sld [smem:$0x3FFE];
	_ =	sdelay $0x1  }
0x8a: {  	s1 =	srdreg.scid  }
0x8b: {  	s0 =	sand.u32 $0x1, s1  }
0x8c: {  	s14 =	sshll.u32 s0, $0xA;
	s2 =	sadd.s32 s3, s2  }
0x8d: {  	s2 =	sadd.s32 s2, s14  }
0x8e: {  	[smem:$0x3FC2] =	sst s2  }
0x8f: {  	_ = 	snop  }
0x90: {  	s2 =	sld [smem:$0x3FC9]  }
0x91: {  	s15 =	sld [smem:$0x3FD0]  }
0x92: {  	s4 =	sld [smem:$0x3FC8]  }
0x93: {  	s5 =	sld [smem:$0x3FC7]  }
0x94: {  	s7 =	simm.s32 $0xA;
	s8 =	simm.s32 $0x10;
	s6 =	sld [smem:$0x3FC4]  }
0x95: {  	[smem:s8], [sflag:s7] =	dma.local [hbm:s15], $0x1  }
0x96: {  	_ =	swait.eq [sflag:s7], $0x1  }
0x97: {  	s16 =	sld [smem:$0x10]  }
0x98: {  	s17 =	sld [smem:$0x11]  }
0x99: {  	s9 =	sld [smem:$0x12];
	[sflag:s7] =	ssyncset.done $0x0  }
0x9a: {  	s10 =	sld [smem:$0x13];
	[sflag:s7] =	ssyncadd.s32 $0xFFFFFFFF  }
0x9b: {  	s18 =	sld [smem:$0x15];
	(tm) =	ssettm $0x1  }
0x9c: {  	s11 =	sld [smem:$0x3FFB];
	_ =	sdelay $0x3  }
0x9d: {  	_ =	strace s11  }
0x9e: {  	s11 =	sld [smem:$0x3FFC];
	_ =	sdelay $0x3  }
0x9f: {  	_ =	strace s11  }
0xa0: {  	s11 =	sld [smem:$0x3FFD];
	_ =	sdelay $0x3  }
0xa1: {  	_ =	strace s11  }
0xa2: {  	_ =	strace $0x8FFFFFFF  }
0xa3: {  	s19 =	sld [smem:$0x3FDB];
	_ =	sdelay $0x1  }
0xa4: {  	s12 =	simm.s32 $_scs_section_size  }
0xa5: {  	s13 =	simm.s32 $_size__tile_overlayer_lowered;
	s14 =	simm.s32 $_tile_overlayer_lowered  }
0xa6: {  	s22 =	simm.s32 $0x1BFF;
	s21 =	sshll.u32 s14, $0x1;
	s11 =	sadd.s32 s12, s19  }
0xa7: {  	s20 =	sshll.u32 s13, $0x1;
	s15 =	simm.s32 $0x0;
	s13 =	sadd.s32 s21, s11  }
0xa8: {  	[timem:s15], [sflag:s22] =	dma.local [hbm:s13], s20  }
0xa9: {  	_ =	swait.ge [sflag:s22], s20  }
0xaa: {  	s12 =	ssub.s32 $0x0, s20;
	[sflag:s22] =	ssyncset.done $0x0  }
0xab: {  	[sflag:s22] =	ssyncadd.s32 s12;
	_ =	sdelay $0x1  }
0xac: {  	s23 =	simm.s32 $0x1B8B  }
0xad: {  	_ =	swait.ge [sflag:s23], $0x1  }
0xae: {  	[sflag:s23] =	ssyncset.done $0x0  }
0xaf: {  	s25 =	simm.s32 $0x1B8E;
	s24 =	sld [smem:$0x3FFE];
	[sflag:s23] =	ssyncadd.s32 $0xFFFFFFFF  }
0xb0: {  	s26 =	simm.s32 $execute0_lowered;
	[smem:$0x3FD2] =	sst s25  }
0xb1: {  	s13 =	sshll.u32 s26, $0x1;
	_ =	strace $0x80000049;
	[dreg:$0x1] =	wrdreg $0xFFFFFFFF  }
0xb2: {  	s28 =	simm.s32 $_size_execute0_lowered;
	s11 =	sadd.s32 s11, s13;
	[dreg:$0x0] =	wrdreg $0x0  }
0xb3: {  	s13 =	sshll.u32 s28, $0x1;
	[dreg:$0x2] =	wrdreg s11  }
0xb4: {  	[dreg:$0x3] =	wrdreg s13  }
0xb5: {  	[dreg:$0x4] =	wrdreg $0xC0  }
0xb6: {  	_ =	task [dreg:s15], $0x5FFFF  }
0xb7: {  	[dreg:$0x1] =	wrdreg $0xFFFFFFFF  }
0xb8: {  	[dreg:$0x0] =	wrdreg $0x60  }
0xb9: {  	[dreg:$0x2] =	wrdreg s24  }
0xba: {  	[dreg:$0x3] =	wrdreg s6  }
0xbb: {  	[dreg:$0x4] =	wrdreg s2  }
0xbc: {  	[dreg:$0x5] =	wrdreg s5  }
0xbd: {  	[dreg:$0x6] =	wrdreg s4  }
0xbe: {  	[dreg:$0x7] =	wrdreg s18  }
0xbf: {  	[dreg:$0x8] =	wrdreg s16  }
0xc0: {  	[dreg:$0x9] =	wrdreg s17  }
0xc1: {  	[dreg:$0xa] =	wrdreg s9  }
0xc2: {  	[dreg:$0xb] =	wrdreg s10  }
0xc3: {  	[dreg:$0xc] =	wrdreg $0x9  }
0xc4: {  	_ =	task.clear_ibuf [dreg:s15], $0xDFFFF;
	_ =	strace $0x90000049  }
0xc5: {  	s29 =	simm.s32 $0x9;
	_ =	strace $0x8000004B  }
0xc6: {  	_ =	swait.ge [sflag:s29], $0x1  }
0xc7: {  	[sflag:s29] =	ssyncadd.s32 $0xFFFFFFFF  }
0xc8: {  	_ =	strace $0x9000004B  }
0xc9: {  	_ =	sfence  }
0xca: {  	s30 =	sld [smem:$0x0];
	_ =	sdelay $0x2  }
0xcb: {  	s31 =	sshll.u32 s1, $0xD;
	s1 =	sshrl.u32 s1, $0x2  }
0xcc: {  	s3 =	sand.u32 $0x4000, s31;
	s1 =	sadd.s32 s1, s30  }
0xcd: {  	s0 =	sor.u32 s3, s0;
	s1 =	sshll.u32 s1, $0x11  }
0xce: {  	s0 =	sor.u32 s1, s0  }
0xcf: {  	s0 =	sadd.s32 $0x8F2B, s0  }
0xd0: {  	[sflag:s0] =	ssyncadd.remote.s32 $0x1  }
0xd1: {  	_ =	sfence.sel $0xFFFF  }
0xd2: {  	[dreg:$0x0] =	wrdreg $0xFFFFFFFF;
	(pc) =	sbr.abs _section_cstart, $3  }
0xd3: {  	[dreg:$0x1] =	wrdreg $0xFFFFFFFF  }
0xd4: {  	_ =	task.clear_ibuf [dreg:s15], $0x2FFFF;
	_ =	strace $0x9FFFFFFF  }
0xd5: {  	(tm) =	ssettm $0x7FFFFFFF  }
tec
execute0_lowered:
.L_overlay_start_1:
0x0: {  	(tag) =	ssettag $0x1  }
0x1: {  	s2 =	rddreg [dreg:$0x0]  }
0x2: {  	s5 =	rddreg [dreg:$0x1]  }
0x3: {  	s0 =	rddreg [dreg:$0x2]  }
0x4: {  	s1 =	rddreg [dreg:$0x3]  }
0x5: {  	s3 =	rddreg [dreg:$0x4]  }
0x6: {  	s4 =	rddreg [dreg:$0x5]  }
0x7: {  	s9 =	rddreg [dreg:$0x6]  }
0x8: {  	s10 =	rddreg [dreg:$0x7]  }
0x9: {  	s13 =	rddreg [dreg:$0x8]  }
0xa: {  	s15 =	rddreg [dreg:$0x9];
	s6 =	simm.s32 $0x0;
	s7 =	srdreg.scid  }
0xb: {  	s8 =	stileid.u32;
	s17 =	simm.s32 $0x3;
	s18 =	simm.s32 $0x80  }
0xc: {  	s28 =	simm.s32 $0x800;
	s20 =	simm.s32 $0xA00;
	s24 =	simm.s32 $0xC00  }
0xd: {  	s30 =	simm.s32 $0xD80;
	s19 =	simm.s32 $0x9700;
	s21 =	simm.s32 $0x2  }
0xe: {  	s22 =	simm.s32 $0x0;
	[smem:$0x7FF] =	sst s6;
	s7 =	sand.u32 $0x1, s7  }
0xf: {  	s8 =	sshll.u32 s8, $0xA;
	s11 =	ssub.s32 $0x2, s7;
	s12 =	sshll.u32 s7, $0x9  }
0x10: {  	_ =	strace $0x8000004A;
	s25 =	sshrl.u32 s11, $0x1;
	s8 =	sor.u32 s12, s8  }
0x11: {  	s7 =	sadd.s32 $0x1000, s2;
	s2 =	ssub.s32 s11, s25;
	s16 =	sshrl.u32 s8, $0x3  }
0x12: {  	s26 =	sshll.u32 s8, $0x4;
	s25 =	simm.s32 $0x1;
	s5 =	sadd.s32 s5, s16  }
0x13: {  	s29 =	sadd.s32 s9, s26;
	s31 =	sor.u32 $0x1000, s26;
	s11 =	sadd.s32 s13, s26  }
0x14: {  	s14 =	sadd.s32 s10, s16;
	s15 =	sadd.s32 s15, s16;
	[dreg:$0xb] =	wrdreg s5  }
0x15: {  	s16 =	smax.u32 s2, $0x1;
	s2 =	simm.s32 $0x10;
	[dreg:$0xc] =	wrdreg s29  }
0x16: {  	v0 =	vimm.f32 $0.0e+00;
	v1 =	vlaneseq.u32;
	v2 =	vimm.s32 $0x0;
	s12 =	sadd.s32 s9, s31;
	s13 =	sadd.s32 s13, s31;
	s5 =	simm.s32 $0x580  }
.LBB2_1:
0x17: {  	s9 =	rddreg [dreg:$0xb]  }
0x18: {  	[tilespmem:s6], [sflag:$0x3] =	stream.linear.gather [hbm4b:s9+s6], $0x200, $0x38;
	[tilespmem:$0x11700] =	vst v63  }
0x19: {  	_ =	swait.ge [sflag:s17], $0x200  }
0x1a: {  	[sflag:s17] =	ssyncset.done $0x0  }
0x1b: {  	s23 =	simm.s32 $0x0;
	s9 =	simm.s32 $0x200;
	[sflag:s17] =	ssyncadd.s32 $0xFFFFFE00  }
.LBB2_2:
0x1c: {  	p0 =	sne.s32 s9, $0x1FE00;
	[tilespmem:s23+$0x9770] =	vst v0  }
0x1d: {  	[tilespmem:s23+$0x9700] =	vst v0  }
0x1e: {  	[tilespmem:s23+$0x9710] =	vst v0  }
.Ltmp0:
0x1f: {  	[tilespmem:s23+$0x9720] =	vst v0;
	(pc) =	sbr.rel @p0 .LBB2_2-.Ltmp0, $4  }
0x20: {  	[tilespmem:s23+$0x9730] =	vst v0  }
0x21: {  	[tilespmem:s23+$0x9740] =	vst v0  }
0x22: {  	[tilespmem:s23+$0x9750] =	vst v0  }
0x23: {  	[tilespmem:s23+$0x9760] =	vst v0;
	s23 =	sshra.s32 s9, $0x2;
	s9 =	sadd.s32 $0x200, s9  }
0x24: {  	[tilespmem:s23+$0x9770] =	vst v0  }
0x25: {  	[tilespmem:s23+$0x9700] =	vst v0  }
0x26: {  	[tilespmem:s23+$0x9710] =	vst v0  }
0x27: {  	[tilespmem:s23+$0x9720] =	vst v0  }
0x28: {  	[tilespmem:s23+$0x9730] =	vst v0  }
0x29: {  	[tilespmem:s23+$0x9740] =	vst v0  }
0x2a: {  	[tilespmem:s23+$0x9750] =	vst v0  }
0x2b: {  	[tilespmem:s23+$0x9760] =	vst v0;
	s9 =	simm.s32 $0x0;
	s10 =	simm.s32 $0x200  }
0x2c: {  	[tilespmem:s10], [sflag:$0x1] =	stream.indirect.gather [hbm4b:s7+s18], $0x1, s9, s18, $0xb8;
	[tilespmem:$0x11700] =	vst v63  }
0x2d: {  	s10 =	simm.s32 $0x280  }
0x2e: {  	[tilespmem:s10], [sflag:$0x1] =	stream.indirect.gather [hbm4b:s7+s18], $0x1, s18, s18, $0xb8;
	[tilespmem:$0x11700] =	vst v63  }
0x2f: {  	s23 =	simm.s32 $0x100;
	s26 =	simm.s32 $0x300  }
0x30: {  	[tilespmem:s26], [sflag:$0x1] =	stream.indirect.gather [hbm4b:s7+s18], $0x1, s23, s18, $0xb8;
	[tilespmem:$0x11700] =	vst v63  }
0x31: {  	s29 =	simm.s32 $0x180;
	s31 =	simm.s32 $0x380  }
0x32: {  	[tilespmem:s31], [sflag:$0x1] =	stream.indirect.gather [hbm4b:s7+s18], $0x1, s29, s18, $0xb8;
	[tilespmem:$0x11700] =	vst v63  }
0x33: {  	_ =	swait.ge [sflag:s25], $0x80  }
0x34: {  	[sflag:s25] =	ssyncset.done $0x0  }
0x35: {  	[sflag:s25] =	ssyncadd.s32 $0xFFFFFF80  }
0x36: {  	_ =	swait.ge [sflag:s25], $0x80  }
0x37: {  	[sflag:s25] =	ssyncset.done $0x0  }
0x38: {  	[sflag:s25] =	ssyncadd.s32 $0xFFFFFF80  }
0x39: {  	_ =	swait.ge [sflag:s25], $0x80  }
0x3a: {  	[sflag:s25] =	ssyncset.done $0x0  }
0x3b: {  	[sflag:s25] =	ssyncadd.s32 $0xFFFFFF80  }
0x3c: {  	_ =	swait.ge [sflag:s25], $0x80  }
0x3d: {  	[sflag:s25] =	ssyncset.done $0x0  }
0x3e: {  	s23 =	simm.s32 $0x0;
	[sflag:s25] =	ssyncadd.s32 $0xFFFFFF80  }
0x3f: {  	v3 =	vld [tilespmem:s23+$0x200];
	_ =	sdelay $0x3  }
0x40: {  	s9 =	smov.u32 s8;
	s26 =	simm.s32 $0x40  }
.LBB2_4:
0x41: {  	s10 =	sshra.s32 s26, $0x2;
	p0 =	sne.s32 s26, $0x7C0;
	s26 =	sadd.s32 $0x40, s26;
	vm0 =	vgt.s32 v3, $0xFFFFFFFF;
	v4 =	vor.u32 s9, v1  }
.Ltmp1:
0x42: {  	v4 =	vsel vm0, v3, v4;
	v3 =	vld [tilespmem:s10+$0x200];
	v5 =	vsel vm0, $0x3F800000, v0;
	(pc) =	sbr.rel @p0 .LBB2_4-.Ltmp1, $3  }
0x43: {  	[tilespmem:s23+$0x600] =	vst v5  }
0x44: {  	[tilespmem:s23+$0x400] =	vst v4;
	s23 =	smov.u32 s10;
	_ =	sdelay $0x1  }
0x45: {  	s9 =	sadd.s32 $0x10, s9  }
0x46: {  	vm0 =	vgt.s32 v3, $0xFFFFFFFF  }
0x47: {  	v4 =	vor.u32 s9, v1;
	v5 =	vsel vm0, $0x3F800000, v0  }
0x48: {  	v3 =	vsel vm0, v3, v4;
	[tilespmem:s23+$0x600] =	vst v5  }
0x49: {  	s9 =	simm.s32 $0x400;
	[tilespmem:s23+$0x400] =	vst v3  }
0x4a: {  	[tilespmem:s28], [sflag:$0x2] =	stream.indirect.gather [hbm4b:s3+s18], $0x1, s9, s18, $0xb8;
	[tilespmem:$0x11700] =	vst v63  }
0x4b: {  	s10 =	simm.s32 $0x480;
	s29 =	simm.s32 $0x880  }
0x4c: {  	[tilespmem:s29], [sflag:$0x2] =	stream.indirect.gather [hbm4b:s3+s18], $0x1, s10, s18, $0xb8;
	[tilespmem:$0x11700] =	vst v63  }
0x4d: {  	s26 =	simm.s32 $0x900;
	s23 =	simm.s32 $0x500  }
0x4e: {  	[tilespmem:s26], [sflag:$0x2] =	stream.indirect.gather [hbm4b:s3+s18], $0x1, s23, s18, $0xb8;
	[tilespmem:$0x11700] =	vst v63  }
0x4f: {  	s31 =	simm.s32 $0x980  }
0x50: {  	[tilespmem:s31], [sflag:$0x2] =	stream.indirect.gather [hbm4b:s3+s18], $0x1, s5, s18, $0xb8;
	[tilespmem:$0x11700] =	vst v63  }
0x51: {  	_ = 	snop  }
0x52: {  	[tilespmem:s20], [sflag:$0x2] =	stream.indirect.gather [hbm4b:s4+s18], $0x1, s9, s18, $0xb8;
	[tilespmem:$0x11700] =	vst v63  }
0x53: {  	s28 =	simm.s32 $0xA80  }
0x54: {  	[tilespmem:s28], [sflag:$0x2] =	stream.indirect.gather [hbm4b:s4+s18], $0x1, s10, s18, $0xb8;
	[tilespmem:$0x11700] =	vst v63  }
0x55: {  	s29 =	simm.s32 $0xB00;
	s31 =	simm.s32 $0xB80  }
0x56: {  	[tilespmem:s29], [sflag:$0x2] =	stream.indirect.gather [hbm4b:s4+s18], $0x1, s23, s18, $0xb8;
	[tilespmem:$0x11700] =	vst v63  }
0x57: {  	s9 =	smov.u32 s8;
	s10 =	simm.s32 $0x0;
	s23 =	simm.s32 $0x0  }
0x58: {  	[tilespmem:s31], [sflag:$0x2] =	stream.indirect.gather [hbm4b:s4+s18], $0x1, s5, s18, $0xb8;
	[tilespmem:$0x11700] =	vst v63  }
.LBB2_6:
0x59: {  	p0 =	sne.s32 s10, $0x400  }
.Ltmp2:
0x5a: {  	_ = 	snop;
	(pc) =	sbr.rel @p0 .LBB2_6-.Ltmp2, $3  }
0x5b: {  	_ =	sdelay $0x1  }
0x5c: {  	v3 =	vor.u32 s9, v1;
	s26 =	sshra.s32 s10, $0x2  }
0x5d: {  	s9 =	sadd.s32 $0x10, s9;
	s10 =	sadd.s32 $0x40, s10;
	[tilespmem:s26+$0xC00] =	vst v3  }
0x5e: {  	s9 =	simm.s32 $0x200  }
0x5f: {  	v3 =	vld [tilespmem:s9+$0x0];
	_ =	sdelay $0x4  }
0x60: {  	vm0 =	vgt.s32 v3, $0xFFFFFFFF  }
0x61: {  	v4 =	vsel vm0, $0x1, v2  }
0x62: {  	(xrf0) =	vadd.scan.msk.s32 $0xffff, v4;
	_ =	sdelay $0x2  }
0x63: {  	v4 =	vmov s23  }
0x64: {  	v4 =	vadd.s32 $0xFFFFFFFF, v4  }
0x65: {  	v4 =	vbroadcast v4, $0x0  }
0x66: {  	v5, _, _ =	vpop (xrf0)  }
0x67: {  	v4 =	vadd.s32 v5, v4;
	(v2sf) =	vpush v5, $0xF  }
0x68: {  	v4 =	vnsel vm0, $0x0, v4;
	_ =	sdelay $0x2  }
0x69: {  	vm1 =	vgt.s32 v3, $0x0  }
0x6a: {  	v3 =	vnsel vm1, $0x0, v3  }
0x6b: {  	[tilespmem:v4+s24+$0x0] =	vst.idx.msk vm0, v3;
	v3 =	vor.u32 s23, v1  }
0x6c: {  	s26 =	simm.s32 $0x210;
	[tilespmem:v4+s30+$0x0] =	vst.idx.msk vm0, v3  }
0x6d: {  	v3 =	vld [tilespmem:s26+$0x0];
	_ =	sdelay $0x4  }
0x6e: {  	vm0 =	vgt.s32 v3, $0xFFFFFFFF  }
0x6f: {  	vm1 =	vgt.s32 v3, $0x0;
	v4 =	vsel vm0, $0x1, v2  }
0x70: {  	s28 =	simm.s32 $0x10;
	s29 =	simm.s32 $0x20;
	v3 =	vnsel vm1, $0x0, v3;
	(xrf0) =	vadd.scan.msk.s32 $0xffff, v4;
	s9 =	spop (v2sf)  }
.LBB2_8:
0x71: {  	p0 =	sne.s32 s29, $0xF0  }
0x72: {  	s23 =	sadd.s32 s23, s9;
	s9 =	smov.u32 s29;
	s29 =	sadd.s32 $0x10, s29  }
0x73: {  	v4 =	vmov s23  }
0x74: {  	v4 =	vadd.s32 $0xFFFFFFFF, v4;
	_ =	sdelay $0x1  }
0x75: {  	v4 =	vbroadcast v4, $0x0  }
0x76: {  	v5, _, _ =	vpop (xrf0)  }
0x77: {  	v4 =	vadd.s32 v5, v4;
	(v2sf) =	vpush v5, $0xF  }
0x78: {  	v4 =	vnsel vm0, $0x0, v4;
	_ =	sdelay $0x4  }
0x79: {  	[tilespmem:v4+s24+$0x0] =	vst.idx.msk vm0, v3;
	v3 =	vor.u32 s28, v1;
	s28 =	smov.u32 s9  }
0x7a: {  	s26 =	sadd.s32 $0x10, s26;
	[tilespmem:v4+s30+$0x0] =	vst.idx.msk vm0, v3  }
0x7b: {  	v3 =	vld [tilespmem:s26+$0x0];
	_ =	sdelay $0x2  }
.Ltmp3:
0x7c: {  	(pc) =	sbr.rel @p0 .LBB2_8-.Ltmp3, $4  }
0x7d: {  	_ = 	snop  }
0x7e: {  	vm0 =	vgt.s32 v3, $0xFFFFFFFF;
	vm1 =	vgt.s32 v3, $0x0  }
0x7f: {  	v4 =	vsel vm0, $0x1, v2;
	v3 =	vnsel vm1, $0x0, v3  }
0x80: {  	(xrf0) =	vadd.scan.msk.s32 $0xffff, v4;
	s9 =	spop (v2sf)  }
0x81: {  	_ =	sdelay $0x4  }
0x82: {  	v4, _, _ =	vpop (xrf0)  }
0x83: {  	(v2sf) =	vpush v4, $0xF;
	_ =	sdelay $0xe  }
0x84: {  	s23 =	sadd.s32 s23, s9;
	s29 =	spop (v2sf)  }
0x85: {  	s31 =	sadd.s32 s23, s29  }
0x86: {  	s9 =	sadd.s32 $0xF, s31  }
0x87: {  	v5 =	vmov s23;
	s10 =	sand.u32 $0xF, s9  }
0x88: {  	v5 =	vadd.s32 $0xFFFFFFFF, v5;
	s26 =	sshra.s32 s9, $0x1F;
	p1 =	slt.s32 s9, $0x1;
	p0 =	sne.s32 s10, $0x0  }
0x89: {  	v5 =	vbroadcast v5, $0x0;
	s10 =	sshrl.u32 s26, $0x1C;
	p0 =	por !p1, !p0  }
0x8a: {  	s9 =	sadd.s32 s10, s9;
	s10 =	simm.s32 $0x1;
	p0 =	por !p0, !p0  }
0x8b: {  	v4 =	vadd.s32 v4, v5;
	s9 =	sshra.s32 s9, $0x4;
	s10 =	simm.s32 @!p0 $0x0  }
0x8c: {  	v4 =	vnsel vm0, $0x0, v4;
	s26 =	ssub.s32 s9, s10  }
0x8d: {  	p0 =	sgt.s32 s26, $0x0  }
.Ltmp4:
0x8e: {  	_ = 	snop;
	(pc) =	sbr.rel @!p0 .LBB2_13-.Ltmp4, $3  }
0x8f: {  	_ =	sdelay $0x1  }
0x90: {  	[tilespmem:v4+s24+$0x0] =	vst.idx.msk vm0, v3;
	v3 =	vor.u32 s28, v1  }
0x91: {  	[tilespmem:v4+s30+$0x0] =	vst.idx.msk vm0, v3  }
0x92: {  	p1 =	seq.s32 s26, $0x1  }
.Ltmp5:
0x93: {  	_ = 	snop;
	(pc) =	sbr.rel @p1 .LBB2_12-.Ltmp5, $4  }
0x94: {  	s28 =	simm.s32 $0xC00;
	s9 =	simm.s32 $0xF00  }
0x95: {  	[tilespmem:s9], [sflag:$0x3] =	stream.indirect.gather [hbm4b:s0+s2], $0x80, s28, s2, $0xb8;
	[tilespmem:$0x11700] =	vst v63  }
0x96: {  	_ =	swait.ge [sflag:s17], $0x800  }
0x97: {  	s10 =	sadd.s32 $0xFFFFFFFF, s26;
	[sflag:s17] =	ssyncset.done $0x0  }
.LBB2_11:
0x98: {  	[sflag:s17] =	ssyncadd.s32 $0xFFFFF800  }
0x99: {  	s28 =	sadd.s32 $0x10, s28;
	s9 =	sadd.s32 $0x800, s9;
	p1 =	seq.s32 s10, $0x1  }
.Ltmp6:
0x9a: {  	s10 =	sadd.s32 $0xFFFFFFFF, s10;
	(pc) =	sbr.rel @!p1 .LBB2_11-.Ltmp6, $4  }
0x9b: {  	_ = 	snop  }
0x9c: {  	[tilespmem:s9], [sflag:$0x3] =	stream.indirect.gather [hbm4b:s0+s2], $0x80, s28, s2, $0xb8;
	[tilespmem:$0x11700] =	vst v63  }
0x9d: {  	_ =	swait.ge [sflag:s17], $0x800  }
0x9e: {  	[sflag:s17] =	ssyncset.done $0x0  }
.LBB2_12:
0x9f: {  	[sflag:s17] =	ssyncadd.s32 $0xFFFFF800  }
.LBB2_13:
0xa0: {  	p1 =	slt.s32 s31, $0x1  }
.Ltmp7:
0xa1: {  	_ = 	snop;
	(pc) =	sbr.rel @p1 .LBB2_19-.Ltmp7, $2  }
0xa2: {  	_ =	sdelay $0x2  }
0xa3: {  	s23 =	sadd.s32 s23, s29  }
0xa4: {  	s9 =	simm.s32 $0x0  }
0xa5: {  	v3 =	vmov s9;
	_ =	sdelay $0x4  }
0xa6: {  	v3 =	vld.idx.msk [tilespmem:v3+s30+$0x0], $0xffff;
	_ =	sdelay $0x4  }
0xa7: {  	(v2sf) =	vpush v3, $0x0;
	_ =	sdelay $0xb  }
0xa8: {  	s28 =	simm.s32 $0xF40  }
0xa9: {  	v3 =	vld [tilespmem:s28+$0xFFFFFFC0];
	_ =	sdelay $0x1  }
0xaa: {  	s10 =	spop (v2sf)  }
0xab: {  	s9 =	sshll.u32 s10, $0x9  }
0xac: {  	s31 =	sshra.s32 s9, $0x2  }
0xad: {  	[tilespmem:s31+$0x9700] =	vst v3  }
0xae: {  	v3 =	vld [tilespmem:s28+$0xFFFFFFD0];
	_ =	sdelay $0x4  }
0xaf: {  	[tilespmem:s31+$0x9710] =	vst v3  }
0xb0: {  	v3 =	vld [tilespmem:s28+$0xFFFFFFE0];
	_ =	sdelay $0x4  }
0xb1: {  	[tilespmem:s31+$0x9720] =	vst v3  }
0xb2: {  	v3 =	vld [tilespmem:s28+$0xFFFFFFF0];
	_ =	sdelay $0x4  }
0xb3: {  	[tilespmem:s31+$0x9730] =	vst v3  }
0xb4: {  	v3 =	vld [tilespmem:s28+$0x0];
	_ =	sdelay $0x4  }
0xb5: {  	[tilespmem:s31+$0x9740] =	vst v3  }
0xb6: {  	v3 =	vld [tilespmem:s28+$0x10];
	_ =	sdelay $0x4  }
0xb7: {  	[tilespmem:s31+$0x9750] =	vst v3  }
0xb8: {  	v3 =	vld [tilespmem:s28+$0x20]  }
0xb9: {  	p2 =	sne.s32 s23, $0x1  }
.Ltmp8:
0xba: {  	_ = 	snop;
	(pc) =	sbr.rel @!p2 .LBB2_16-.Ltmp8, $3  }
0xbb: {  	_ =	sdelay $0x1  }
0xbc: {  	[tilespmem:s31+$0x9760] =	vst v3  }
0xbd: {  	s29 =	simm.s32 $0x1;
	v3 =	vld [tilespmem:s28+$0x30]  }
.LBB2_15:
0xbe: {  	v4 =	vmov s29;
	s29 =	sadd.s32 $0x1, s29  }
0xbf: {  	p2 =	sne.s32 s23, s29;
	_ =	sdelay $0x2  }
0xc0: {  	[tilespmem:s31+$0x9770] =	vst v3  }
0xc1: {  	v3 =	vld.idx.msk [tilespmem:v4+s30+$0x0], $0xffff;
	_ =	sdelay $0x5  }
0xc2: {  	(v2sf) =	vpush v3, $0x0;
	_ =	sdelay $0xb  }
0xc3: {  	s28 =	sadd.s32 $0x80, s28  }
0xc4: {  	v3 =	vld [tilespmem:s28+$0xFFFFFFC0];
	_ =	sdelay $0x1  }
0xc5: {  	s9 =	spop (v2sf)  }
0xc6: {  	s9 =	sshll.u32 s9, $0x9  }
0xc7: {  	s31 =	sshra.s32 s9, $0x2  }
0xc8: {  	[tilespmem:s31+$0x9700] =	vst v3  }
0xc9: {  	v3 =	vld [tilespmem:s28+$0xFFFFFFD0];
	_ =	sdelay $0x4  }
0xca: {  	[tilespmem:s31+$0x9710] =	vst v3  }
0xcb: {  	v3 =	vld [tilespmem:s28+$0xFFFFFFE0];
	_ =	sdelay $0x4  }
0xcc: {  	[tilespmem:s31+$0x9720] =	vst v3  }
0xcd: {  	v3 =	vld [tilespmem:s28+$0xFFFFFFF0];
	_ =	sdelay $0x4  }
0xce: {  	[tilespmem:s31+$0x9730] =	vst v3  }
0xcf: {  	v3 =	vld [tilespmem:s28+$0x0];
	_ =	sdelay $0x4  }
0xd0: {  	[tilespmem:s31+$0x9740] =	vst v3  }
0xd1: {  	v3 =	vld [tilespmem:s28+$0x10];
	_ =	sdelay $0x4  }
0xd2: {  	[tilespmem:s31+$0x9750] =	vst v3  }
0xd3: {  	v3 =	vld [tilespmem:s28+$0x20];
	_ =	sdelay $0x1  }
.Ltmp9:
0xd4: {  	(pc) =	sbr.rel @p2 .LBB2_15-.Ltmp9, $3  }
0xd5: {  	_ =	sdelay $0x1  }
0xd6: {  	[tilespmem:s31+$0x9760] =	vst v3  }
0xd7: {  	v3 =	vld [tilespmem:s28+$0x30]  }
.LBB2_16:
0xd8: {  	_ =	sdelay $0x2  }
0xd9: {  	s9 =	simm.s32 $0x0  }
0xda: {  	s10 =	rddreg [dreg:$0xc];
	[tilespmem:s31+$0x9770] =	vst v3;
	v3 =	vmov s9  }
0xdb: {  	[hbm4b:s10+s9] =	stream.linear.scatter [tilespmem:s19], [sflag:$0x3], $0x8000, $0x38;
	[tilespmem:$0x11700] =	vst v63  }
0xdc: {  	_ =	swait.ge [sflag:s17], $0x8000  }
0xdd: {  	[sflag:s17] =	ssyncset.done $0x0  }
0xde: {  	[sflag:s17] =	ssyncadd.s32 $0xFFFF8000  }
0xdf: {  	v3 =	vld.idx.msk [tilespmem:v3+s30+$0x0], $0xffff;
	_ =	sdelay $0x4  }
0xe0: {  	(v2sf) =	vpush v3, $0x0;
	_ =	sdelay $0xe  }
0xe1: {  	p2 =	seq.s32 s23, $0x1;
	s31 =	spop (v2sf)  }
.Ltmp10:
0xe2: {  	s9 =	sshll.u32 s31, $0x9;
	(pc) =	sbr.rel @p2 .LBB2_18-.Ltmp10, $4  }
0xe3: {  	s29 =	sshra.s32 s9, $0x2  }
0xe4: {  	[tilespmem:s29+$0x9700] =	vst v0  }
0xe5: {  	[tilespmem:s29+$0x9710] =	vst v0  }
0xe6: {  	s28 =	simm.s32 $0x1;
	[tilespmem:s29+$0x9720] =	vst v0  }
.LBB2_17:
0xe7: {  	v3 =	vmov s28;
	s28 =	sadd.s32 $0x1, s28;
	[tilespmem:s29+$0x9730] =	vst v0  }
0xe8: {  	p2 =	seq.s32 s23, s28;
	[tilespmem:s29+$0x9740] =	vst v0  }
0xe9: {  	[tilespmem:s29+$0x9750] =	vst v0  }
0xea: {  	[tilespmem:s29+$0x9760] =	vst v0  }
0xeb: {  	[tilespmem:s29+$0x9770] =	vst v0  }
0xec: {  	v3 =	vld.idx.msk [tilespmem:v3+s30+$0x0], $0xffff;
	_ =	sdelay $0x5  }
0xed: {  	(v2sf) =	vpush v3, $0x0;
	_ =	sdelay $0xe  }
0xee: {  	s9 =	spop (v2sf)  }
.Ltmp11:
0xef: {  	s9 =	sshll.u32 s9, $0x9;
	(pc) =	sbr.rel @!p2 .LBB2_17-.Ltmp11, $4  }
0xf0: {  	s29 =	sshra.s32 s9, $0x2  }
0xf1: {  	[tilespmem:s29+$0x9700] =	vst v0  }
0xf2: {  	[tilespmem:s29+$0x9710] =	vst v0  }
0xf3: {  	[tilespmem:s29+$0x9720] =	vst v0  }
.LBB2_18:
.Ltmp12:
0xf4: {  	[tilespmem:s29+$0x9730] =	vst v0;
	(pc) =	sbr.rel .LBB2_20-.Ltmp12, $4  }
0xf5: {  	[tilespmem:s29+$0x9740] =	vst v0  }
0xf6: {  	[tilespmem:s29+$0x9750] =	vst v0  }
0xf7: {  	[tilespmem:s29+$0x9760] =	vst v0  }
0xf8: {  	[tilespmem:s29+$0x9770] =	vst v0  }
.LBB2_19:
0xf9: {  	s9 =	rddreg [dreg:$0xc]  }
0xfa: {  	[hbm4b:s9+s6] =	stream.linear.scatter [tilespmem:s19], [sflag:$0x3], $0x8000, $0x38;
	[tilespmem:$0x11700] =	vst v63  }
0xfb: {  	_ =	swait.ge [sflag:s17], $0x8000  }
0xfc: {  	[sflag:s17] =	ssyncset.done $0x0  }
0xfd: {  	[sflag:s17] =	ssyncadd.s32 $0xFFFF8000  }
.LBB2_20:
.Ltmp13:
0xfe: {  	(pc) =	sbr.rel @!p0 .LBB2_24-.Ltmp13, $1  }
0xff: {  	_ =	sdelay $0x3  }
0x100: {  	p0 =	seq.s32 s26, $0x1  }
.Ltmp14:
0x101: {  	_ = 	snop;
	(pc) =	sbr.rel @p0 .LBB2_23-.Ltmp14, $4  }
0x102: {  	s28 =	simm.s32 $0xC00;
	s9 =	simm.s32 $0xF00  }
0x103: {  	[tilespmem:s9], [sflag:$0x3] =	stream.indirect.gather [hbm4b:s1+s2], $0x80, s28, s2, $0xb8;
	[tilespmem:$0x11700] =	vst v63  }
0x104: {  	_ =	swait.ge [sflag:s17], $0x800  }
0x105: {  	s10 =	sadd.s32 $0xFFFFFFFF, s26;
	[sflag:s17] =	ssyncset.done $0x0  }
.LBB2_22:
0x106: {  	[sflag:s17] =	ssyncadd.s32 $0xFFFFF800  }
0x107: {  	s28 =	sadd.s32 $0x10, s28;
	s9 =	sadd.s32 $0x800, s9;
	p0 =	seq.s32 s10, $0x1  }
.Ltmp15:
0x108: {  	s10 =	sadd.s32 $0xFFFFFFFF, s10;
	(pc) =	sbr.rel @!p0 .LBB2_22-.Ltmp15, $4  }
0x109: {  	_ = 	snop  }
0x10a: {  	[tilespmem:s9], [sflag:$0x3] =	stream.indirect.gather [hbm4b:s1+s2], $0x80, s28, s2, $0xb8;
	[tilespmem:$0x11700] =	vst v63  }
0x10b: {  	_ =	swait.ge [sflag:s17], $0x800  }
0x10c: {  	[sflag:s17] =	ssyncset.done $0x0  }
.LBB2_23:
0x10d: {  	[sflag:s17] =	ssyncadd.s32 $0xFFFFF800  }
.LBB2_24:
.Ltmp16:
0x10e: {  	(pc) =	sbr.rel @p1 .LBB2_60-.Ltmp16, $1  }
0x10f: {  	_ =	sdelay $0x3  }
0x110: {  	s9 =	simm.s32 $0x0  }
0x111: {  	v3 =	vmov s9;
	_ =	sdelay $0x4  }
0x112: {  	v3 =	vld.idx.msk [tilespmem:v3+s30+$0x0], $0xffff;
	_ =	sdelay $0x4  }
0x113: {  	(v2sf) =	vpush v3, $0x0;
	_ =	sdelay $0xb  }
0x114: {  	s26 =	simm.s32 $0xF40  }
0x115: {  	v3 =	vld [tilespmem:s26+$0xFFFFFFC0];
	_ =	sdelay $0x1  }
0x116: {  	s31 =	spop (v2sf)  }
0x117: {  	s9 =	sshll.u32 s31, $0x9  }
0x118: {  	s29 =	sshra.s32 s9, $0x2  }
0x119: {  	[tilespmem:s29+$0x9700] =	vst v3  }
0x11a: {  	v3 =	vld [tilespmem:s26+$0xFFFFFFD0];
	_ =	sdelay $0x4  }
0x11b: {  	[tilespmem:s29+$0x9710] =	vst v3  }
0x11c: {  	v3 =	vld [tilespmem:s26+$0xFFFFFFE0];
	_ =	sdelay $0x4  }
0x11d: {  	[tilespmem:s29+$0x9720] =	vst v3  }
0x11e: {  	v3 =	vld [tilespmem:s26+$0xFFFFFFF0];
	_ =	sdelay $0x4  }
0x11f: {  	[tilespmem:s29+$0x9730] =	vst v3  }
0x120: {  	v3 =	vld [tilespmem:s26+$0x0];
	_ =	sdelay $0x4  }
0x121: {  	[tilespmem:s29+$0x9740] =	vst v3  }
0x122: {  	v3 =	vld [tilespmem:s26+$0x10];
	_ =	sdelay $0x4  }
0x123: {  	[tilespmem:s29+$0x9750] =	vst v3  }
0x124: {  	v3 =	vld [tilespmem:s26+$0x20]  }
0x125: {  	p0 =	sne.s32 s23, $0x1  }
.Ltmp17:
0x126: {  	_ = 	snop;
	(pc) =	sbr.rel @!p0 .LBB2_27-.Ltmp17, $3  }
0x127: {  	_ =	sdelay $0x1  }
0x128: {  	[tilespmem:s29+$0x9760] =	vst v3  }
0x129: {  	s28 =	simm.s32 $0x1;
	v3 =	vld [tilespmem:s26+$0x30]  }
.LBB2_26:
0x12a: {  	v4 =	vmov s28;
	s28 =	sadd.s32 $0x1, s28  }
0x12b: {  	p0 =	sne.s32 s23, s28;
	_ =	sdelay $0x2  }
0x12c: {  	[tilespmem:s29+$0x9770] =	vst v3  }
0x12d: {  	v3 =	vld.idx.msk [tilespmem:v4+s30+$0x0], $0xffff;
	_ =	sdelay $0x5  }
0x12e: {  	(v2sf) =	vpush v3, $0x0;
	_ =	sdelay $0xb  }
0x12f: {  	s26 =	sadd.s32 $0x80, s26  }
0x130: {  	v3 =	vld [tilespmem:s26+$0xFFFFFFC0];
	_ =	sdelay $0x1  }
0x131: {  	s9 =	spop (v2sf)  }
0x132: {  	s9 =	sshll.u32 s9, $0x9  }
0x133: {  	s29 =	sshra.s32 s9, $0x2  }
0x134: {  	[tilespmem:s29+$0x9700] =	vst v3  }
0x135: {  	v3 =	vld [tilespmem:s26+$0xFFFFFFD0];
	_ =	sdelay $0x4  }
0x136: {  	[tilespmem:s29+$0x9710] =	vst v3  }
0x137: {  	v3 =	vld [tilespmem:s26+$0xFFFFFFE0];
	_ =	sdelay $0x4  }
0x138: {  	[tilespmem:s29+$0x9720] =	vst v3  }
0x139: {  	v3 =	vld [tilespmem:s26+$0xFFFFFFF0];
	_ =	sdelay $0x4  }
0x13a: {  	[tilespmem:s29+$0x9730] =	vst v3  }
0x13b: {  	v3 =	vld [tilespmem:s26+$0x0];
	_ =	sdelay $0x4  }
0x13c: {  	[tilespmem:s29+$0x9740] =	vst v3  }
0x13d: {  	v3 =	vld [tilespmem:s26+$0x10];
	_ =	sdelay $0x4  }
0x13e: {  	[tilespmem:s29+$0x9750] =	vst v3  }
0x13f: {  	v3 =	vld [tilespmem:s26+$0x20];
	_ =	sdelay $0x1  }
.Ltmp18:
0x140: {  	(pc) =	sbr.rel @p0 .LBB2_26-.Ltmp18, $3  }
0x141: {  	_ =	sdelay $0x1  }
0x142: {  	[tilespmem:s29+$0x9760] =	vst v3  }
0x143: {  	v3 =	vld [tilespmem:s26+$0x30]  }
.LBB2_27:
0x144: {  	_ =	sdelay $0x2  }
0x145: {  	s9 =	simm.s32 $0x0  }
0x146: {  	[tilespmem:s29+$0x9770] =	vst v3;
	v3 =	vmov s9  }
0x147: {  	[hbm4b:s11+s9] =	stream.linear.scatter [tilespmem:s19], [sflag:$0x3], $0x8000, $0x38;
	[tilespmem:$0x11700] =	vst v63  }
0x148: {  	_ =	swait.ge [sflag:s17], $0x8000  }
0x149: {  	[sflag:s17] =	ssyncset.done $0x0  }
0x14a: {  	[sflag:s17] =	ssyncadd.s32 $0xFFFF8000  }
0x14b: {  	v3 =	vld.idx.msk [tilespmem:v3+s30+$0x0], $0xffff;
	_ =	sdelay $0x4  }
0x14c: {  	(v2sf) =	vpush v3, $0x0;
	_ =	sdelay $0xe  }
0x14d: {  	p0 =	sne.s32 s23, $0x1;
	s31 =	spop (v2sf)  }
.Ltmp19:
0x14e: {  	s9 =	sshll.u32 s31, $0x9;
	(pc) =	sbr.rel @!p0 .LBB2_29-.Ltmp19, $4  }
0x14f: {  	s28 =	sshra.s32 s9, $0x2  }
0x150: {  	[tilespmem:s28+$0x9700] =	vst v0  }
0x151: {  	[tilespmem:s28+$0x9710] =	vst v0  }
0x152: {  	s26 =	simm.s32 $0x1;
	[tilespmem:s28+$0x9720] =	vst v0  }
.LBB2_28:
0x153: {  	v3 =	vmov s26;
	s26 =	sadd.s32 $0x1, s26;
	[tilespmem:s28+$0x9730] =	vst v0  }
0x154: {  	p0 =	sne.s32 s23, s26;
	[tilespmem:s28+$0x9740] =	vst v0  }
0x155: {  	[tilespmem:s28+$0x9750] =	vst v0  }
0x156: {  	[tilespmem:s28+$0x9760] =	vst v0  }
0x157: {  	[tilespmem:s28+$0x9770] =	vst v0  }
0x158: {  	v3 =	vld.idx.msk [tilespmem:v3+s30+$0x0], $0xffff;
	_ =	sdelay $0x5  }
0x159: {  	(v2sf) =	vpush v3, $0x0;
	_ =	sdelay $0xe  }
0x15a: {  	s9 =	spop (v2sf)  }
.Ltmp20:
0x15b: {  	s9 =	sshll.u32 s9, $0x9;
	(pc) =	sbr.rel @p0 .LBB2_28-.Ltmp20, $4  }
0x15c: {  	s28 =	sshra.s32 s9, $0x2  }
0x15d: {  	[tilespmem:s28+$0x9700] =	vst v0  }
0x15e: {  	[tilespmem:s28+$0x9710] =	vst v0  }
0x15f: {  	[tilespmem:s28+$0x9720] =	vst v0  }
.LBB2_29:
.Ltmp21:
0x160: {  	[tilespmem:s28+$0x9730] =	vst v0;
	(pc) =	sbr.rel .LBB2_30-.Ltmp21, $4  }
0x161: {  	[tilespmem:s28+$0x9740] =	vst v0  }
0x162: {  	[tilespmem:s28+$0x9750] =	vst v0  }
0x163: {  	[tilespmem:s28+$0x9760] =	vst v0  }
0x164: {  	[tilespmem:s28+$0x9770] =	vst v0  }
.LBB2_60:
0x165: {  	[hbm4b:s11+s6] =	stream.linear.scatter [tilespmem:s19], [sflag:$0x3], $0x8000, $0x38;
	[tilespmem:$0x11700] =	vst v63  }
0x166: {  	_ =	swait.ge [sflag:s17], $0x8000  }
0x167: {  	[sflag:s17] =	ssyncset.done $0x0  }
0x168: {  	[sflag:s17] =	ssyncadd.s32 $0xFFFF8000  }
.LBB2_30:
0x169: {  	s23 =	simm.s32 $0x0  }
0x16a: {  	s9 =	simm.s32 $0x40;
	v3 =	vor.u32 s8, v1;
	s26 =	simm.s32 $0x0;
	s10 =	smov.u32 s8  }
.LBB2_31:
0x16b: {  	p0 =	sne.s32 s9, $0x400  }
0x16c: {  	[tilespmem:s26+$0xC00] =	vst v3;
	s10 =	sadd.s32 $0x10, s10;
	s26 =	smov.u32 s9;
	s9 =	sadd.s32 $0x40, s9  }
.Ltmp22:
0x16d: {  	(pc) =	sbr.rel @p0 .LBB2_31-.Ltmp22, $2  }
0x16e: {  	_ =	sdelay $0x2  }
0x16f: {  	v3 =	vor.u32 s10, v1;
	s26 =	sshra.s32 s26, $0x2  }
0x170: {  	[tilespmem:s26+$0xC00] =	vst v3;
	s9 =	sand.u32 $0xF0, s23  }
0x171: {  	v3 =	vld [tilespmem:s9+$0x300];
	_ =	sdelay $0x4  }
0x172: {  	vm0 =	vgt.s32 v3, $0xFFFFFFFF  }
0x173: {  	v4 =	vsel vm0, $0x1, v2  }
0x174: {  	(xrf0) =	vadd.scan.msk.s32 $0xffff, v4;
	_ =	sdelay $0x2  }
0x175: {  	v4 =	vmov s23  }
0x176: {  	v4 =	vadd.s32 $0xFFFFFFFF, v4  }
0x177: {  	v4 =	vbroadcast v4, $0x0  }
0x178: {  	v5, _, _ =	vpop (xrf0)  }
0x179: {  	v4 =	vadd.s32 v5, v4;
	(v2sf) =	vpush v5, $0xF  }
0x17a: {  	v4 =	vnsel vm0, $0x0, v4;
	_ =	sdelay $0x2  }
0x17b: {  	vm1 =	vgt.s32 v3, $0x0  }
0x17c: {  	v3 =	vnsel vm1, $0x0, v3  }
0x17d: {  	s28 =	simm.s32 $0x10;
	[tilespmem:v4+s24+$0x0] =	vst.idx.msk vm0, v3;
	v3 =	vor.u32 s23, v1  }
0x17e: {  	s31 =	sand.u32 $0xF0, s28;
	[tilespmem:v4+s30+$0x0] =	vst.idx.msk vm0, v3  }
0x17f: {  	v3 =	vld [tilespmem:s31+$0x300];
	_ =	sdelay $0x4  }
0x180: {  	vm0 =	vgt.s32 v3, $0xFFFFFFFF  }
0x181: {  	vm1 =	vgt.s32 v3, $0x0;
	v4 =	vsel vm0, $0x1, v2  }
0x182: {  	s26 =	simm.s32 $0x20;
	v3 =	vnsel vm1, $0x0, v3;
	(xrf0) =	vadd.scan.msk.s32 $0xffff, v4;
	s9 =	spop (v2sf)  }
.LBB2_33:
0x183: {  	p0 =	sne.s32 s26, $0xF0  }
0x184: {  	s23 =	sadd.s32 s23, s9;
	s9 =	smov.u32 s26;
	s26 =	sadd.s32 $0x10, s26  }
0x185: {  	v4 =	vmov s23  }
0x186: {  	v4 =	vadd.s32 $0xFFFFFFFF, v4;
	_ =	sdelay $0x1  }
0x187: {  	v4 =	vbroadcast v4, $0x0  }
0x188: {  	v5, _, _ =	vpop (xrf0)  }
0x189: {  	v4 =	vadd.s32 v5, v4;
	(v2sf) =	vpush v5, $0xF  }
0x18a: {  	v4 =	vnsel vm0, $0x0, v4;
	_ =	sdelay $0x4  }
0x18b: {  	[tilespmem:v4+s24+$0x0] =	vst.idx.msk vm0, v3;
	v3 =	vor.u32 s28, v1;
	s28 =	smov.u32 s9  }
0x18c: {  	s9 =	sand.u32 $0xF0, s28;
	[tilespmem:v4+s30+$0x0] =	vst.idx.msk vm0, v3  }
0x18d: {  	v3 =	vld [tilespmem:s9+$0x300];
	_ =	sdelay $0x2  }
.Ltmp23:
0x18e: {  	(pc) =	sbr.rel @p0 .LBB2_33-.Ltmp23, $4  }
0x18f: {  	_ = 	snop  }
0x190: {  	vm0 =	vgt.s32 v3, $0xFFFFFFFF;
	vm1 =	vgt.s32 v3, $0x0  }
0x191: {  	v4 =	vsel vm0, $0x1, v2;
	v3 =	vnsel vm1, $0x0, v3  }
0x192: {  	(xrf0) =	vadd.scan.msk.s32 $0xffff, v4;
	s9 =	spop (v2sf)  }
0x193: {  	_ =	sdelay $0x4  }
0x194: {  	v4, _, _ =	vpop (xrf0)  }
0x195: {  	(v2sf) =	vpush v4, $0xF;
	_ =	sdelay $0xe  }
0x196: {  	s23 =	sadd.s32 s23, s9;
	s29 =	spop (v2sf)  }
0x197: {  	s31 =	sadd.s32 s23, s29  }
0x198: {  	s9 =	sadd.s32 $0xF, s31  }
0x199: {  	v5 =	vmov s23;
	s10 =	sand.u32 $0xF, s9  }
0x19a: {  	v5 =	vadd.s32 $0xFFFFFFFF, v5;
	s26 =	sshra.s32 s9, $0x1F;
	p1 =	slt.s32 s9, $0x1;
	p0 =	sne.s32 s10, $0x0  }
0x19b: {  	v5 =	vbroadcast v5, $0x0;
	s10 =	sshrl.u32 s26, $0x1C;
	p0 =	por !p1, !p0  }
0x19c: {  	s9 =	sadd.s32 s10, s9;
	s10 =	simm.s32 $0x1;
	p0 =	por !p0, !p0  }
0x19d: {  	v4 =	vadd.s32 v4, v5;
	s9 =	sshra.s32 s9, $0x4;
	s10 =	simm.s32 @!p0 $0x0  }
0x19e: {  	v4 =	vnsel vm0, $0x0, v4;
	s26 =	ssub.s32 s9, s10  }
0x19f: {  	p0 =	sgt.s32 s26, $0x0  }
.Ltmp24:
0x1a0: {  	_ = 	snop;
	(pc) =	sbr.rel @!p0 .LBB2_38-.Ltmp24, $3  }
0x1a1: {  	_ =	sdelay $0x1  }
0x1a2: {  	[tilespmem:v4+s24+$0x0] =	vst.idx.msk vm0, v3;
	v3 =	vor.u32 s28, v1  }
0x1a3: {  	[tilespmem:v4+s30+$0x0] =	vst.idx.msk vm0, v3  }
0x1a4: {  	p1 =	seq.s32 s26, $0x1  }
.Ltmp25:
0x1a5: {  	_ = 	snop;
	(pc) =	sbr.rel @p1 .LBB2_37-.Ltmp25, $4  }
0x1a6: {  	s28 =	simm.s32 $0xC00;
	s9 =	simm.s32 $0xF00  }
0x1a7: {  	[tilespmem:s9], [sflag:$0x3] =	stream.indirect.gather [hbm4b:s0+s2], $0x80, s28, s2, $0xb8;
	[tilespmem:$0x11700] =	vst v63  }
0x1a8: {  	_ =	swait.ge [sflag:s17], $0x800  }
0x1a9: {  	s10 =	sadd.s32 $0xFFFFFFFF, s26;
	[sflag:s17] =	ssyncset.done $0x0  }
.LBB2_36:
0x1aa: {  	[sflag:s17] =	ssyncadd.s32 $0xFFFFF800  }
0x1ab: {  	s28 =	sadd.s32 $0x10, s28;
	s9 =	sadd.s32 $0x800, s9;
	p1 =	seq.s32 s10, $0x1  }
.Ltmp26:
0x1ac: {  	s10 =	sadd.s32 $0xFFFFFFFF, s10;
	(pc) =	sbr.rel @!p1 .LBB2_36-.Ltmp26, $4  }
0x1ad: {  	_ = 	snop  }
0x1ae: {  	[tilespmem:s9], [sflag:$0x3] =	stream.indirect.gather [hbm4b:s0+s2], $0x80, s28, s2, $0xb8;
	[tilespmem:$0x11700] =	vst v63  }
0x1af: {  	_ =	swait.ge [sflag:s17], $0x800  }
0x1b0: {  	[sflag:s17] =	ssyncset.done $0x0  }
.LBB2_37:
0x1b1: {  	[sflag:s17] =	ssyncadd.s32 $0xFFFFF800  }
.LBB2_38:
0x1b2: {  	p1 =	slt.s32 s31, $0x1  }
.Ltmp27:
0x1b3: {  	_ = 	snop;
	(pc) =	sbr.rel @p1 .LBB2_44-.Ltmp27, $2  }
0x1b4: {  	_ =	sdelay $0x2  }
0x1b5: {  	s23 =	sadd.s32 s23, s29  }
0x1b6: {  	s9 =	simm.s32 $0x0  }
0x1b7: {  	v3 =	vmov s9;
	_ =	sdelay $0x4  }
0x1b8: {  	v3 =	vld.idx.msk [tilespmem:v3+s30+$0x0], $0xffff;
	_ =	sdelay $0x4  }
0x1b9: {  	(v2sf) =	vpush v3, $0x0;
	_ =	sdelay $0xb  }
0x1ba: {  	s28 =	simm.s32 $0xF40  }
0x1bb: {  	v3 =	vld [tilespmem:s28+$0xFFFFFFC0];
	_ =	sdelay $0x1  }
0x1bc: {  	s10 =	spop (v2sf)  }
0x1bd: {  	s9 =	sshll.u32 s10, $0x9  }
0x1be: {  	s31 =	sshra.s32 s9, $0x2  }
0x1bf: {  	[tilespmem:s31+$0x9700] =	vst v3  }
0x1c0: {  	v3 =	vld [tilespmem:s28+$0xFFFFFFD0];
	_ =	sdelay $0x4  }
0x1c1: {  	[tilespmem:s31+$0x9710] =	vst v3  }
0x1c2: {  	v3 =	vld [tilespmem:s28+$0xFFFFFFE0];
	_ =	sdelay $0x4  }
0x1c3: {  	[tilespmem:s31+$0x9720] =	vst v3  }
0x1c4: {  	v3 =	vld [tilespmem:s28+$0xFFFFFFF0];
	_ =	sdelay $0x4  }
0x1c5: {  	[tilespmem:s31+$0x9730] =	vst v3  }
0x1c6: {  	v3 =	vld [tilespmem:s28+$0x0];
	_ =	sdelay $0x4  }
0x1c7: {  	[tilespmem:s31+$0x9740] =	vst v3  }
0x1c8: {  	v3 =	vld [tilespmem:s28+$0x10];
	_ =	sdelay $0x4  }
0x1c9: {  	[tilespmem:s31+$0x9750] =	vst v3  }
0x1ca: {  	v3 =	vld [tilespmem:s28+$0x20]  }
0x1cb: {  	p2 =	sne.s32 s23, $0x1  }
.Ltmp28:
0x1cc: {  	_ = 	snop;
	(pc) =	sbr.rel @!p2 .LBB2_41-.Ltmp28, $3  }
0x1cd: {  	_ =	sdelay $0x1  }
0x1ce: {  	[tilespmem:s31+$0x9760] =	vst v3  }
0x1cf: {  	s29 =	simm.s32 $0x1;
	v3 =	vld [tilespmem:s28+$0x30]  }
.LBB2_40:
0x1d0: {  	v4 =	vmov s29;
	s29 =	sadd.s32 $0x1, s29  }
0x1d1: {  	p2 =	sne.s32 s23, s29;
	_ =	sdelay $0x2  }
0x1d2: {  	[tilespmem:s31+$0x9770] =	vst v3  }
0x1d3: {  	v3 =	vld.idx.msk [tilespmem:v4+s30+$0x0], $0xffff;
	_ =	sdelay $0x5  }
0x1d4: {  	(v2sf) =	vpush v3, $0x0;
	_ =	sdelay $0xb  }
0x1d5: {  	s28 =	sadd.s32 $0x80, s28  }
0x1d6: {  	v3 =	vld [tilespmem:s28+$0xFFFFFFC0];
	_ =	sdelay $0x1  }
0x1d7: {  	s9 =	spop (v2sf)  }
0x1d8: {  	s9 =	sshll.u32 s9, $0x9  }
0x1d9: {  	s31 =	sshra.s32 s9, $0x2  }
0x1da: {  	[tilespmem:s31+$0x9700] =	vst v3  }
0x1db: {  	v3 =	vld [tilespmem:s28+$0xFFFFFFD0];
	_ =	sdelay $0x4  }
0x1dc: {  	[tilespmem:s31+$0x9710] =	vst v3  }
0x1dd: {  	v3 =	vld [tilespmem:s28+$0xFFFFFFE0];
	_ =	sdelay $0x4  }
0x1de: {  	[tilespmem:s31+$0x9720] =	vst v3  }
0x1df: {  	v3 =	vld [tilespmem:s28+$0xFFFFFFF0];
	_ =	sdelay $0x4  }
0x1e0: {  	[tilespmem:s31+$0x9730] =	vst v3  }
0x1e1: {  	v3 =	vld [tilespmem:s28+$0x0];
	_ =	sdelay $0x4  }
0x1e2: {  	[tilespmem:s31+$0x9740] =	vst v3  }
0x1e3: {  	v3 =	vld [tilespmem:s28+$0x10];
	_ =	sdelay $0x4  }
0x1e4: {  	[tilespmem:s31+$0x9750] =	vst v3  }
0x1e5: {  	v3 =	vld [tilespmem:s28+$0x20];
	_ =	sdelay $0x1  }
.Ltmp29:
0x1e6: {  	(pc) =	sbr.rel @p2 .LBB2_40-.Ltmp29, $3  }
0x1e7: {  	_ =	sdelay $0x1  }
0x1e8: {  	[tilespmem:s31+$0x9760] =	vst v3  }
0x1e9: {  	v3 =	vld [tilespmem:s28+$0x30]  }
.LBB2_41:
0x1ea: {  	_ =	sdelay $0x2  }
0x1eb: {  	s9 =	simm.s32 $0x0  }
0x1ec: {  	[tilespmem:s31+$0x9770] =	vst v3;
	v3 =	vmov s9  }
0x1ed: {  	[hbm4b:s12+s9] =	stream.linear.scatter [tilespmem:s19], [sflag:$0x3], $0x8000, $0x38;
	[tilespmem:$0x11700] =	vst v63  }
0x1ee: {  	_ =	swait.ge [sflag:s17], $0x8000  }
0x1ef: {  	[sflag:s17] =	ssyncset.done $0x0  }
0x1f0: {  	[sflag:s17] =	ssyncadd.s32 $0xFFFF8000  }
0x1f1: {  	v3 =	vld.idx.msk [tilespmem:v3+s30+$0x0], $0xffff;
	_ =	sdelay $0x4  }
0x1f2: {  	(v2sf) =	vpush v3, $0x0;
	_ =	sdelay $0xe  }
0x1f3: {  	p2 =	seq.s32 s23, $0x1;
	s31 =	spop (v2sf)  }
.Ltmp30:
0x1f4: {  	s9 =	sshll.u32 s31, $0x9;
	(pc) =	sbr.rel @p2 .LBB2_43-.Ltmp30, $4  }
0x1f5: {  	s29 =	sshra.s32 s9, $0x2  }
0x1f6: {  	[tilespmem:s29+$0x9700] =	vst v0  }
0x1f7: {  	[tilespmem:s29+$0x9710] =	vst v0  }
0x1f8: {  	s28 =	simm.s32 $0x1;
	[tilespmem:s29+$0x9720] =	vst v0  }
.LBB2_42:
0x1f9: {  	v3 =	vmov s28;
	s28 =	sadd.s32 $0x1, s28;
	[tilespmem:s29+$0x9730] =	vst v0  }
0x1fa: {  	p2 =	seq.s32 s23, s28;
	[tilespmem:s29+$0x9740] =	vst v0  }
0x1fb: {  	[tilespmem:s29+$0x9750] =	vst v0  }
0x1fc: {  	[tilespmem:s29+$0x9760] =	vst v0  }
0x1fd: {  	[tilespmem:s29+$0x9770] =	vst v0  }
0x1fe: {  	v3 =	vld.idx.msk [tilespmem:v3+s30+$0x0], $0xffff;
	_ =	sdelay $0x5  }
0x1ff: {  	(v2sf) =	vpush v3, $0x0;
	_ =	sdelay $0xe  }
0x200: {  	s9 =	spop (v2sf)  }
.Ltmp31:
0x201: {  	s9 =	sshll.u32 s9, $0x9;
	(pc) =	sbr.rel @!p2 .LBB2_42-.Ltmp31, $4  }
0x202: {  	s29 =	sshra.s32 s9, $0x2  }
0x203: {  	[tilespmem:s29+$0x9700] =	vst v0  }
0x204: {  	[tilespmem:s29+$0x9710] =	vst v0  }
0x205: {  	[tilespmem:s29+$0x9720] =	vst v0  }
.LBB2_43:
.Ltmp32:
0x206: {  	[tilespmem:s29+$0x9730] =	vst v0;
	(pc) =	sbr.rel .LBB2_45-.Ltmp32, $4  }
0x207: {  	[tilespmem:s29+$0x9740] =	vst v0  }
0x208: {  	[tilespmem:s29+$0x9750] =	vst v0  }
0x209: {  	[tilespmem:s29+$0x9760] =	vst v0  }
0x20a: {  	[tilespmem:s29+$0x9770] =	vst v0  }
.LBB2_44:
0x20b: {  	[hbm4b:s12+s6] =	stream.linear.scatter [tilespmem:s19], [sflag:$0x3], $0x8000, $0x38;
	[tilespmem:$0x11700] =	vst v63  }
0x20c: {  	_ =	swait.ge [sflag:s17], $0x8000  }
0x20d: {  	[sflag:s17] =	ssyncset.done $0x0  }
0x20e: {  	[sflag:s17] =	ssyncadd.s32 $0xFFFF8000  }
.LBB2_45:
.Ltmp33:
0x20f: {  	(pc) =	sbr.rel @!p0 .LBB2_49-.Ltmp33, $1  }
0x210: {  	_ =	sdelay $0x3  }
0x211: {  	p0 =	seq.s32 s26, $0x1  }
.Ltmp34:
0x212: {  	_ = 	snop;
	(pc) =	sbr.rel @p0 .LBB2_48-.Ltmp34, $4  }
0x213: {  	s28 =	simm.s32 $0xC00;
	s9 =	simm.s32 $0xF00  }
0x214: {  	[tilespmem:s9], [sflag:$0x3] =	stream.indirect.gather [hbm4b:s1+s2], $0x80, s28, s2, $0xb8;
	[tilespmem:$0x11700] =	vst v63  }
0x215: {  	_ =	swait.ge [sflag:s17], $0x800  }
0x216: {  	s10 =	sadd.s32 $0xFFFFFFFF, s26;
	[sflag:s17] =	ssyncset.done $0x0  }
.LBB2_47:
0x217: {  	[sflag:s17] =	ssyncadd.s32 $0xFFFFF800  }
0x218: {  	s28 =	sadd.s32 $0x10, s28;
	s9 =	sadd.s32 $0x800, s9;
	p0 =	seq.s32 s10, $0x1  }
.Ltmp35:
0x219: {  	s10 =	sadd.s32 $0xFFFFFFFF, s10;
	(pc) =	sbr.rel @!p0 .LBB2_47-.Ltmp35, $4  }
0x21a: {  	_ = 	snop  }
0x21b: {  	[tilespmem:s9], [sflag:$0x3] =	stream.indirect.gather [hbm4b:s1+s2], $0x80, s28, s2, $0xb8;
	[tilespmem:$0x11700] =	vst v63  }
0x21c: {  	_ =	swait.ge [sflag:s17], $0x800  }
0x21d: {  	[sflag:s17] =	ssyncset.done $0x0  }
.LBB2_48:
0x21e: {  	[sflag:s17] =	ssyncadd.s32 $0xFFFFF800  }
.LBB2_49:
.Ltmp36:
0x21f: {  	(pc) =	sbr.rel @p1 .LBB2_55-.Ltmp36, $1  }
0x220: {  	_ =	sdelay $0x3  }
0x221: {  	s9 =	simm.s32 $0x0  }
0x222: {  	v3 =	vmov s9;
	_ =	sdelay $0x4  }
0x223: {  	v3 =	vld.idx.msk [tilespmem:v3+s30+$0x0], $0xffff;
	_ =	sdelay $0x4  }
0x224: {  	(v2sf) =	vpush v3, $0x0;
	_ =	sdelay $0xb  }
0x225: {  	s26 =	simm.s32 $0xF40  }
0x226: {  	v3 =	vld [tilespmem:s26+$0xFFFFFFC0];
	_ =	sdelay $0x1  }
0x227: {  	s31 =	spop (v2sf)  }
0x228: {  	s9 =	sshll.u32 s31, $0x9  }
0x229: {  	s29 =	sshra.s32 s9, $0x2  }
0x22a: {  	[tilespmem:s29+$0x9700] =	vst v3  }
0x22b: {  	v3 =	vld [tilespmem:s26+$0xFFFFFFD0];
	_ =	sdelay $0x4  }
0x22c: {  	[tilespmem:s29+$0x9710] =	vst v3  }
0x22d: {  	v3 =	vld [tilespmem:s26+$0xFFFFFFE0];
	_ =	sdelay $0x4  }
0x22e: {  	[tilespmem:s29+$0x9720] =	vst v3  }
0x22f: {  	v3 =	vld [tilespmem:s26+$0xFFFFFFF0];
	_ =	sdelay $0x4  }
0x230: {  	[tilespmem:s29+$0x9730] =	vst v3  }
0x231: {  	v3 =	vld [tilespmem:s26+$0x0];
	_ =	sdelay $0x4  }
0x232: {  	[tilespmem:s29+$0x9740] =	vst v3  }
0x233: {  	v3 =	vld [tilespmem:s26+$0x10];
	_ =	sdelay $0x4  }
0x234: {  	[tilespmem:s29+$0x9750] =	vst v3  }
0x235: {  	v3 =	vld [tilespmem:s26+$0x20]  }
0x236: {  	p0 =	sne.s32 s23, $0x1  }
.Ltmp37:
0x237: {  	_ = 	snop;
	(pc) =	sbr.rel @!p0 .LBB2_52-.Ltmp37, $3  }
0x238: {  	_ =	sdelay $0x1  }
0x239: {  	[tilespmem:s29+$0x9760] =	vst v3  }
0x23a: {  	s28 =	simm.s32 $0x1;
	v3 =	vld [tilespmem:s26+$0x30]  }
.LBB2_51:
0x23b: {  	v4 =	vmov s28;
	s28 =	sadd.s32 $0x1, s28  }
0x23c: {  	p0 =	sne.s32 s23, s28;
	_ =	sdelay $0x2  }
0x23d: {  	[tilespmem:s29+$0x9770] =	vst v3  }
0x23e: {  	v3 =	vld.idx.msk [tilespmem:v4+s30+$0x0], $0xffff;
	_ =	sdelay $0x5  }
0x23f: {  	(v2sf) =	vpush v3, $0x0;
	_ =	sdelay $0xb  }
0x240: {  	s26 =	sadd.s32 $0x80, s26  }
0x241: {  	v3 =	vld [tilespmem:s26+$0xFFFFFFC0];
	_ =	sdelay $0x1  }
0x242: {  	s9 =	spop (v2sf)  }
0x243: {  	s9 =	sshll.u32 s9, $0x9  }
0x244: {  	s29 =	sshra.s32 s9, $0x2  }
0x245: {  	[tilespmem:s29+$0x9700] =	vst v3  }
0x246: {  	v3 =	vld [tilespmem:s26+$0xFFFFFFD0];
	_ =	sdelay $0x4  }
0x247: {  	[tilespmem:s29+$0x9710] =	vst v3  }
0x248: {  	v3 =	vld [tilespmem:s26+$0xFFFFFFE0];
	_ =	sdelay $0x4  }
0x249: {  	[tilespmem:s29+$0x9720] =	vst v3  }
0x24a: {  	v3 =	vld [tilespmem:s26+$0xFFFFFFF0];
	_ =	sdelay $0x4  }
0x24b: {  	[tilespmem:s29+$0x9730] =	vst v3  }
0x24c: {  	v3 =	vld [tilespmem:s26+$0x0];
	_ =	sdelay $0x4  }
0x24d: {  	[tilespmem:s29+$0x9740] =	vst v3  }
0x24e: {  	v3 =	vld [tilespmem:s26+$0x10];
	_ =	sdelay $0x4  }
0x24f: {  	[tilespmem:s29+$0x9750] =	vst v3  }
0x250: {  	v3 =	vld [tilespmem:s26+$0x20];
	_ =	sdelay $0x1  }
.Ltmp38:
0x251: {  	(pc) =	sbr.rel @p0 .LBB2_51-.Ltmp38, $3  }
0x252: {  	_ =	sdelay $0x1  }
0x253: {  	[tilespmem:s29+$0x9760] =	vst v3  }
0x254: {  	v3 =	vld [tilespmem:s26+$0x30]  }
.LBB2_52:
0x255: {  	_ =	sdelay $0x2  }
0x256: {  	s9 =	simm.s32 $0x0  }
0x257: {  	[tilespmem:s29+$0x9770] =	vst v3;
	v3 =	vmov s9  }
0x258: {  	[hbm4b:s13+s9] =	stream.linear.scatter [tilespmem:s19], [sflag:$0x3], $0x8000, $0x38;
	[tilespmem:$0x11700] =	vst v63  }
0x259: {  	_ =	swait.ge [sflag:s17], $0x8000  }
0x25a: {  	[sflag:s17] =	ssyncset.done $0x0  }
0x25b: {  	[sflag:s17] =	ssyncadd.s32 $0xFFFF8000  }
0x25c: {  	v3 =	vld.idx.msk [tilespmem:v3+s30+$0x0], $0xffff;
	_ =	sdelay $0x4  }
0x25d: {  	(v2sf) =	vpush v3, $0x0;
	_ =	sdelay $0xe  }
0x25e: {  	p0 =	seq.s32 s23, $0x1;
	s31 =	spop (v2sf)  }
.Ltmp39:
0x25f: {  	s9 =	sshll.u32 s31, $0x9;
	(pc) =	sbr.rel @p0 .LBB2_54-.Ltmp39, $4  }
0x260: {  	s28 =	sshra.s32 s9, $0x2  }
0x261: {  	[tilespmem:s28+$0x9700] =	vst v0  }
0x262: {  	[tilespmem:s28+$0x9710] =	vst v0  }
0x263: {  	s26 =	simm.s32 $0x1;
	[tilespmem:s28+$0x9720] =	vst v0  }
.LBB2_53:
0x264: {  	v3 =	vmov s26;
	s26 =	sadd.s32 $0x1, s26;
	[tilespmem:s28+$0x9730] =	vst v0  }
0x265: {  	p0 =	seq.s32 s23, s26;
	[tilespmem:s28+$0x9740] =	vst v0  }
0x266: {  	[tilespmem:s28+$0x9750] =	vst v0  }
0x267: {  	[tilespmem:s28+$0x9760] =	vst v0  }
0x268: {  	[tilespmem:s28+$0x9770] =	vst v0  }
0x269: {  	v3 =	vld.idx.msk [tilespmem:v3+s30+$0x0], $0xffff;
	_ =	sdelay $0x5  }
0x26a: {  	(v2sf) =	vpush v3, $0x0;
	_ =	sdelay $0xe  }
0x26b: {  	s9 =	spop (v2sf)  }
.Ltmp40:
0x26c: {  	s9 =	sshll.u32 s9, $0x9;
	(pc) =	sbr.rel @!p0 .LBB2_53-.Ltmp40, $4  }
0x26d: {  	s28 =	sshra.s32 s9, $0x2  }
0x26e: {  	[tilespmem:s28+$0x9700] =	vst v0  }
0x26f: {  	[tilespmem:s28+$0x9710] =	vst v0  }
0x270: {  	[tilespmem:s28+$0x9720] =	vst v0  }
.LBB2_54:
.Ltmp41:
0x271: {  	[tilespmem:s28+$0x9730] =	vst v0;
	(pc) =	sbr.rel .LBB2_56-.Ltmp41, $4  }
0x272: {  	[tilespmem:s28+$0x9740] =	vst v0  }
0x273: {  	[tilespmem:s28+$0x9750] =	vst v0  }
0x274: {  	[tilespmem:s28+$0x9760] =	vst v0  }
0x275: {  	[tilespmem:s28+$0x9770] =	vst v0  }
.LBB2_55:
0x276: {  	[hbm4b:s13+s6] =	stream.linear.scatter [tilespmem:s19], [sflag:$0x3], $0x8000, $0x38;
	[tilespmem:$0x11700] =	vst v63  }
0x277: {  	_ =	swait.ge [sflag:s17], $0x8000  }
0x278: {  	[sflag:s17] =	ssyncset.done $0x0  }
0x279: {  	[sflag:s17] =	ssyncadd.s32 $0xFFFF8000  }
.LBB2_56:
0x27a: {  	_ =	swait.ge [sflag:s21], $0x80  }
0x27b: {  	[sflag:s21] =	ssyncset.done $0x0  }
0x27c: {  	[sflag:s21] =	ssyncadd.s32 $0xFFFFFF80  }
0x27d: {  	_ =	swait.ge [sflag:s21], $0x80  }
0x27e: {  	[sflag:s21] =	ssyncset.done $0x0  }
0x27f: {  	[sflag:s21] =	ssyncadd.s32 $0xFFFFFF80  }
0x280: {  	_ =	swait.ge [sflag:s21], $0x80  }
0x281: {  	[sflag:s21] =	ssyncset.done $0x0  }
0x282: {  	[sflag:s21] =	ssyncadd.s32 $0xFFFFFF80  }
0x283: {  	_ =	swait.ge [sflag:s21], $0x80  }
0x284: {  	[sflag:s21] =	ssyncset.done $0x0  }
0x285: {  	[sflag:s21] =	ssyncadd.s32 $0xFFFFFF80  }
0x286: {  	_ =	swait.ge [sflag:s21], $0x80  }
0x287: {  	[sflag:s21] =	ssyncset.done $0x0  }
0x288: {  	[sflag:s21] =	ssyncadd.s32 $0xFFFFFF80  }
0x289: {  	_ =	swait.ge [sflag:s21], $0x80  }
0x28a: {  	[sflag:s21] =	ssyncset.done $0x0  }
0x28b: {  	[sflag:s21] =	ssyncadd.s32 $0xFFFFFF80  }
0x28c: {  	_ =	swait.ge [sflag:s21], $0x80  }
0x28d: {  	[sflag:s21] =	ssyncset.done $0x0  }
0x28e: {  	[sflag:s21] =	ssyncadd.s32 $0xFFFFFF80  }
0x28f: {  	_ =	swait.ge [sflag:s21], $0x80  }
0x290: {  	[sflag:s21] =	ssyncset.done $0x0  }
0x291: {  	s23 =	simm.s32 $0x0;
	[sflag:s21] =	ssyncadd.s32 $0xFFFFFF80  }
0x292: {  	v5 =	vld [tilespmem:s23+$0x600];
	_ =	sdelay $0x1  }
0x293: {  	v6 =	vld [tilespmem:s23+$0xA00]  }
0x294: {  	v3 =	vld [tilespmem:s23+$0x800];
	_ =	sdelay $0x1  }
0x295: {  	v4 =	vtrunc.f32 v5  }
0x296: {  	v4 =	vcvt.f32.s32 v4  }
0x297: {  	s26 =	simm.s32 $0x10;
	s9 =	simm.s32 $0x80;
	s28 =	simm.s32 $0x800;
	v5 =	vmul.f32 v6, v5  }
.LBB2_57:
0x298: {  	p0 =	sne.s32 s9, $0x7C0;
	v6 =	vld [tilespmem:s26+$0x600];
	v3 =	vmul.u32 v4, v3  }
0x299: {  	[tilespmem:s23+$0xA00] =	vst v5  }
0x29a: {  	v5 =	vld [tilespmem:s26+$0xA00];
	[tilespmem:s23+$0x800] =	vst v3;
	s23 =	smov.u32 s26  }
.Ltmp42:
0x29b: {  	v3 =	vld [tilespmem:s23+$0x800];
	(pc) =	sbr.rel @p0 .LBB2_57-.Ltmp42, $4  }
0x29c: {  	_ = 	snop  }
0x29d: {  	v4 =	vtrunc.f32 v6  }
0x29e: {  	v4 =	vcvt.f32.s32 v4  }
0x29f: {  	s26 =	sshra.s32 s9, $0x2;
	s9 =	sadd.s32 $0x40, s9;
	v5 =	vmul.f32 v5, v6  }
0x2a0: {  	v6 =	vld [tilespmem:s26+$0x600];
	v3 =	vmul.u32 v4, v3  }
0x2a1: {  	[tilespmem:s23+$0xA00] =	vst v5  }
0x2a2: {  	v62 =	vld [tilespmem:s26+$0xA00];
	[tilespmem:s23+$0x800] =	vst v3  }
0x2a3: {  	v3 =	vld [tilespmem:s26+$0x800];
	_ =	sdelay $0x1  }
0x2a4: {  	v63 =	vtrunc.f32 v6  }
0x2a5: {  	v5 =	vcvt.f32.s32 v63  }
0x2a6: {  	v4 =	vmul.f32 v62, v6  }
0x2a7: {  	v3 =	vmul.u32 v5, v3  }
0x2a8: {  	[tilespmem:s26+$0xA00] =	vst v4  }
0x2a9: {  	[tilespmem:s26+$0x800] =	vst v3  }
0x2aa: {  	[hbm4b:s14+s6] =	stream.linear.scatter [tilespmem:s28], [sflag:$0x3], $0x200, $0x38;
	[tilespmem:$0x11700] =	vst v63  }
0x2ab: {  	s22 =	sadd.s32 $0x1, s22;
	_ =	swait.ge [sflag:s17], $0x200  }
0x2ac: {  	p0 =	sne.s32 s22, s16;
	[sflag:s17] =	ssyncset.done $0x0  }
.Ltmp43:
0x2ad: {  	[sflag:s17] =	ssyncadd.s32 $0xFFFFFE00;
	(pc) =	sbr.rel @p0 .LBB2_1-.Ltmp43, $4  }
0x2ae: {  	[hbm4b:s15+s6] =	stream.linear.scatter [tilespmem:s20], [sflag:$0x3], $0x200, $0x38;
	[tilespmem:$0x11700] =	vst v63  }
0x2af: {  	_ =	swait.ge [sflag:s17], $0x200  }
0x2b0: {  	[sflag:s17] =	ssyncset.done $0x0  }
0x2b1: {  	[sflag:s17] =	ssyncadd.s32 $0xFFFFFE00  }
0x2b2: {  	_ =	sfence.sel $0x180000  }
0x2b3: {  	[bflag:$0x0] =	sbarrier.arrive $0xFFFF  }
0x2b4: {  	_ =	strace $0x9000004A  }
0x2b5: {  	s0 =	stileid.u32;
	[bflag:$0x2] =	sbarrier.arrive $0xFFFF  }
0x2b6: {  	p0 =	sne.s32 s0, $0x0;
	s0 =	rddreg [dreg:$0xa]  }
0x2b7: {  	s0 =	sadd.s32 @!p0 $0x100000, s0  }
0x2b8: {  	[sflag:s0] =	ssyncadd.tile.s32 @!p0 $0x1;
	_ =	shalt  }
.Lfunc_end2:
_tile_overlayer_lowered:
.L_overlay_start_2:
0x2b9: {  	(tag) =	ssettag $0x2  }
0x2ba: {  	s0 =	rddreg [dreg:$0x0];
	s2 =	stileid.u32  }
0x2bb: {  	s1 =	rddreg [dreg:$0x1];
	p0 =	sne.s32 s2, $0x0  }
0x2bc: {  	s3 =	rddreg [dreg:$0x2];
	[bflag:$0x3] =	sbarrier.arrive $0xFFFF;
	s2 =	simm.s32 @!p0 $0x1C03  }
0x2bd: {  	[timem:s3], [sflag:s2] =	dma.local @!p0 [hbm:s0], s1  }
0x2be: {  	s0 =	simm.s32 @!p0 $0x3  }
0x2bf: {  	_ =	swait.ge @!p0 [sflag:s0], s1  }
0x2c0: {  	s1 =	ssub.s32 @!p0 $0x0, s1;
	[sflag:s0] =	ssyncset.done @!p0 $0x0  }
0x2c1: {  	[sflag:s0] =	ssyncadd.s32 @!p0 s1  }
0x2c2: {  	[bflag:$0x3] =	sbarrier.arrive $0xFFFF  }
0x2c3: {  	_ =	shalt  }

</sc_bundles>
